<compile_context>
chip_gen: v7x
topology: tpu7x:2x2x1
jax: 0.10.2.dev20260603
libtpu: 0.0.44.dev20260713+nightly
codegen_flags: <defaults>
</compile_context>

<pallas_src>
import functools

import jax
import jax.numpy as jnp
from jax import lax
from jax.experimental import pallas as pl
from jax.experimental.pallas import tpu as pltpu
from jax.experimental.pallas import tpu_sc as plsc

_B, _L, _D, _E, _R = 8, 512, 512, 16384, 64
_LN1_EPS = 1e-06
_LN2_EPS = 1e-05
_INV_SQRT_D = 1.0 / (512.0 ** 0.5)

_NT = 8
_TR = _L // _NT
_NW = 32

_CT = (((1,), (1,)), ((), ()))


def _make_pre_body(hh):
    def _pre_body(h_ref, ei_ref, r_ref, ln1w_ref, ln1b_ref, wq_ref,
                  bq_ref, wk_ref, wv_ref, rel_ref,
                  xn_ref, v_ref, s_ref, qr_ref, pk_ref, *seed_ref):
        _pre_common(hh, h_ref, ei_ref, r_ref, ln1w_ref, ln1b_ref, wq_ref,
                    bq_ref, wk_ref, wv_ref, rel_ref,
                    xn_ref, v_ref, s_ref, qr_ref, pk_ref,
                    seed_ref[0] if seed_ref else None)
    return _pre_body


def _pre_common(hh, h_ref, ei_ref, r_ref, ln1w_ref, ln1b_ref, wq_ref,
                bq_ref, wk_ref, wv_ref, rel_ref,
                xn_ref, v_ref, s_ref, qr_ref, pk_ref, seed_ref):
    x = h_ref[0]
    mu = jnp.mean(x, axis=-1, keepdims=True)
    var = jnp.mean((x - mu) ** 2, axis=-1, keepdims=True)
    xn = (x - mu) / jnp.sqrt(var + _LN1_EPS) * ln1w_ref[...] + ln1b_ref[...]
    q = lax.dot_general(xn, wq_ref[...], _CT,
                        preferred_element_type=jnp.float32) + bq_ref[...]
    k = lax.dot_general(xn, wk_ref[...], _CT, preferred_element_type=jnp.float32)
    v = lax.dot_general(xn, wv_ref[...], _CT, preferred_element_type=jnp.float32)
    s = lax.dot_general(q, k, _CT,
                        preferred_element_type=jnp.float32) * _INV_SQRT_D
    qr = lax.dot_general(q, rel_ref[...], _CT,
                         preferred_element_type=jnp.float32) * _INV_SQRT_D
    c = jnp.max(s, axis=1, keepdims=True) + jnp.max(qr, axis=1, keepdims=True)
    xn_ref[0] = xn
    v_ref[0] = v
    if seed_ref is not None:
        seed_ref[0] = xn
    s_ref[0] = jnp.exp(s - c)
    qr_ref[0] = jnp.exp(qr)

    @pl.when(pl.program_id(0) == 0)
    def _():
        rv = r_ref[pl.ds(hh * (_B // 2), _B // 2), :]
        pk_ref[...] = (ei_ref[:, 1] << 15) | (ei_ref[:, 0] << 6) | rv


def _post_body(a_ref, p_ref, v_ref, rel_ref, wo_ref, bo_ref, xn_ref,
               ln2w_ref, ln2b_ref, h_ref, prev_ref, out_ref):
    del prev_ref
    amat = a_ref[0]
    denom = jnp.sum(amat, axis=1, keepdims=True)
    agg = (jnp.dot(amat.astype(jnp.bfloat16), v_ref[0].astype(jnp.bfloat16),
                   preferred_element_type=jnp.float32)
           + jnp.dot(p_ref[0].astype(jnp.bfloat16), rel_ref[...],
                     preferred_element_type=jnp.float32))
    agg = agg / jnp.maximum(denom, 1e-12)
    o = lax.dot_general(agg.astype(jnp.bfloat16), wo_ref[...], _CT,
                        preferred_element_type=jnp.float32) + bo_ref[...]
    y = xn_ref[0] + o
    mu = jnp.mean(y, axis=-1, keepdims=True)
    var = jnp.mean((y - mu) ** 2, axis=-1, keepdims=True)
    z = (y - mu) / jnp.sqrt(var + _LN2_EPS) * ln2w_ref[...] + ln2b_ref[...]
    out_ref[0] = h_ref[0] + jnp.where(z > 0, z, jnp.exp(jnp.minimum(z, 0.0)) - 1.0)


def _edge_kernel_body(nb, s_hbm, qr_hbm, pk_hbm, a_hbm, p_hbm,
                      s_v, qr_v, a_v, p_v, pk_v, sem):
    wid = lax.axis_index("c") * 16 + lax.axis_index("s")

    def assignment(j, carry):
        a = wid + _NW * j
        b = a // _NT
        t = a % _NT
        lo = t * _TR
        c1 = pltpu.async_copy(s_hbm.at[b, pl.ds(lo, _TR)], s_v, sem)
        c2 = pltpu.async_copy(qr_hbm.at[b, pl.ds(lo, _TR)], qr_v, sem)
        c5 = pltpu.async_copy(pk_hbm.at[b], pk_v, sem)

        z16 = jnp.zeros((16,), jnp.float32)

        def zero_all(i):
            rr = i >> 5
            cc = (i & 31) * 16
            a_v[rr, pl.ds(cc, 16)] = z16

        def zero_p(i):
            rr = i >> 2
            cc = (i & 3) * 16
            p_v[rr, pl.ds(cc, 16)] = z16

        plsc.parallel_loop(0, (_TR * _L) // 16, 1, unroll=8)(zero_all)
        plsc.parallel_loop(0, (_TR * _R) // 16, 1, unroll=8)(zero_p)
        c1.wait(); c2.wait(); c5.wait()

        def vec(i):
            p = pk_v[pl.ds(i * 16, 16)]
            d = p >> 15
            dloc = d - lo
            m = (dloc >= 0) & (dloc < _TR)
            dl = dloc & (_TR - 1)
            src = (p >> 6) & 511
            r = p & 63
            sv = plsc.load_gather(s_v, [dl, src], mask=m)
            qv = plsc.load_gather(qr_v, [dl, r], mask=m)
            ex = sv * qv
            plsc.addupdate_scatter(a_v, [dl, src], ex, mask=m)
            plsc.addupdate_scatter(p_v, [dl, r], ex, mask=m)

        plsc.parallel_loop(0, _E // 16, 1, unroll=8)(vec)

        pltpu.sync_copy(a_v, a_hbm.at[b, pl.ds(lo, _TR)])
        pltpu.sync_copy(p_v, p_hbm.at[b, pl.ds(lo, _TR)])
        return carry

    lax.fori_loop(0, (nb * _NT) // _NW, assignment, 0)


@functools.lru_cache(maxsize=2)
def _edge_kernel(nb):
    mesh = plsc.VectorSubcoreMesh(core_axis_name="c", subcore_axis_name="s")
    return pl.kernel(
        functools.partial(_edge_kernel_body, nb),
        out_type=(jax.ShapeDtypeStruct((nb, _L, _L), jnp.float32),
                  jax.ShapeDtypeStruct((nb, _L, _R), jnp.float32)),
        mesh=mesh,
        scratch_types=[
            pltpu.VMEM((_TR, _L), jnp.float32),
            pltpu.VMEM((_TR, _R), jnp.float32),
            pltpu.VMEM((_TR, _L), jnp.float32),
            pltpu.VMEM((_TR, _R), jnp.float32),
            pltpu.VMEM((_E,), jnp.int32),
            pltpu.SemaphoreType.DMA,
        ],
        compiler_params=pltpu.CompilerParams(needs_layout_passes=False),
    )


def kernel(hidden_states, edge_index, edge_rel, rel_table, Wq, bq, Wk, Wv,
           Wo, bo, ln1_w, ln1_b, ln2_w, ln2_b):
    ei = edge_index.astype(jnp.int32)
    rel = edge_rel.astype(jnp.int32)
    bf = lambda a: a.astype(jnp.bfloat16)

    row = lambda a: a.reshape(1, -1)
    full2 = lambda shape: pl.BlockSpec(shape, lambda b: (0, 0))
    per_g = lambda shape: pl.BlockSpec(shape, lambda b: (b, 0, 0))

    _HB = _B // 2
    out = None
    for hh in (0, 1):
        off_g = lambda shape, _h=hh: pl.BlockSpec(
            shape, lambda b, __h=_h: (b + _HB * __h, 0, 0))
        outs = pl.pallas_call(
            _make_pre_body(hh),
            grid=(_HB,),
            in_specs=[
                off_g((1, _L, _D)),
                pl.BlockSpec((_HB, 2, _E), lambda b, _h=hh: (_h, 0, 0)),
                full2((_B, _E)),
                full2((1, _D)), full2((1, _D)),
                full2((_D, _D)), full2((1, _D)),
                full2((_D, _D)), full2((_D, _D)),
                full2((_R, _D)),
            ],
            out_specs=[
                per_g((1, _L, _D)), per_g((1, _L, _D)),
                per_g((1, _L, _L)), per_g((1, _L, _R)),
                pl.BlockSpec((_HB, _E), lambda b: (0, 0)),
            ] + ([per_g((1, _L, _D))] if hh == 0 else []),
            out_shape=[
                jax.ShapeDtypeStruct((_HB, _L, _D), jnp.float32),
                jax.ShapeDtypeStruct((_HB, _L, _D), jnp.float32),
                jax.ShapeDtypeStruct((_HB, _L, _L), jnp.float32),
                jax.ShapeDtypeStruct((_HB, _L, _R), jnp.float32),
                jax.ShapeDtypeStruct((_HB, _E), jnp.int32),
            ] + ([jax.ShapeDtypeStruct((_B, _L, _D), jnp.float32)]
                 if hh == 0 else []),
        )(hidden_states, ei, rel, row(ln1_w), row(ln1_b), Wq, row(bq),
          Wk, Wv, rel_table)

        xn, v, s, qr, pk = outs[:5]
        if out is None:
            out = outs[5]

        a_mat, p_mat = _edge_kernel(_HB)(s, qr, pk)

        out = pl.pallas_call(
            _post_body,
            grid=(_HB,),
            in_specs=[
                per_g((1, _L, _L)), per_g((1, _L, _R)), per_g((1, _L, _D)),
                full2((_R, _D)), full2((_D, _D)), full2((1, _D)),
                per_g((1, _L, _D)),
                full2((1, _D)), full2((1, _D)),
                off_g((1, _L, _D)),
                pl.BlockSpec(memory_space=pl.ANY),
            ],
            out_specs=off_g((1, _L, _D)),
            out_shape=jax.ShapeDtypeStruct((_B, _L, _D), jnp.float32),
            input_output_aliases={10: 0},
        )(a_mat, p_mat, v, bf(rel_table), bf(Wo), row(bo), xn,
          row(ln2_w), row(ln2_b), hidden_states, out)

    return out

# --- scband reference (transcript-rebuilt; emitter-appended) ---
"""Pipeline reference for scband-t5-layer-rgat-91311004713519 (READ-ONLY COPY).

The authoritative reference and input builder live on the scoring server;
editing this copy changes nothing except your own understanding.
"""

import jax, jax.numpy as jnp
import numpy as np

B, L, D, E, R = 8, 512, 512, 16384, 64
LN1_EPS = 1e-06
LN2_EPS = 1e-05


def _layer_norm(x, w, b, eps):
    mu = jnp.mean(x, axis=-1, keepdims=True)
    var = jnp.mean((x - mu) ** 2, axis=-1, keepdims=True)
    return (x - mu) / jnp.sqrt(var + eps) * w + b


def setup_inputs(seed: int = 0) -> dict:
    key = jax.random.key(seed)
    ks = jax.random.split(key, 10)
    return {
        "hidden_states": jax.random.normal(ks[0], (B, L, D), dtype=jnp.float32),
        "edge_index": jax.random.randint(ks[1], (B, 2, E), 0, L),
        "edge_rel": jax.random.randint(ks[2], (B, E), 0, R),
        "rel_table": 0.02 * jax.random.normal(ks[3], (R, D), dtype=jnp.float32),
        "Wq": 0.02 * jax.random.normal(ks[4], (D, D), dtype=jnp.float32),
        "bq": jnp.zeros((D,), jnp.float32),
        "Wk": 0.02 * jax.random.normal(ks[5], (D, D), dtype=jnp.float32),
        "Wv": 0.02 * jax.random.normal(ks[6], (D, D), dtype=jnp.float32),
        "Wo": 0.02 * jax.random.normal(ks[7], (D, D), dtype=jnp.float32),
        "bo": jnp.zeros((D,), jnp.float32),
        "ln1_w": jnp.ones((D,), jnp.float32),
        "ln1_b": jnp.zeros((D,), jnp.float32),
        "ln2_w": jnp.ones((D,), jnp.float32),
        "ln2_b": jnp.zeros((D,), jnp.float32),
    }


def _rgat_one(x, e, src, dst, Wq, bq, Wk, Wv, Wo, bo, ln2_w, ln2_b):
    # RGAT_Layer with num_heads=1, d_k=D; edge feats added to keys and values
    q = x @ Wq.T + bq
    k = x @ Wk.T
    v = x @ Wv.T
    score = jnp.sum(q[dst] * (k[src] + e), axis=-1) / jnp.sqrt(float(D))
    smax = jax.ops.segment_max(score, dst, num_segments=L)
    smax = jnp.where(jnp.isfinite(smax), smax, 0.0)
    ex = jnp.exp(score - smax[dst])
    denom = jax.ops.segment_sum(ex, dst, num_segments=L)
    agg = jax.ops.segment_sum(ex[:, None] * (v[src] + e), dst, num_segments=L)
    agg = agg / jnp.maximum(denom, 1e-12)[:, None]
    o = agg @ Wo.T + bo
    return _layer_norm(x + o, ln2_w, ln2_b, LN2_EPS)


def reference(hidden_states, edge_index, edge_rel, rel_table, Wq, bq, Wk, Wv, Wo, bo, ln1_w, ln1_b, ln2_w, ln2_b):
    # outer pre-layernorm (T5-style, dropout = identity in eval)
    hs_norm = _layer_norm(hidden_states, ln1_w, ln1_b, LN1_EPS)

    def per_graph(h, ei, er):
        e = rel_table[er]  # relation embedding lookup (relation_emb(edges))
        return _rgat_one(h, e, ei[0], ei[1], Wq, bq, Wk, Wv, Wo, bo, ln2_w, ln2_b)

    struct = jax.vmap(per_graph)(hs_norm, edge_index, edge_rel)
    output = jax.nn.elu(struct)
    return hidden_states + output


if False:  # reference __main__ guard neutralized (emitter)
    out = reference(**setup_inputs())
    print(out.shape, out.dtype)

if __name__ == "__main__":
    import jax
    _d = setup_inputs()
    print(jax.jit(kernel)(*tuple(_d.values())))

</pallas_src>

<mosaic_0001>
#map = affine_map<(d0, d1) -> (0, 0, 0)>
#map1 = affine_map<(d0, d1) -> (0, 0)>
module attributes {stable_mosaic.version = 14 : i64} {
  func.func @_edge_kernel_body(%arg0: i32, %arg1: i32, %arg2: memref<4x512x512xf32, #tpu.memory_space<hbm>>, %arg3: memref<4x512x64xf32, #tpu.memory_space<hbm>>, %arg4: memref<4x16384xi32, #tpu.memory_space<hbm>>, %arg5: memref<4x512x512xf32, #tpu.memory_space<hbm>>, %arg6: memref<4x512x64xf32, #tpu.memory_space<hbm>>, %arg7: memref<64x512xf32, #tpu.memory_space<vmem>>, %arg8: memref<64x64xf32, #tpu.memory_space<vmem>>, %arg9: memref<64x512xf32, #tpu.memory_space<vmem>>, %arg10: memref<64x64xf32, #tpu.memory_space<vmem>>, %arg11: memref<16384xi32, #tpu.memory_space<vmem>>, %arg12: memref<!tpu.dma_semaphore, #tpu.memory_space<semaphore_mem>>) attributes {dimension_semantics = [#tpu.dimension_semantics<core_parallel>, #tpu.dimension_semantics<subcore_parallel>], iteration_bounds = array<i64: 2, 16>, scalar_prefetch = 0 : i64, scratch_operands = 6 : i64, tpu.core_type = #tpu.core_type<sc_vector_subcore>, window_params = [{transform_indices = #map}, {transform_indices = #map}, {transform_indices = #map1}, {transform_indices = #map}, {transform_indices = #map}]} {
    %mul3A = arith.constant 16 : i32
    %mul3A_0 = arith.muli %arg0, %mul3A : i32
    %add3A = arith.addi %mul3A_0, %arg1 : i32
    %scan3A = arith.constant 0 : i32
    %scan3A_1 = arith.constant 0 : i32
    %mul3A_2 = arith.constant 32 : i32
    %mul3A_3 = arith.muli %mul3A_2, %scan3A_1 : i32
    %add3A_4 = arith.addi %add3A, %mul3A_3 : i32
    %jit3A = arith.constant 8 : i32
    %div3A = arith.divsi %add3A_4, %jit3A : i32
    %sign3A = arith.constant 0 : i32
    %sign3A_5 = arith.cmpi sgt, %add3A_4, %sign3A : i32
    %sign3A_6 = arith.extui %sign3A_5 : i1 to i32
    %sign3A_7 = arith.constant 0 : i32
    %sign3A_8 = arith.cmpi slt, %add3A_4, %sign3A_7 : i32
    %sign3A_9 = arith.extui %sign3A_8 : i1 to i32
    %sign3A_10 = arith.subi %sign3A_6, %sign3A_9 : i32
    %sign3A_11 = arith.constant 0 : i32
    %sign3A_12 = arith.cmpi sgt, %jit3A, %sign3A_11 : i32
    %sign3A_13 = arith.extui %sign3A_12 : i1 to i32
    %sign3A_14 = arith.constant 0 : i32
    %sign3A_15 = arith.cmpi slt, %jit3A, %sign3A_14 : i32
    %sign3A_16 = arith.extui %sign3A_15 : i1 to i32
    %sign3A_17 = arith.subi %sign3A_13, %sign3A_16 : i32
    %ne3A = arith.cmpi ne, %sign3A_10, %sign3A_17 : i32
    %rem3A = arith.remsi %add3A_4, %jit3A : i32
    %ne3A_18 = arith.constant 0 : i32
    %ne3A_19 = arith.cmpi ne, %rem3A, %ne3A_18 : i32
    %and3A = arith.andi %ne3A, %ne3A_19 : i1
    %sub3A = arith.constant 1 : i32
    %sub3A_20 = arith.subi %div3A, %sub3A : i32
    %select_n3A = arith.select %and3A, %sub3A_20, %div3A : i32
    %jit3A_21 = arith.constant 8 : i32
    %eq3A = arith.constant 0 : i32
    %eq3A_22 = arith.cmpi eq, %jit3A_21, %eq3A : i32
    %jit3A_23 = arith.constant 1 : i32
    %select_n3A_24 = arith.select %eq3A_22, %jit3A_23, %jit3A_21 : i32
    %rem3A_25 = arith.remsi %add3A_4, %select_n3A_24 : i32
    %ne3A_26 = arith.constant 0 : i32
    %ne3A_27 = arith.cmpi ne, %rem3A_25, %ne3A_26 : i32
    %lt3A = arith.constant 0 : i32
    %lt3A_28 = arith.cmpi slt, %rem3A_25, %lt3A : i32
    %lt3A_29 = arith.constant 0 : i32
    %lt3A_30 = arith.cmpi slt, %select_n3A_24, %lt3A_29 : i32
    %ne3A_31 = arith.xori %lt3A_28, %lt3A_30 : i1
    %and3A_32 = arith.andi %ne3A_31, %ne3A_27 : i1
    %add3A_33 = arith.addi %rem3A_25, %select_n3A_24 : i32
    %select_n3A_34 = arith.select %and3A_32, %add3A_33, %rem3A_25 : i32
    %mul3A_35 = arith.constant 64 : i32
    %mul3A_36 = arith.muli %select_n3A_34, %mul3A_35 : i32
    %dma_start3A = arith.constant 0 : i32
    %dma_start3A_37 = tpu.memref_slice %arg2[%select_n3A, %mul3A_36, %dma_start3A] : memref<4x512x512xf32, #tpu.memory_space<hbm>> -> memref<1x64x512xf32, #tpu.memory_space<hbm>>
    %dma_start3A_38 = tpu.memref_squeeze %dma_start3A_37 : memref<1x64x512xf32, #tpu.memory_space<hbm>> -> memref<64x512xf32, #tpu.memory_space<hbm>>
    %dma_start3A_39 = arith.constant 0 : i32
    %dma_start3A_40 = tpu.memref_slice %arg2[%select_n3A, %mul3A_36, %dma_start3A_39] : memref<4x512x512xf32, #tpu.memory_space<hbm>> -> memref<1x64x512xf32, #tpu.memory_space<hbm>>
    %dma_start3A_41 = tpu.memref_squeeze %dma_start3A_40 : memref<1x64x512xf32, #tpu.memory_space<hbm>> -> memref<64x512xf32, #tpu.memory_space<hbm>>
    tpu.enqueue_dma source(%dma_start3A_41 : memref<64x512xf32, #tpu.memory_space<hbm>>) target(%arg7 : memref<64x512xf32, #tpu.memory_space<vmem>>) target_semaphore(%arg12 : memref<!tpu.dma_semaphore, #tpu.memory_space<semaphore_mem>>)
    %dma_start3A_42 = arith.constant 0 : i32
    %dma_start3A_43 = tpu.memref_slice %arg3[%select_n3A, %mul3A_36, %dma_start3A_42] : memref<4x512x64xf32, #tpu.memory_space<hbm>> -> memref<1x64x64xf32, #tpu.memory_space<hbm>>
    %dma_start3A_44 = tpu.memref_squeeze %dma_start3A_43 : memref<1x64x64xf32, #tpu.memory_space<hbm>> -> memref<64x64xf32, #tpu.memory_space<hbm>>
    %dma_start3A_45 = arith.constant 0 : i32
    %dma_start3A_46 = tpu.memref_slice %arg3[%select_n3A, %mul3A_36, %dma_start3A_45] : memref<4x512x64xf32, #tpu.memory_space<hbm>> -> memref<1x64x64xf32, #tpu.memory_space<hbm>>
    %dma_start3A_47 = tpu.memref_squeeze %dma_start3A_46 : memref<1x64x64xf32, #tpu.memory_space<hbm>> -> memref<64x64xf32, #tpu.memory_space<hbm>>
    tpu.enqueue_dma source(%dma_start3A_47 : memref<64x64xf32, #tpu.memory_space<hbm>>) target(%arg8 : memref<64x64xf32, #tpu.memory_space<vmem>>) target_semaphore(%arg12 : memref<!tpu.dma_semaphore, #tpu.memory_space<semaphore_mem>>)
    %dma_start3A_48 = arith.constant 0 : i32
    %dma_start3A_49 = tpu.memref_slice %arg4[%select_n3A, %dma_start3A_48] : memref<4x16384xi32, #tpu.memory_space<hbm>> -> memref<1x16384xi32, #tpu.memory_space<hbm>>
    %dma_start3A_50 = tpu.memref_squeeze %dma_start3A_49 : memref<1x16384xi32, #tpu.memory_space<hbm>> -> memref<16384xi32, #tpu.memory_space<hbm>>
    %dma_start3A_51 = arith.constant 0 : i32
    %dma_start3A_52 = tpu.memref_slice %arg4[%select_n3A, %dma_start3A_51] : memref<4x16384xi32, #tpu.memory_space<hbm>> -> memref<1x16384xi32, #tpu.memory_space<hbm>>
    %dma_start3A_53 = tpu.memref_squeeze %dma_start3A_52 : memref<1x16384xi32, #tpu.memory_space<hbm>> -> memref<16384xi32, #tpu.memory_space<hbm>>
    tpu.enqueue_dma source(%dma_start3A_53 : memref<16384xi32, #tpu.memory_space<hbm>>) target(%arg11 : memref<16384xi32, #tpu.memory_space<vmem>>) target_semaphore(%arg12 : memref<!tpu.dma_semaphore, #tpu.memory_space<semaphore_mem>>)
    %broadcast_in_dim3A = arith.constant 0.000000e+00 : f32
    %broadcast_in_dim3A_54 = vector.broadcast %broadcast_in_dim3A : f32 to vector<16xf32>
    %parallel_loop3A = arith.constant 0 : i32
    %parallel_loop3A_55 = arith.constant 2048 : i32
    %parallel_loop3A_56 = arith.constant 1 : i32
    scf.for %parallel_loop3A_81 = %parallel_loop3A to %parallel_loop3A_55 step %parallel_loop3A_56  : i32 {
      %parallel_loop3A_82 = arith.constant 5 : i32
      %parallel_loop3A_83 = arith.shrsi %parallel_loop3A_81, %parallel_loop3A_82 : i32
      %parallel_loop3A_84 = arith.constant 31 : i32
      %parallel_loop3A_85 = arith.andi %parallel_loop3A_81, %parallel_loop3A_84 : i32
      %parallel_loop3A_86 = arith.constant 16 : i32
      %parallel_loop3A_87 = arith.muli %parallel_loop3A_85, %parallel_loop3A_86 : i32
      %parallel_loop3A_88 = arith.index_cast %parallel_loop3A_83 : i32 to index
      %parallel_loop3A_89 = arith.index_cast %parallel_loop3A_87 : i32 to index
      %parallel_loop3A_90 = tpu.vector_load %arg9[%parallel_loop3A_88, %parallel_loop3A_89] {strides = array<i32>} : memref<64x512xf32, #tpu.memory_space<vmem>>, vector<16xf32>,
      tpu.vector_store %arg9[%parallel_loop3A_88, %parallel_loop3A_89], %broadcast_in_dim3A_54 {strides = array<i32>} : memref<64x512xf32, #tpu.memory_space<vmem>>, vector<16xf32>,
    } {sc.loop_unroll_factor = 8 : i64, sc.parallel_access}
    %parallel_loop3A_57 = arith.constant 0 : i32
    %parallel_loop3A_58 = arith.constant 256 : i32
    %parallel_loop3A_59 = arith.constant 1 : i32
    scf.for %parallel_loop3A_81 = %parallel_loop3A_57 to %parallel_loop3A_58 step %parallel_loop3A_59  : i32 {
      %parallel_loop3A_82 = arith.constant 2 : i32
      %parallel_loop3A_83 = arith.shrsi %parallel_loop3A_81, %parallel_loop3A_82 : i32
      %parallel_loop3A_84 = arith.constant 3 : i32
      %parallel_loop3A_85 = arith.andi %parallel_loop3A_81, %parallel_loop3A_84 : i32
      %parallel_loop3A_86 = arith.constant 16 : i32
      %parallel_loop3A_87 = arith.muli %parallel_loop3A_85, %parallel_loop3A_86 : i32
      %parallel_loop3A_88 = arith.index_cast %parallel_loop3A_83 : i32 to index
      %parallel_loop3A_89 = arith.index_cast %parallel_loop3A_87 : i32 to index
      %parallel_loop3A_90 = tpu.vector_load %arg10[%parallel_loop3A_88, %parallel_loop3A_89] {strides = array<i32>} : memref<64x64xf32, #tpu.memory_space<vmem>>, vector<16xf32>,
      tpu.vector_store %arg10[%parallel_loop3A_88, %parallel_loop3A_89], %broadcast_in_dim3A_54 {strides = array<i32>} : memref<64x64xf32, #tpu.memory_space<vmem>>, vector<16xf32>,
    } {sc.loop_unroll_factor = 8 : i64, sc.parallel_access}
    %dma_wait3A = arith.constant 0 : i32
    %dma_wait3A_60 = tpu.memref_slice %arg2[%select_n3A, %mul3A_36, %dma_wait3A] : memref<4x512x512xf32, #tpu.memory_space<hbm>> -> memref<1x64x512xf32, #tpu.memory_space<hbm>>
    %dma_wait3A_61 = tpu.memref_squeeze %dma_wait3A_60 : memref<1x64x512xf32, #tpu.memory_space<hbm>> -> memref<64x512xf32, #tpu.memory_space<hbm>>
    %dma_wait3A_62 = arith.constant 0 : i32
    %dma_wait3A_63 = tpu.memref_slice %arg2[%select_n3A, %mul3A_36, %dma_wait3A_62] : memref<4x512x512xf32, #tpu.memory_space<hbm>> -> memref<1x64x512xf32, #tpu.memory_space<hbm>>
    %dma_wait3A_64 = tpu.memref_squeeze %dma_wait3A_63 : memref<1x64x512xf32, #tpu.memory_space<hbm>> -> memref<64x512xf32, #tpu.memory_space<hbm>>
    tpu.wait_dma2 semaphore(%arg12 : memref<!tpu.dma_semaphore, #tpu.memory_space<semaphore_mem>>) src(%dma_wait3A_64 : memref<64x512xf32, #tpu.memory_space<hbm>>) dst(%arg7 : memref<64x512xf32, #tpu.memory_space<vmem>>)
    %dma_wait3A_65 = arith.constant 0 : i32
    %dma_wait3A_66 = tpu.memref_slice %arg3[%select_n3A, %mul3A_36, %dma_wait3A_65] : memref<4x512x64xf32, #tpu.memory_space<hbm>> -> memref<1x64x64xf32, #tpu.memory_space<hbm>>
    %dma_wait3A_67 = tpu.memref_squeeze %dma_wait3A_66 : memref<1x64x64xf32, #tpu.memory_space<hbm>> -> memref<64x64xf32, #tpu.memory_space<hbm>>
    %dma_wait3A_68 = arith.constant 0 : i32
    %dma_wait3A_69 = tpu.memref_slice %arg3[%select_n3A, %mul3A_36, %dma_wait3A_68] : memref<4x512x64xf32, #tpu.memory_space<hbm>> -> memref<1x64x64xf32, #tpu.memory_space<hbm>>
    %dma_wait3A_70 = tpu.memref_squeeze %dma_wait3A_69 : memref<1x64x64xf32, #tpu.memory_space<hbm>> -> memref<64x64xf32, #tpu.memory_space<hbm>>
    tpu.wait_dma2 semaphore(%arg12 : memref<!tpu.dma_semaphore, #tpu.memory_space<semaphore_mem>>) src(%dma_wait3A_70 : memref<64x64xf32, #tpu.memory_space<hbm>>) dst(%arg8 : memref<64x64xf32, #tpu.memory_space<vmem>>)
    %dma_wait3A_71 = arith.constant 0 : i32
    %dma_wait3A_72 = tpu.memref_slice %arg4[%select_n3A, %dma_wait3A_71] : memref<4x16384xi32, #tpu.memory_space<hbm>> -> memref<1x16384xi32, #tpu.memory_space<hbm>>
    %dma_wait3A_73 = tpu.memref_squeeze %dma_wait3A_72 : memref<1x16384xi32, #tpu.memory_space<hbm>> -> memref<16384xi32, #tpu.memory_space<hbm>>
    %dma_wait3A_74 = arith.constant 0 : i32
    %dma_wait3A_75 = tpu.memref_slice %arg4[%select_n3A, %dma_wait3A_74] : memref<4x16384xi32, #tpu.memory_space<hbm>> -> memref<1x16384xi32, #tpu.memory_space<hbm>>
    %dma_wait3A_76 = tpu.memref_squeeze %dma_wait3A_75 : memref<1x16384xi32, #tpu.memory_space<hbm>> -> memref<16384xi32, #tpu.memory_space<hbm>>
    tpu.wait_dma2 semaphore(%arg12 : memref<!tpu.dma_semaphore, #tpu.memory_space<semaphore_mem>>) src(%dma_wait3A_76 : memref<16384xi32, #tpu.memory_space<hbm>>) dst(%arg11 : memref<16384xi32, #tpu.memory_space<vmem>>)
    %parallel_loop3A_77 = arith.constant 0 : i32
    %parallel_loop3A_78 = arith.constant 1024 : i32
    %parallel_loop3A_79 = arith.constant 1 : i32
    scf.for %parallel_loop3A_81 = %parallel_loop3A_77 to %parallel_loop3A_78 step %parallel_loop3A_79  : i32 {
      %parallel_loop3A_82 = arith.constant 16 : i32
      %parallel_loop3A_83 = arith.muli %parallel_loop3A_81, %parallel_loop3A_82 : i32
      %parallel_loop3A_84 = arith.index_cast %parallel_loop3A_83 : i32 to index
      %parallel_loop3A_85 = tpu.vector_load %arg11[%parallel_loop3A_84] {strides = array<i32>} : memref<16384xi32, #tpu.memory_space<vmem>>, vector<16xi32>,
      %parallel_loop3A_86 = arith.constant 15 : i32
      %parallel_loop3A_87 = vector.broadcast %parallel_loop3A_86 : i32 to vector<16xi32>
      %parallel_loop3A_88 = arith.shrsi %parallel_loop3A_85, %parallel_loop3A_87 : vector<16xi32>
      %parallel_loop3A_89 = vector.broadcast %mul3A_36 : i32 to vector<16xi32>
      %parallel_loop3A_90 = arith.subi %parallel_loop3A_88, %parallel_loop3A_89 : vector<16xi32>
      %parallel_loop3A_91 = arith.constant 0 : i32
      %parallel_loop3A_92 = vector.broadcast %parallel_loop3A_91 : i32 to vector<16xi32>
      %parallel_loop3A_93 = arith.cmpi sge, %parallel_loop3A_90, %parallel_loop3A_92 : vector<16xi32>
      %parallel_loop3A_94 = arith.constant 64 : i32
      %parallel_loop3A_95 = vector.broadcast %parallel_loop3A_94 : i32 to vector<16xi32>
      %parallel_loop3A_96 = arith.cmpi slt, %parallel_loop3A_90, %parallel_loop3A_95 : vector<16xi32>
      %parallel_loop3A_97 = arith.andi %parallel_loop3A_93, %parallel_loop3A_96 : vector<16xi1>
      %parallel_loop3A_98 = arith.constant 63 : i32
      %parallel_loop3A_99 = vector.broadcast %parallel_loop3A_98 : i32 to vector<16xi32>
      %parallel_loop3A_100 = arith.andi %parallel_loop3A_90, %parallel_loop3A_99 : vector<16xi32>
      %parallel_loop3A_101 = arith.constant 6 : i32
      %parallel_loop3A_102 = vector.broadcast %parallel_loop3A_101 : i32 to vector<16xi32>
      %parallel_loop3A_103 = arith.shrsi %parallel_loop3A_85, %parallel_loop3A_102 : vector<16xi32>
      %parallel_loop3A_104 = arith.constant 511 : i32
      %parallel_loop3A_105 = vector.broadcast %parallel_loop3A_104 : i32 to vector<16xi32>
      %parallel_loop3A_106 = arith.andi %parallel_loop3A_103, %parallel_loop3A_105 : vector<16xi32>
      %parallel_loop3A_107 = arith.constant 63 : i32
      %parallel_loop3A_108 = vector.broadcast %parallel_loop3A_107 : i32 to vector<16xi32>
      %parallel_loop3A_109 = arith.andi %parallel_loop3A_85, %parallel_loop3A_108 : vector<16xi32>
      %parallel_loop3A_110 = tpu.vector_load_idx %arg7[%parallel_loop3A_100, %parallel_loop3A_106] masked %parallel_loop3A_97 : memref<64x512xf32, #tpu.memory_space<vmem>>[vector<16xi32>, vector<16xi32>], vector<16xf32>, vector<16xi1>
      %parallel_loop3A_111 = tpu.vector_load_idx %arg8[%parallel_loop3A_100, %parallel_loop3A_109] masked %parallel_loop3A_97 : memref<64x64xf32, #tpu.memory_space<vmem>>[vector<16xi32>, vector<16xi32>], vector<16xf32>, vector<16xi1>
      %parallel_loop3A_112 = arith.mulf %parallel_loop3A_110, %parallel_loop3A_111 : vector<16xf32>
      tpu.vector_store_idx %arg9[%parallel_loop3A_100, %parallel_loop3A_106], %parallel_loop3A_112 masked %parallel_loop3A_97 {add = true} : memref<64x512xf32, #tpu.memory_space<vmem>>[vector<16xi32>, vector<16xi32>], vector<16xf32>, vector<16xi1>
      tpu.vector_store_idx %arg10[%parallel_loop3A_100, %parallel_loop3A_109], %parallel_loop3A_112 masked %parallel_loop3A_97 {add = true} : memref<64x64xf32, #tpu.memory_space<vmem>>[vector<16xi32>, vector<16xi32>], vector<16xf32>, vector<16xi1>
    } {sc.loop_unroll_factor = 8 : i64, sc.parallel_access}
    "tpu.region"() ({
      %run_scoped3A = tpu.sem_alloc : memref<!tpu.dma_semaphore, #tpu.memory_space<semaphore_mem>>
      %dma_start3A_81 = arith.constant 0 : i32
      %dma_start3A_82 = tpu.memref_slice %arg5[%select_n3A, %mul3A_36, %dma_start3A_81] : memref<4x512x512xf32, #tpu.memory_space<hbm>> -> memref<1x64x512xf32, #tpu.memory_space<hbm>>
      %dma_start3A_83 = tpu.memref_squeeze %dma_start3A_82 : memref<1x64x512xf32, #tpu.memory_space<hbm>> -> memref<64x512xf32, #tpu.memory_space<hbm>>
      %dma_start3A_84 = arith.constant 0 : i32
      %dma_start3A_85 = tpu.memref_slice %arg5[%select_n3A, %mul3A_36, %dma_start3A_84] : memref<4x512x512xf32, #tpu.memory_space<hbm>> -> memref<1x64x512xf32, #tpu.memory_space<hbm>>
      %dma_start3A_86 = tpu.memref_squeeze %dma_start3A_85 : memref<1x64x512xf32, #tpu.memory_space<hbm>> -> memref<64x512xf32, #tpu.memory_space<hbm>>
      tpu.enqueue_dma source(%arg9 : memref<64x512xf32, #tpu.memory_space<vmem>>) target(%dma_start3A_86 : memref<64x512xf32, #tpu.memory_space<hbm>>) target_semaphore(%run_scoped3A : memref<!tpu.dma_semaphore, #tpu.memory_space<semaphore_mem>>)
      %dma_wait3A_87 = arith.constant 0 : i32
      %dma_wait3A_88 = tpu.memref_slice %arg5[%select_n3A, %mul3A_36, %dma_wait3A_87] : memref<4x512x512xf32, #tpu.memory_space<hbm>> -> memref<1x64x512xf32, #tpu.memory_space<hbm>>
      %dma_wait3A_89 = tpu.memref_squeeze %dma_wait3A_88 : memref<1x64x512xf32, #tpu.memory_space<hbm>> -> memref<64x512xf32, #tpu.memory_space<hbm>>
      %dma_wait3A_90 = arith.constant 0 : i32
      %dma_wait3A_91 = tpu.memref_slice %arg5[%select_n3A, %mul3A_36, %dma_wait3A_90] : memref<4x512x512xf32, #tpu.memory_space<hbm>> -> memref<1x64x512xf32, #tpu.memory_space<hbm>>
      %dma_wait3A_92 = tpu.memref_squeeze %dma_wait3A_91 : memref<1x64x512xf32, #tpu.memory_space<hbm>> -> memref<64x512xf32, #tpu.memory_space<hbm>>
      tpu.wait_dma2 semaphore(%run_scoped3A : memref<!tpu.dma_semaphore, #tpu.memory_space<semaphore_mem>>) src(%arg9 : memref<64x512xf32, #tpu.memory_space<vmem>>) dst(%dma_wait3A_92 : memref<64x512xf32, #tpu.memory_space<hbm>>)
      tpu.yield
    }) : () -> ()
    "tpu.region"() ({
      %run_scoped3A = tpu.sem_alloc : memref<!tpu.dma_semaphore, #tpu.memory_space<semaphore_mem>>
      %dma_start3A_81 = arith.constant 0 : i32
      %dma_start3A_82 = tpu.memref_slice %arg6[%select_n3A, %mul3A_36, %dma_start3A_81] : memref<4x512x64xf32, #tpu.memory_space<hbm>> -> memref<1x64x64xf32, #tpu.memory_space<hbm>>
      %dma_start3A_83 = tpu.memref_squeeze %dma_start3A_82 : memref<1x64x64xf32, #tpu.memory_space<hbm>> -> memref<64x64xf32, #tpu.memory_space<hbm>>
      %dma_start3A_84 = arith.constant 0 : i32
      %dma_start3A_85 = tpu.memref_slice %arg6[%select_n3A, %mul3A_36, %dma_start3A_84] : memref<4x512x64xf32, #tpu.memory_space<hbm>> -> memref<1x64x64xf32, #tpu.memory_space<hbm>>
      %dma_start3A_86 = tpu.memref_squeeze %dma_start3A_85 : memref<1x64x64xf32, #tpu.memory_space<hbm>> -> memref<64x64xf32, #tpu.memory_space<hbm>>
      tpu.enqueue_dma source(%arg10 : memref<64x64xf32, #tpu.memory_space<vmem>>) target(%dma_start3A_86 : memref<64x64xf32, #tpu.memory_space<hbm>>) target_semaphore(%run_scoped3A : memref<!tpu.dma_semaphore, #tpu.memory_space<semaphore_mem>>)
      %dma_wait3A_87 = arith.constant 0 : i32
      %dma_wait3A_88 = tpu.memref_slice %arg6[%select_n3A, %mul3A_36, %dma_wait3A_87] : memref<4x512x64xf32, #tpu.memory_space<hbm>> -> memref<1x64x64xf32, #tpu.memory_space<hbm>>
      %dma_wait3A_89 = tpu.memref_squeeze %dma_wait3A_88 : memref<1x64x64xf32, #tpu.memory_space<hbm>> -> memref<64x64xf32, #tpu.memory_space<hbm>>
      %dma_wait3A_90 = arith.constant 0 : i32
      %dma_wait3A_91 = tpu.memref_slice %arg6[%select_n3A, %mul3A_36, %dma_wait3A_90] : memref<4x512x64xf32, #tpu.memory_space<hbm>> -> memref<1x64x64xf32, #tpu.memory_space<hbm>>
      %dma_wait3A_92 = tpu.memref_squeeze %dma_wait3A_91 : memref<1x64x64xf32, #tpu.memory_space<hbm>> -> memref<64x64xf32, #tpu.memory_space<hbm>>
      tpu.wait_dma2 semaphore(%run_scoped3A : memref<!tpu.dma_semaphore, #tpu.memory_space<semaphore_mem>>) src(%arg10 : memref<64x64xf32, #tpu.memory_space<vmem>>) dst(%dma_wait3A_92 : memref<64x64xf32, #tpu.memory_space<hbm>>)
      tpu.yield
    }) : () -> ()
    %scan3A_80 = arith.constant 1 : i32
    return
  }
}

#map = affine_map<(d0, d1) -> (0, 0, 0)>
#map1 = affine_map<(d0, d1) -> (0, 0)>
module attributes {stable_mosaic.version = 14 : i64} {
  func.func @_edge_kernel_body(%arg0: i32, %arg1: i32, %arg2: memref<4x512x512xf32, #tpu.memory_space<hbm>>, %arg3: memref<4x512x64xf32, #tpu.memory_space<hbm>>, %arg4: memref<4x16384xi32, #tpu.memory_space<hbm>>, %arg5: memref<4x512x512xf32, #tpu.memory_space<hbm>>, %arg6: memref<4x512x64xf32, #tpu.memory_space<hbm>>, %arg7: memref<64x512xf32, #tpu.memory_space<vmem>>, %arg8: memref<64x64xf32, #tpu.memory_space<vmem>>, %arg9: memref<64x512xf32, #tpu.memory_space<vmem>>, %arg10: memref<64x64xf32, #tpu.memory_space<vmem>>, %arg11: memref<16384xi32, #tpu.memory_space<vmem>>, %arg12: memref<!tpu.dma_semaphore, #tpu.memory_space<semaphore_mem>>) attributes {dimension_semantics = [#tpu.dimension_semantics<core_parallel>, #tpu.dimension_semantics<subcore_parallel>], iteration_bounds = array<i64: 2, 16>, scalar_prefetch = 0 : i64, scratch_operands = 6 : i64, tpu.core_type = #tpu.core_type<sc_vector_subcore>, window_params = [{transform_indices = #map}, {transform_indices = #map}, {transform_indices = #map1}, {transform_indices = #map}, {transform_indices = #map}]} {
    %mul3A = arith.constant 16 : i32
    %mul3A_0 = arith.muli %arg0, %mul3A : i32
    %add3A = arith.addi %mul3A_0, %arg1 : i32
    %scan3A = arith.constant 0 : i32
    %scan3A_1 = arith.constant 0 : i32
    %mul3A_2 = arith.constant 32 : i32
    %mul3A_3 = arith.muli %mul3A_2, %scan3A_1 : i32
    %add3A_4 = arith.addi %add3A, %mul3A_3 : i32
    %jit3A = arith.constant 8 : i32
    %div3A = arith.divsi %add3A_4, %jit3A : i32
    %sign3A = arith.constant 0 : i32
    %sign3A_5 = arith.cmpi sgt, %add3A_4, %sign3A : i32
    %sign3A_6 = arith.extui %sign3A_5 : i1 to i32
    %sign3A_7 = arith.constant 0 : i32
    %sign3A_8 = arith.cmpi slt, %add3A_4, %sign3A_7 : i32
    %sign3A_9 = arith.extui %sign3A_8 : i1 to i32
    %sign3A_10 = arith.subi %sign3A_6, %sign3A_9 : i32
    %sign3A_11 = arith.constant 0 : i32
    %sign3A_12 = arith.cmpi sgt, %jit3A, %sign3A_11 : i32
    %sign3A_13 = arith.extui %sign3A_12 : i1 to i32
    %sign3A_14 = arith.constant 0 : i32
    %sign3A_15 = arith.cmpi slt, %jit3A, %sign3A_14 : i32
    %sign3A_16 = arith.extui %sign3A_15 : i1 to i32
    %sign3A_17 = arith.subi %sign3A_13, %sign3A_16 : i32
    %ne3A = arith.cmpi ne, %sign3A_10, %sign3A_17 : i32
    %rem3A = arith.remsi %add3A_4, %jit3A : i32
    %ne3A_18 = arith.constant 0 : i32
    %ne3A_19 = arith.cmpi ne, %rem3A, %ne3A_18 : i32
    %and3A = arith.andi %ne3A, %ne3A_19 : i1
    %sub3A = arith.constant 1 : i32
    %sub3A_20 = arith.subi %div3A, %sub3A : i32
    %select_n3A = arith.select %and3A, %sub3A_20, %div3A : i32
    %jit3A_21 = arith.constant 8 : i32
    %eq3A = arith.constant 0 : i32
    %eq3A_22 = arith.cmpi eq, %jit3A_21, %eq3A : i32
    %jit3A_23 = arith.constant 1 : i32
    %select_n3A_24 = arith.select %eq3A_22, %jit3A_23, %jit3A_21 : i32
    %rem3A_25 = arith.remsi %add3A_4, %select_n3A_24 : i32
    %ne3A_26 = arith.constant 0 : i32
    %ne3A_27 = arith.cmpi ne, %rem3A_25, %ne3A_26 : i32
    %lt3A = arith.constant 0 : i32
    %lt3A_28 = arith.cmpi slt, %rem3A_25, %lt3A : i32
    %lt3A_29 = arith.constant 0 : i32
    %lt3A_30 = arith.cmpi slt, %select_n3A_24, %lt3A_29 : i32
    %ne3A_31 = arith.xori %lt3A_28, %lt3A_30 : i1
    %and3A_32 = arith.andi %ne3A_31, %ne3A_27 : i1
    %add3A_33 = arith.addi %rem3A_25, %select_n3A_24 : i32
    %select_n3A_34 = arith.select %and3A_32, %add3A_33, %rem3A_25 : i32
    %mul3A_35 = arith.constant 64 : i32
    %mul3A_36 = arith.muli %select_n3A_34, %mul3A_35 : i32
    %dma_start3A = arith.constant 0 : i32
    %dma_start3A_37 = tpu.memref_slice %arg2[%select_n3A, %mul3A_36, %dma_start3A] : memref<4x512x512xf32, #tpu.memory_space<hbm>> -> memref<1x64x512xf32, #tpu.memory_space<hbm>>
    %dma_start3A_38 = tpu.memref_squeeze %dma_start3A_37 : memref<1x64x512xf32, #tpu.memory_space<hbm>> -> memref<64x512xf32, #tpu.memory_space<hbm>>
    %dma_start3A_39 = arith.constant 0 : i32
    %dma_start3A_40 = tpu.memref_slice %arg2[%select_n3A, %mul3A_36, %dma_start3A_39] : memref<4x512x512xf32, #tpu.memory_space<hbm>> -> memref<1x64x512xf32, #tpu.memory_space<hbm>>
    %dma_start3A_41 = tpu.memref_squeeze %dma_start3A_40 : memref<1x64x512xf32, #tpu.memory_space<hbm>> -> memref<64x512xf32, #tpu.memory_space<hbm>>
    tpu.enqueue_dma source(%dma_start3A_41 : memref<64x512xf32, #tpu.memory_space<hbm>>) target(%arg7 : memref<64x512xf32, #tpu.memory_space<vmem>>) target_semaphore(%arg12 : memref<!tpu.dma_semaphore, #tpu.memory_space<semaphore_mem>>)
    %dma_start3A_42 = arith.constant 0 : i32
    %dma_start3A_43 = tpu.memref_slice %arg3[%select_n3A, %mul3A_36, %dma_start3A_42] : memref<4x512x64xf32, #tpu.memory_space<hbm>> -> memref<1x64x64xf32, #tpu.memory_space<hbm>>
    %dma_start3A_44 = tpu.memref_squeeze %dma_start3A_43 : memref<1x64x64xf32, #tpu.memory_space<hbm>> -> memref<64x64xf32, #tpu.memory_space<hbm>>
    %dma_start3A_45 = arith.constant 0 : i32
    %dma_start3A_46 = tpu.memref_slice %arg3[%select_n3A, %mul3A_36, %dma_start3A_45] : memref<4x512x64xf32, #tpu.memory_space<hbm>> -> memref<1x64x64xf32, #tpu.memory_space<hbm>>
    %dma_start3A_47 = tpu.memref_squeeze %dma_start3A_46 : memref<1x64x64xf32, #tpu.memory_space<hbm>> -> memref<64x64xf32, #tpu.memory_space<hbm>>
    tpu.enqueue_dma source(%dma_start3A_47 : memref<64x64xf32, #tpu.memory_space<hbm>>) target(%arg8 : memref<64x64xf32, #tpu.memory_space<vmem>>) target_semaphore(%arg12 : memref<!tpu.dma_semaphore, #tpu.memory_space<semaphore_mem>>)
    %dma_start3A_48 = arith.constant 0 : i32
    %dma_start3A_49 = tpu.memref_slice %arg4[%select_n3A, %dma_start3A_48] : memref<4x16384xi32, #tpu.memory_space<hbm>> -> memref<1x16384xi32, #tpu.memory_space<hbm>>
    %dma_start3A_50 = tpu.memref_squeeze %dma_start3A_49 : memref<1x16384xi32, #tpu.memory_space<hbm>> -> memref<16384xi32, #tpu.memory_space<hbm>>
    %dma_start3A_51 = arith.constant 0 : i32
    %dma_start3A_52 = tpu.memref_slice %arg4[%select_n3A, %dma_start3A_51] : memref<4x16384xi32, #tpu.memory_space<hbm>> -> memref<1x16384xi32, #tpu.memory_space<hbm>>
    %dma_start3A_53 = tpu.memref_squeeze %dma_start3A_52 : memref<1x16384xi32, #tpu.memory_space<hbm>> -> memref<16384xi32, #tpu.memory_space<hbm>>
    tpu.enqueue_dma source(%dma_start3A_53 : memref<16384xi32, #tpu.memory_space<hbm>>) target(%arg11 : memref<16384xi32, #tpu.memory_space<vmem>>) target_semaphore(%arg12 : memref<!tpu.dma_semaphore, #tpu.memory_space<semaphore_mem>>)
    %broadcast_in_dim3A = arith.constant 0.000000e+00 : f32
    %broadcast_in_dim3A_54 = vector.broadcast %broadcast_in_dim3A : f32 to vector<16xf32>
    %parallel_loop3A = arith.constant 0 : i32
    %parallel_loop3A_55 = arith.constant 2048 : i32
    %parallel_loop3A_56 = arith.constant 1 : i32
    scf.for %parallel_loop3A_81 = %parallel_loop3A to %parallel_loop3A_55 step %parallel_loop3A_56  : i32 {
      %parallel_loop3A_82 = arith.constant 5 : i32
      %parallel_loop3A_83 = arith.shrsi %parallel_loop3A_81, %parallel_loop3A_82 : i32
      %parallel_loop3A_84 = arith.constant 31 : i32
      %parallel_loop3A_85 = arith.andi %parallel_loop3A_81, %parallel_loop3A_84 : i32
      %parallel_loop3A_86 = arith.constant 16 : i32
      %parallel_loop3A_87 = arith.muli %parallel_loop3A_85, %parallel_loop3A_86 : i32
      %parallel_loop3A_88 = arith.index_cast %parallel_loop3A_83 : i32 to index
      %parallel_loop3A_89 = arith.index_cast %parallel_loop3A_87 : i32 to index
      %parallel_loop3A_90 = tpu.vector_load %arg9[%parallel_loop3A_88, %parallel_loop3A_89] {strides = array<i32>} : memref<64x512xf32, #tpu.memory_space<vmem>>, vector<16xf32>,
      tpu.vector_store %arg9[%parallel_loop3A_88, %parallel_loop3A_89], %broadcast_in_dim3A_54 {strides = array<i32>} : memref<64x512xf32, #tpu.memory_space<vmem>>, vector<16xf32>,
    } {sc.loop_unroll_factor = 8 : i64, sc.parallel_access}
    %parallel_loop3A_57 = arith.constant 0 : i32
    %parallel_loop3A_58 = arith.constant 256 : i32
    %parallel_loop3A_59 = arith.constant 1 : i32
    scf.for %parallel_loop3A_81 = %parallel_loop3A_57 to %parallel_loop3A_58 step %parallel_loop3A_59  : i32 {
      %parallel_loop3A_82 = arith.constant 2 : i32
      %parallel_loop3A_83 = arith.shrsi %parallel_loop3A_81, %parallel_loop3A_82 : i32
      %parallel_loop3A_84 = arith.constant 3 : i32
      %parallel_loop3A_85 = arith.andi %parallel_loop3A_81, %parallel_loop3A_84 : i32
      %parallel_loop3A_86 = arith.constant 16 : i32
      %parallel_loop3A_87 = arith.muli %parallel_loop3A_85, %parallel_loop3A_86 : i32
      %parallel_loop3A_88 = arith.index_cast %parallel_loop3A_83 : i32 to index
      %parallel_loop3A_89 = arith.index_cast %parallel_loop3A_87 : i32 to index
      %parallel_loop3A_90 = tpu.vector_load %arg10[%parallel_loop3A_88, %parallel_loop3A_89] {strides = array<i32>} : memref<64x64xf32, #tpu.memory_space<vmem>>, vector<16xf32>,
      tpu.vector_store %arg10[%parallel_loop3A_88, %parallel_loop3A_89], %broadcast_in_dim3A_54 {strides = array<i32>} : memref<64x64xf32, #tpu.memory_space<vmem>>, vector<16xf32>,
    } {sc.loop_unroll_factor = 8 : i64, sc.parallel_access}
    %dma_wait3A = arith.constant 0 : i32
    %dma_wait3A_60 = tpu.memref_slice %arg2[%select_n3A, %mul3A_36, %dma_wait3A] : memref<4x512x512xf32, #tpu.memory_space<hbm>> -> memref<1x64x512xf32, #tpu.memory_space<hbm>>
    %dma_wait3A_61 = tpu.memref_squeeze %dma_wait3A_60 : memref<1x64x512xf32, #tpu.memory_space<hbm>> -> memref<64x512xf32, #tpu.memory_space<hbm>>
    %dma_wait3A_62 = arith.constant 0 : i32
    %dma_wait3A_63 = tpu.memref_slice %arg2[%select_n3A, %mul3A_36, %dma_wait3A_62] : memref<4x512x512xf32, #tpu.memory_space<hbm>> -> memref<1x64x512xf32, #tpu.memory_space<hbm>>
    %dma_wait3A_64 = tpu.memref_squeeze %dma_wait3A_63 : memref<1x64x512xf32, #tpu.memory_space<hbm>> -> memref<64x512xf32, #tpu.memory_space<hbm>>
    tpu.wait_dma2 semaphore(%arg12 : memref<!tpu.dma_semaphore, #tpu.memory_space<semaphore_mem>>) src(%dma_wait3A_64 : memref<64x512xf32, #tpu.memory_space<hbm>>) dst(%arg7 : memref<64x512xf32, #tpu.memory_space<vmem>>)
    %dma_wait3A_65 = arith.constant 0 : i32
    %dma_wait3A_66 = tpu.memref_slice %arg3[%select_n3A, %mul3A_36, %dma_wait3A_65] : memref<4x512x64xf32, #tpu.memory_space<hbm>> -> memref<1x64x64xf32, #tpu.memory_space<hbm>>
    %dma_wait3A_67 = tpu.memref_squeeze %dma_wait3A_66 : memref<1x64x64xf32, #tpu.memory_space<hbm>> -> memref<64x64xf32, #tpu.memory_space<hbm>>
    %dma_wait3A_68 = arith.constant 0 : i32
    %dma_wait3A_69 = tpu.memref_slice %arg3[%select_n3A, %mul3A_36, %dma_wait3A_68] : memref<4x512x64xf32, #tpu.memory_space<hbm>> -> memref<1x64x64xf32, #tpu.memory_space<hbm>>
    %dma_wait3A_70 = tpu.memref_squeeze %dma_wait3A_69 : memref<1x64x64xf32, #tpu.memory_space<hbm>> -> memref<64x64xf32, #tpu.memory_space<hbm>>
    tpu.wait_dma2 semaphore(%arg12 : memref<!tpu.dma_semaphore, #tpu.memory_space<semaphore_mem>>) src(%dma_wait3A_70 : memref<64x64xf32, #tpu.memory_space<hbm>>) dst(%arg8 : memref<64x64xf32, #tpu.memory_space<vmem>>)
    %dma_wait3A_71 = arith.constant 0 : i32
    %dma_wait3A_72 = tpu.memref_slice %arg4[%select_n3A, %dma_wait3A_71] : memref<4x16384xi32, #tpu.memory_space<hbm>> -> memref<1x16384xi32, #tpu.memory_space<hbm>>
    %dma_wait3A_73 = tpu.memref_squeeze %dma_wait3A_72 : memref<1x16384xi32, #tpu.memory_space<hbm>> -> memref<16384xi32, #tpu.memory_space<hbm>>
    %dma_wait3A_74 = arith.constant 0 : i32
    %dma_wait3A_75 = tpu.memref_slice %arg4[%select_n3A, %dma_wait3A_74] : memref<4x16384xi32, #tpu.memory_space<hbm>> -> memref<1x16384xi32, #tpu.memory_space<hbm>>
    %dma_wait3A_76 = tpu.memref_squeeze %dma_wait3A_75 : memref<1x16384xi32, #tpu.memory_space<hbm>> -> memref<16384xi32, #tpu.memory_space<hbm>>
    tpu.wait_dma2 semaphore(%arg12 : memref<!tpu.dma_semaphore, #tpu.memory_space<semaphore_mem>>) src(%dma_wait3A_76 : memref<16384xi32, #tpu.memory_space<hbm>>) dst(%arg11 : memref<16384xi32, #tpu.memory_space<vmem>>)
    %parallel_loop3A_77 = arith.constant 0 : i32
    %parallel_loop3A_78 = arith.constant 1024 : i32
    %parallel_loop3A_79 = arith.constant 1 : i32
    scf.for %parallel_loop3A_81 = %parallel_loop3A_77 to %parallel_loop3A_78 step %parallel_loop3A_79  : i32 {
      %parallel_loop3A_82 = arith.constant 16 : i32
      %parallel_loop3A_83 = arith.muli %parallel_loop3A_81, %parallel_loop3A_82 : i32
      %parallel_loop3A_84 = arith.index_cast %parallel_loop3A_83 : i32 to index
      %parallel_loop3A_85 = tpu.vector_load %arg11[%parallel_loop3A_84] {strides = array<i32>} : memref<16384xi32, #tpu.memory_space<vmem>>, vector<16xi32>,
      %parallel_loop3A_86 = arith.constant 15 : i32
      %parallel_loop3A_87 = vector.broadcast %parallel_loop3A_86 : i32 to vector<16xi32>
      %parallel_loop3A_88 = arith.shrsi %parallel_loop3A_85, %parallel_loop3A_87 : vector<16xi32>
      %parallel_loop3A_89 = vector.broadcast %mul3A_36 : i32 to vector<16xi32>
      %parallel_loop3A_90 = arith.subi %parallel_loop3A_88, %parallel_loop3A_89 : vector<16xi32>
      %parallel_loop3A_91 = arith.constant 0 : i32
      %parallel_loop3A_92 = vector.broadcast %parallel_loop3A_91 : i32 to vector<16xi32>
      %parallel_loop3A_93 = arith.cmpi sge, %parallel_loop3A_90, %parallel_loop3A_92 : vector<16xi32>
      %parallel_loop3A_94 = arith.constant 64 : i32
      %parallel_loop3A_95 = vector.broadcast %parallel_loop3A_94 : i32 to vector<16xi32>
      %parallel_loop3A_96 = arith.cmpi slt, %parallel_loop3A_90, %parallel_loop3A_95 : vector<16xi32>
      %parallel_loop3A_97 = arith.andi %parallel_loop3A_93, %parallel_loop3A_96 : vector<16xi1>
      %parallel_loop3A_98 = arith.constant 63 : i32
      %parallel_loop3A_99 = vector.broadcast %parallel_loop3A_98 : i32 to vector<16xi32>
      %parallel_loop3A_100 = arith.andi %parallel_loop3A_90, %parallel_loop3A_99 : vector<16xi32>
      %parallel_loop3A_101 = arith.constant 6 : i32
      %parallel_loop3A_102 = vector.broadcast %parallel_loop3A_101 : i32 to vector<16xi32>
      %parallel_loop3A_103 = arith.shrsi %parallel_loop3A_85, %parallel_loop3A_102 : vector<16xi32>
      %parallel_loop3A_104 = arith.constant 511 : i32
      %parallel_loop3A_105 = vector.broadcast %parallel_loop3A_104 : i32 to vector<16xi32>
      %parallel_loop3A_106 = arith.andi %parallel_loop3A_103, %parallel_loop3A_105 : vector<16xi32>
      %parallel_loop3A_107 = arith.constant 63 : i32
      %parallel_loop3A_108 = vector.broadcast %parallel_loop3A_107 : i32 to vector<16xi32>
      %parallel_loop3A_109 = arith.andi %parallel_loop3A_85, %parallel_loop3A_108 : vector<16xi32>
      %parallel_loop3A_110 = tpu.vector_load_idx %arg7[%parallel_loop3A_100, %parallel_loop3A_106] masked %parallel_loop3A_97 : memref<64x512xf32, #tpu.memory_space<vmem>>[vector<16xi32>, vector<16xi32>], vector<16xf32>, vector<16xi1>
      %parallel_loop3A_111 = tpu.vector_load_idx %arg8[%parallel_loop3A_100, %parallel_loop3A_109] masked %parallel_loop3A_97 : memref<64x64xf32, #tpu.memory_space<vmem>>[vector<16xi32>, vector<16xi32>], vector<16xf32>, vector<16xi1>
      %parallel_loop3A_112 = arith.mulf %parallel_loop3A_110, %parallel_loop3A_111 : vector<16xf32>
      tpu.vector_store_idx %arg9[%parallel_loop3A_100, %parallel_loop3A_106], %parallel_loop3A_112 masked %parallel_loop3A_97 {add = true} : memref<64x512xf32, #tpu.memory_space<vmem>>[vector<16xi32>, vector<16xi32>], vector<16xf32>, vector<16xi1>
      tpu.vector_store_idx %arg10[%parallel_loop3A_100, %parallel_loop3A_109], %parallel_loop3A_112 masked %parallel_loop3A_97 {add = true} : memref<64x64xf32, #tpu.memory_space<vmem>>[vector<16xi32>, vector<16xi32>], vector<16xf32>, vector<16xi1>
    } {sc.loop_unroll_factor = 8 : i64, sc.parallel_access}
    "tpu.region"() ({
      %run_scoped3A = tpu.sem_alloc : memref<!tpu.dma_semaphore, #tpu.memory_space<semaphore_mem>>
      %dma_start3A_81 = arith.constant 0 : i32
      %dma_start3A_82 = tpu.memref_slice %arg5[%select_n3A, %mul3A_36, %dma_start3A_81] : memref<4x512x512xf32, #tpu.memory_space<hbm>> -> memref<1x64x512xf32, #tpu.memory_space<hbm>>
      %dma_start3A_83 = tpu.memref_squeeze %dma_start3A_82 : memref<1x64x512xf32, #tpu.memory_space<hbm>> -> memref<64x512xf32, #tpu.memory_space<hbm>>
      %dma_start3A_84 = arith.constant 0 : i32
      %dma_start3A_85 = tpu.memref_slice %arg5[%select_n3A, %mul3A_36, %dma_start3A_84] : memref<4x512x512xf32, #tpu.memory_space<hbm>> -> memref<1x64x512xf32, #tpu.memory_space<hbm>>
      %dma_start3A_86 = tpu.memref_squeeze %dma_start3A_85 : memref<1x64x512xf32, #tpu.memory_space<hbm>> -> memref<64x512xf32, #tpu.memory_space<hbm>>
      tpu.enqueue_dma source(%arg9 : memref<64x512xf32, #tpu.memory_space<vmem>>) target(%dma_start3A_86 : memref<64x512xf32, #tpu.memory_space<hbm>>) target_semaphore(%run_scoped3A : memref<!tpu.dma_semaphore, #tpu.memory_space<semaphore_mem>>)
      %dma_wait3A_87 = arith.constant 0 : i32
      %dma_wait3A_88 = tpu.memref_slice %arg5[%select_n3A, %mul3A_36, %dma_wait3A_87] : memref<4x512x512xf32, #tpu.memory_space<hbm>> -> memref<1x64x512xf32, #tpu.memory_space<hbm>>
      %dma_wait3A_89 = tpu.memref_squeeze %dma_wait3A_88 : memref<1x64x512xf32, #tpu.memory_space<hbm>> -> memref<64x512xf32, #tpu.memory_space<hbm>>
      %dma_wait3A_90 = arith.constant 0 : i32
      %dma_wait3A_91 = tpu.memref_slice %arg5[%select_n3A, %mul3A_36, %dma_wait3A_90] : memref<4x512x512xf32, #tpu.memory_space<hbm>> -> memref<1x64x512xf32, #tpu.memory_space<hbm>>
      %dma_wait3A_92 = tpu.memref_squeeze %dma_wait3A_91 : memref<1x64x512xf32, #tpu.memory_space<hbm>> -> memref<64x512xf32, #tpu.memory_space<hbm>>
      tpu.wait_dma2 semaphore(%run_scoped3A : memref<!tpu.dma_semaphore, #tpu.memory_space<semaphore_mem>>) src(%arg9 : memref<64x512xf32, #tpu.memory_space<vmem>>) dst(%dma_wait3A_92 : memref<64x512xf32, #tpu.memory_space<hbm>>)
      tpu.yield
    }) : () -> ()
    "tpu.region"() ({
      %run_scoped3A = tpu.sem_alloc : memref<!tpu.dma_semaphore, #tpu.memory_space<semaphore_mem>>
      %dma_start3A_81 = arith.constant 0 : i32
      %dma_start3A_82 = tpu.memref_slice %arg6[%select_n3A, %mul3A_36, %dma_start3A_81] : memref<4x512x64xf32, #tpu.memory_space<hbm>> -> memref<1x64x64xf32, #tpu.memory_space<hbm>>
      %dma_start3A_83 = tpu.memref_squeeze %dma_start3A_82 : memref<1x64x64xf32, #tpu.memory_space<hbm>> -> memref<64x64xf32, #tpu.memory_space<hbm>>
      %dma_start3A_84 = arith.constant 0 : i32
      %dma_start3A_85 = tpu.memref_slice %arg6[%select_n3A, %mul3A_36, %dma_start3A_84] : memref<4x512x64xf32, #tpu.memory_space<hbm>> -> memref<1x64x64xf32, #tpu.memory_space<hbm>>
      %dma_start3A_86 = tpu.memref_squeeze %dma_start3A_85 : memref<1x64x64xf32, #tpu.memory_space<hbm>> -> memref<64x64xf32, #tpu.memory_space<hbm>>
      tpu.enqueue_dma source(%arg10 : memref<64x64xf32, #tpu.memory_space<vmem>>) target(%dma_start3A_86 : memref<64x64xf32, #tpu.memory_space<hbm>>) target_semaphore(%run_scoped3A : memref<!tpu.dma_semaphore, #tpu.memory_space<semaphore_mem>>)
      %dma_wait3A_87 = arith.constant 0 : i32
      %dma_wait3A_88 = tpu.memref_slice %arg6[%select_n3A, %mul3A_36, %dma_wait3A_87] : memref<4x512x64xf32, #tpu.memory_space<hbm>> -> memref<1x64x64xf32, #tpu.memory_space<hbm>>
      %dma_wait3A_89 = tpu.memref_squeeze %dma_wait3A_88 : memref<1x64x64xf32, #tpu.memory_space<hbm>> -> memref<64x64xf32, #tpu.memory_space<hbm>>
      %dma_wait3A_90 = arith.constant 0 : i32
      %dma_wait3A_91 = tpu.memref_slice %arg6[%select_n3A, %mul3A_36, %dma_wait3A_90] : memref<4x512x64xf32, #tpu.memory_space<hbm>> -> memref<1x64x64xf32, #tpu.memory_space<hbm>>
      %dma_wait3A_92 = tpu.memref_squeeze %dma_wait3A_91 : memref<1x64x64xf32, #tpu.memory_space<hbm>> -> memref<64x64xf32, #tpu.memory_space<hbm>>
      tpu.wait_dma2 semaphore(%run_scoped3A : memref<!tpu.dma_semaphore, #tpu.memory_space<semaphore_mem>>) src(%arg10 : memref<64x64xf32, #tpu.memory_space<vmem>>) dst(%dma_wait3A_92 : memref<64x64xf32, #tpu.memory_space<hbm>>)
      tpu.yield
    }) : () -> ()
    %scan3A_80 = arith.constant 1 : i32
    return
  }
}

module attributes {stable_mosaic.version = 14 : i64} {
  func.func @_pre_body(%arg0: i32, %arg1: memref<1x512x512xf32, #tpu.memory_space<vmem>>, %arg2: memref<4x2x16384xi32, #tpu.memory_space<vmem>>, %arg3: memref<8x16384xi32, #tpu.memory_space<vmem>>, %arg4: memref<1x512xf32, #tpu.memory_space<vmem>>, %arg5: memref<1x512xf32, #tpu.memory_space<vmem>>, %arg6: memref<512x512xf32, #tpu.memory_space<vmem>>, %arg7: memref<1x512xf32, #tpu.memory_space<vmem>>, %arg8: memref<512x512xf32, #tpu.memory_space<vmem>>, %arg9: memref<512x512xf32, #tpu.memory_space<vmem>>, %arg10: memref<64x512xf32, #tpu.memory_space<vmem>>, %arg11: memref<1x512x512xf32, #tpu.memory_space<vmem>>, %arg12: memref<1x512x512xf32, #tpu.memory_space<vmem>>, %arg13: memref<1x512x512xf32, #tpu.memory_space<vmem>>, %arg14: memref<1x512x64xf32, #tpu.memory_space<vmem>>, %arg15: memref<4x16384xi32, #tpu.memory_space<vmem>>) attributes {dimension_semantics = [#tpu.dimension_semantics<arbitrary>], iteration_bounds = array<i64: 4>, scalar_prefetch = 0 : i64, scratch_operands = 0 : i64, tpu.core_type = #tpu.core_type<tc>, window_params = [{transform_indices = @transform_0, window_bounds = array<i64: 1, 512, 512>}, {transform_indices = @transform_1, window_bounds = array<i64: 4, 2, 16384>}, {pipeline_mode = #tpu.pipeline_mode<synchronous>, transform_indices = @transform_2, window_bounds = array<i64: 8, 16384>}, {pipeline_mode = #tpu.pipeline_mode<synchronous>, transform_indices = @transform_3, window_bounds = array<i64: 1, 512>}, {pipeline_mode = #tpu.pipeline_mode<synchronous>, transform_indices = @transform_4, window_bounds = array<i64: 1, 512>}, {pipeline_mode = #tpu.pipeline_mode<synchronous>, transform_indices = @transform_5, window_bounds = array<i64: 512, 512>}, {pipeline_mode = #tpu.pipeline_mode<synchronous>, transform_indices = @transform_6, window_bounds = array<i64: 1, 512>}, {pipeline_mode = #tpu.pipeline_mode<synchronous>, transform_indices = @transform_7, window_bounds = array<i64: 512, 512>}, {pipeline_mode = #tpu.pipeline_mode<synchronous>, transform_indices = @transform_8, window_bounds = array<i64: 512, 512>}, {pipeline_mode = #tpu.pipeline_mode<synchronous>, transform_indices = @transform_9, window_bounds = array<i64: 64, 512>}, {transform_indices = @transform_10, window_bounds = array<i64: 1, 512, 512>}, {transform_indices = @transform_11, window_bounds = array<i64: 1, 512, 512>}, {transform_indices = @transform_12, window_bounds = array<i64: 1, 512, 512>}, {transform_indices = @transform_13, window_bounds = array<i64: 1, 512, 64>}, {pipeline_mode = #tpu.pipeline_mode<synchronous>, transform_indices = @transform_14, window_bounds = array<i64: 4, 16384>}]} {
    %get3A = arith.constant 0 : index
    %get3A_0 = arith.constant 0 : index
    %get3A_1 = arith.constant 0 : index
    %get3A_2 = vector.load %arg1[%get3A, %get3A_0, %get3A_1] : memref<1x512x512xf32, #tpu.memory_space<vmem>>, vector<1x512x512xf32>
    %get3A_3 = vector.shape_cast %get3A_2 : vector<1x512x512xf32> to vector<512x512xf32>
    %reduce_sum3A = arith.constant dense<0.000000e+00> : vector<512xf32>
    %reduce_sum3A_4 = vector.multi_reduction <add>, %get3A_3, %reduce_sum3A [1] : vector<512x512xf32> to vector<512xf32>
    %broadcast_in_dim3A = vector.shape_cast %reduce_sum3A_4 : vector<512xf32> to vector<512x1xf32>
    %div3A = arith.constant 5.120000e+02 : f32
    %div3A_5 = vector.broadcast %div3A : f32 to vector<512x1xf32>
    %div3A_6 = arith.divf %broadcast_in_dim3A, %div3A_5 : vector<512x1xf32>
    %sub3A = vector.broadcast %div3A_6 : vector<512x1xf32> to vector<512x512xf32>
    %sub3A_7 = arith.subf %get3A_3, %sub3A : vector<512x512xf32>
    %integer_pow3A = arith.mulf %sub3A_7, %sub3A_7 : vector<512x512xf32>
    %reduce_sum3A_8 = arith.constant dense<0.000000e+00> : vector<512xf32>
    %reduce_sum3A_9 = vector.multi_reduction <add>, %integer_pow3A, %reduce_sum3A_8 [1] : vector<512x512xf32> to vector<512xf32>
    %broadcast_in_dim3A_10 = vector.shape_cast %reduce_sum3A_9 : vector<512xf32> to vector<512x1xf32>
    %div3A_11 = arith.constant 5.120000e+02 : f32
    %div3A_12 = vector.broadcast %div3A_11 : f32 to vector<512x1xf32>
    %div3A_13 = arith.divf %broadcast_in_dim3A_10, %div3A_12 : vector<512x1xf32>
    %sub3A_14 = vector.broadcast %div3A_6 : vector<512x1xf32> to vector<512x512xf32>
    %sub3A_15 = arith.subf %get3A_3, %sub3A_14 : vector<512x512xf32>
    %add3A = arith.constant 9.99999997E-7 : f32
    %add3A_16 = vector.broadcast %add3A : f32 to vector<512x1xf32>
    %add3A_17 = arith.addf %div3A_13, %add3A_16 : vector<512x1xf32>
    %sqrt3A = math.sqrt %add3A_17 : vector<512x1xf32>
    %div3A_18 = vector.broadcast %sqrt3A : vector<512x1xf32> to vector<512x512xf32>
    %div3A_19 = arith.divf %sub3A_15, %div3A_18 : vector<512x512xf32>
    %get3A_20 = arith.constant 0 : index
    %get3A_21 = arith.constant 0 : index
    %get3A_22 = vector.load %arg4[%get3A_20, %get3A_21] : memref<1x512xf32, #tpu.memory_space<vmem>>, vector<1x512xf32>
    %mul3A = vector.broadcast %get3A_22 : vector<1x512xf32> to vector<512x512xf32>
    %mul3A_23 = arith.mulf %div3A_19, %mul3A : vector<512x512xf32>
    %get3A_24 = arith.constant 0 : index
    %get3A_25 = arith.constant 0 : index
    %get3A_26 = vector.load %arg5[%get3A_24, %get3A_25] : memref<1x512xf32, #tpu.memory_space<vmem>>, vector<1x512xf32>
    %add3A_27 = vector.broadcast %get3A_26 : vector<1x512xf32> to vector<512x512xf32>
    %add3A_28 = arith.addf %mul3A_23, %add3A_27 : vector<512x512xf32>
    %get3A_29 = arith.constant 0 : index
    %get3A_30 = arith.constant 0 : index
    %get3A_31 = vector.load %arg6[%get3A_29, %get3A_30] : memref<512x512xf32, #tpu.memory_space<vmem>>, vector<512x512xf32>
    %dot_general3A = arith.constant dense<0.000000e+00> : vector<512x512xf32>
    %dot_general3A_32 = tpu.matmul %add3A_28, %get3A_31, %dot_general3A {dimension_numbers = #tpu.dot_dimension_numbers<[1], [1], [0], [0], [0, 0, 1, 0], [], []>, transpose_lhs_hint = false} : vector<512x512xf32>, vector<512x512xf32>, vector<512x512xf32> -> vector<512x512xf32>
    %get3A_33 = arith.constant 0 : index
    %get3A_34 = arith.constant 0 : index
    %get3A_35 = vector.load %arg7[%get3A_33, %get3A_34] : memref<1x512xf32, #tpu.memory_space<vmem>>, vector<1x512xf32>
    %add3A_36 = vector.broadcast %get3A_35 : vector<1x512xf32> to vector<512x512xf32>
    %add3A_37 = arith.addf %dot_general3A_32, %add3A_36 : vector<512x512xf32>
    %get3A_38 = arith.constant 0 : index
    %get3A_39 = arith.constant 0 : index
    %get3A_40 = vector.load %arg8[%get3A_38, %get3A_39] : memref<512x512xf32, #tpu.memory_space<vmem>>, vector<512x512xf32>
    %dot_general3A_41 = arith.constant dense<0.000000e+00> : vector<512x512xf32>
    %dot_general3A_42 = tpu.matmul %add3A_28, %get3A_40, %dot_general3A_41 {dimension_numbers = #tpu.dot_dimension_numbers<[1], [1], [0], [0], [0, 0, 1, 0], [], []>, transpose_lhs_hint = false} : vector<512x512xf32>, vector<512x512xf32>, vector<512x512xf32> -> vector<512x512xf32>
    %get3A_43 = arith.constant 0 : index
    %get3A_44 = arith.constant 0 : index
    %get3A_45 = vector.load %arg9[%get3A_43, %get3A_44] : memref<512x512xf32, #tpu.memory_space<vmem>>, vector<512x512xf32>
    %dot_general3A_46 = arith.constant dense<0.000000e+00> : vector<512x512xf32>
    %dot_general3A_47 = tpu.matmul %add3A_28, %get3A_45, %dot_general3A_46 {dimension_numbers = #tpu.dot_dimension_numbers<[1], [1], [0], [0], [0, 0, 1, 0], [], []>, transpose_lhs_hint = false} : vector<512x512xf32>, vector<512x512xf32>, vector<512x512xf32> -> vector<512x512xf32>
    %dot_general3A_48 = arith.constant dense<0.000000e+00> : vector<512x512xf32>
    %dot_general3A_49 = tpu.matmul %add3A_37, %dot_general3A_42, %dot_general3A_48 {dimension_numbers = #tpu.dot_dimension_numbers<[1], [1], [0], [0], [0, 0, 1, 0], [], []>, transpose_lhs_hint = false} : vector<512x512xf32>, vector<512x512xf32>, vector<512x512xf32> -> vector<512x512xf32>
    %mul3A_50 = arith.constant 0.0441941731 : f32
    %mul3A_51 = vector.broadcast %mul3A_50 : f32 to vector<512x512xf32>
    %mul3A_52 = arith.mulf %dot_general3A_49, %mul3A_51 : vector<512x512xf32>
    %get3A_53 = arith.constant 0 : index
    %get3A_54 = arith.constant 0 : index
    %get3A_55 = vector.load %arg10[%get3A_53, %get3A_54] : memref<64x512xf32, #tpu.memory_space<vmem>>, vector<64x512xf32>
    %dot_general3A_56 = arith.constant dense<0.000000e+00> : vector<512x64xf32>
    %dot_general3A_57 = tpu.matmul %add3A_37, %get3A_55, %dot_general3A_56 {dimension_numbers = #tpu.dot_dimension_numbers<[1], [1], [0], [0], [0, 0, 1, 0], [], []>, transpose_lhs_hint = false} : vector<512x512xf32>, vector<64x512xf32>, vector<512x64xf32> -> vector<512x64xf32>
    %mul3A_58 = arith.constant 0.0441941731 : f32
    %mul3A_59 = vector.broadcast %mul3A_58 : f32 to vector<512x64xf32>
    %mul3A_60 = arith.mulf %dot_general3A_57, %mul3A_59 : vector<512x64xf32>
    %reduce_max3A = arith.constant dense<0xFF800000> : vector<512xf32>
    %reduce_max3A_61 = vector.multi_reduction <maximumf>, %mul3A_52, %reduce_max3A [1] : vector<512x512xf32> to vector<512xf32>
    %broadcast_in_dim3A_62 = vector.shape_cast %reduce_max3A_61 : vector<512xf32> to vector<512x1xf32>
    %reduce_max3A_63 = arith.constant dense<0xFF800000> : vector<512xf32>
    %reduce_max3A_64 = vector.multi_reduction <maximumf>, %mul3A_60, %reduce_max3A_63 [1] : vector<512x64xf32> to vector<512xf32>
    %broadcast_in_dim3A_65 = vector.shape_cast %reduce_max3A_64 : vector<512xf32> to vector<512x1xf32>
    %add3A_66 = arith.addf %broadcast_in_dim3A_62, %broadcast_in_dim3A_65 : vector<512x1xf32>
    %swap3A = arith.constant 0 : index
    %swap3A_67 = arith.constant 0 : index
    %swap3A_68 = arith.constant 0 : index
    %swap3A_69 = vector.load %arg11[%swap3A, %swap3A_67, %swap3A_68] : memref<1x512x512xf32, #tpu.memory_space<vmem>>, vector<1x512x512xf32>
    %swap3A_70 = vector.shape_cast %swap3A_69 : vector<1x512x512xf32> to vector<512x512xf32>
    %swap3A_71 = vector.shape_cast %add3A_28 : vector<512x512xf32> to vector<1x512x512xf32>
    tpu.vector_store %arg11[%swap3A, %swap3A_67, %swap3A_68], %swap3A_71 {strides = array<i32>} : memref<1x512x512xf32, #tpu.memory_space<vmem>>, vector<1x512x512xf32>,
    %swap3A_72 = arith.constant 0 : index
    %swap3A_73 = arith.constant 0 : index
    %swap3A_74 = arith.constant 0 : index
    %swap3A_75 = vector.load %arg12[%swap3A_72, %swap3A_73, %swap3A_74] : memref<1x512x512xf32, #tpu.memory_space<vmem>>, vector<1x512x512xf32>
    %swap3A_76 = vector.shape_cast %swap3A_75 : vector<1x512x512xf32> to vector<512x512xf32>
    %swap3A_77 = vector.shape_cast %dot_general3A_47 : vector<512x512xf32> to vector<1x512x512xf32>
    tpu.vector_store %arg12[%swap3A_72, %swap3A_73, %swap3A_74], %swap3A_77 {strides = array<i32>} : memref<1x512x512xf32, #tpu.memory_space<vmem>>, vector<1x512x512xf32>,
    %sub3A_78 = vector.broadcast %add3A_66 : vector<512x1xf32> to vector<512x512xf32>
    %sub3A_79 = arith.subf %mul3A_52, %sub3A_78 : vector<512x512xf32>
    %exp3A = math.exp %sub3A_79 : vector<512x512xf32>
    %swap3A_80 = arith.constant 0 : index
    %swap3A_81 = arith.constant 0 : index
    %swap3A_82 = arith.constant 0 : index
    %swap3A_83 = vector.load %arg13[%swap3A_80, %swap3A_81, %swap3A_82] : memref<1x512x512xf32, #tpu.memory_space<vmem>>, vector<1x512x512xf32>
    %swap3A_84 = vector.shape_cast %swap3A_83 : vector<1x512x512xf32> to vector<512x512xf32>
    %swap3A_85 = vector.shape_cast %exp3A : vector<512x512xf32> to vector<1x512x512xf32>
    tpu.vector_store %arg13[%swap3A_80, %swap3A_81, %swap3A_82], %swap3A_85 {strides = array<i32>} : memref<1x512x512xf32, #tpu.memory_space<vmem>>, vector<1x512x512xf32>,
    %exp3A_86 = math.exp %mul3A_60 : vector<512x64xf32>
    %swap3A_87 = arith.constant 0 : index
    %swap3A_88 = arith.constant 0 : index
    %swap3A_89 = arith.constant 0 : index
    %swap3A_90 = vector.load %arg14[%swap3A_87, %swap3A_88, %swap3A_89] : memref<1x512x64xf32, #tpu.memory_space<vmem>>, vector<1x512x64xf32>
    %swap3A_91 = vector.shape_cast %swap3A_90 : vector<1x512x64xf32> to vector<512x64xf32>
    %swap3A_92 = vector.shape_cast %exp3A_86 : vector<512x64xf32> to vector<1x512x64xf32>
    tpu.vector_store %arg14[%swap3A_87, %swap3A_88, %swap3A_89], %swap3A_92 {strides = array<i32>} : memref<1x512x64xf32, #tpu.memory_space<vmem>>, vector<1x512x64xf32>,
    %eq3A = arith.constant 0 : i32
    %eq3A_93 = arith.cmpi eq, %arg0, %eq3A : i32
    %convert_element_type3A = arith.extui %eq3A_93 : i1 to i32
    %cond3A = arith.constant 0 : i32
    %cond3A_94 = arith.cmpi ne, %convert_element_type3A, %cond3A : i32
    scf.if %cond3A_94 {
      %get3A_95 = arith.constant 4 : index
      %get3A_96 = arith.constant 0 : index
      %get3A_97 = vector.load %arg3[%get3A_95, %get3A_96] : memref<8x16384xi32, #tpu.memory_space<vmem>>, vector<4x16384xi32>
      %get3A_98 = arith.constant 0 : index
      %get3A_99 = arith.constant 1 : index
      %get3A_100 = arith.constant 0 : index
      %get3A_101 = vector.load %arg2[%get3A_98, %get3A_99, %get3A_100] : memref<4x2x16384xi32, #tpu.memory_space<vmem>>, vector<4x1x16384xi32>
      %get3A_102 = vector.shape_cast %get3A_101 : vector<4x1x16384xi32> to vector<4x16384xi32>
      %shift_left3A = arith.constant 15 : i32
      %shift_left3A_103 = vector.broadcast %shift_left3A : i32 to vector<4x16384xi32>
      %shift_left3A_104 = arith.shli %get3A_102, %shift_left3A_103 : vector<4x16384xi32>
      %get3A_105 = arith.constant 0 : index
      %get3A_106 = arith.constant 0 : index
      %get3A_107 = arith.constant 0 : index
      %get3A_108 = vector.load %arg2[%get3A_105, %get3A_106, %get3A_107] : memref<4x2x16384xi32, #tpu.memory_space<vmem>>, vector<4x1x16384xi32>
      %get3A_109 = vector.shape_cast %get3A_108 : vector<4x1x16384xi32> to vector<4x16384xi32>
      %shift_left3A_110 = arith.constant 6 : i32
      %shift_left3A_111 = vector.broadcast %shift_left3A_110 : i32 to vector<4x16384xi32>
      %shift_left3A_112 = arith.shli %get3A_109, %shift_left3A_111 : vector<4x16384xi32>
      %or3A = arith.ori %shift_left3A_104, %shift_left3A_112 : vector<4x16384xi32>
      %or3A_113 = arith.ori %or3A, %get3A_97 : vector<4x16384xi32>
      %swap3A_114 = arith.constant 0 : index
      %swap3A_115 = arith.constant 0 : index
      %swap3A_116 = vector.load %arg15[%swap3A_114, %swap3A_115] : memref<4x16384xi32, #tpu.memory_space<vmem>>, vector<4x16384xi32>
      tpu.vector_store %arg15[%swap3A_114, %swap3A_115], %or3A_113 {strides = array<i32>} : memref<4x16384xi32, #tpu.memory_space<vmem>>, vector<4x16384xi32>,
    } else {
    }
    return
  }
  func.func @transform_0(%arg0: i32) -> (i32, i32, i32) {
    %add3A = arith.constant 4 : i32
    %add3A_0 = arith.addi %arg0, %add3A : i32
    %c0_i32 = arith.constant 0 : i32
    %c0_i32_1 = arith.constant 0 : i32
    %c0_i32_2 = arith.constant 0 : i32
    return %add3A_0, %c0_i32, %c0_i32_1 : i32, i32, i32
  }
  func.func @transform_1(%arg0: i32) -> (i32, i32, i32) {
    %c1_i32 = arith.constant 1 : i32
    %c0_i32 = arith.constant 0 : i32
    %c0_i32_0 = arith.constant 0 : i32
    %c0_i32_1 = arith.constant 0 : i32
    return %c1_i32, %c0_i32, %c0_i32_0 : i32, i32, i32
  }
  func.func @transform_2(%arg0: i32) -> (i32, i32) {
    %c0_i32 = arith.constant 0 : i32
    %c0_i32_0 = arith.constant 0 : i32
    %c0_i32_1 = arith.constant 0 : i32
    return %c0_i32, %c0_i32_0 : i32, i32
  }
  func.func @transform_3(%arg0: i32) -> (i32, i32) {
    %c0_i32 = arith.constant 0 : i32
    %c0_i32_0 = arith.constant 0 : i32
    %c0_i32_1 = arith.constant 0 : i32
    return %c0_i32, %c0_i32_0 : i32, i32
  }
  func.func @transform_4(%arg0: i32) -> (i32, i32) {
    %c0_i32 = arith.constant 0 : i32
    %c0_i32_0 = arith.constant 0 : i32
    %c0_i32_1 = arith.constant 0 : i32
    return %c0_i32, %c0_i32_0 : i32, i32
  }
  func.func @transform_5(%arg0: i32) -> (i32, i32) {
    %c0_i32 = arith.constant 0 : i32
    %c0_i32_0 = arith.constant 0 : i32
    %c0_i32_1 = arith.constant 0 : i32
    return %c0_i32, %c0_i32_0 : i32, i32
  }
  func.func @transform_6(%arg0: i32) -> (i32, i32) {
    %c0_i32 = arith.constant 0 : i32
    %c0_i32_0 = arith.constant 0 : i32
    %c0_i32_1 = arith.constant 0 : i32
    return %c0_i32, %c0_i32_0 : i32, i32
  }
  func.func @transform_7(%arg0: i32) -> (i32, i32) {
    %c0_i32 = arith.constant 0 : i32
    %c0_i32_0 = arith.constant 0 : i32
    %c0_i32_1 = arith.constant 0 : i32
    return %c0_i32, %c0_i32_0 : i32, i32
  }
  func.func @transform_8(%arg0: i32) -> (i32, i32) {
    %c0_i32 = arith.constant 0 : i32
    %c0_i32_0 = arith.constant 0 : i32
    %c0_i32_1 = arith.constant 0 : i32
    return %c0_i32, %c0_i32_0 : i32, i32
  }
  func.func @transform_9(%arg0: i32) -> (i32, i32) {
    %c0_i32 = arith.constant 0 : i32
    %c0_i32_0 = arith.constant 0 : i32
    %c0_i32_1 = arith.constant 0 : i32
    return %c0_i32, %c0_i32_0 : i32, i32
  }
  func.func @transform_10(%arg0: i32) -> (i32, i32, i32) {
    %c0_i32 = arith.constant 0 : i32
    %c0_i32_0 = arith.constant 0 : i32
    %c0_i32_1 = arith.constant 0 : i32
    return %arg0, %c0_i32, %c0_i32_0 : i32, i32, i32
  }
  func.func @transform_11(%arg0: i32) -> (i32, i32, i32) {
    %c0_i32 = arith.constant 0 : i32
    %c0_i32_0 = arith.constant 0 : i32
    %c0_i32_1 = arith.constant 0 : i32
    return %arg0, %c0_i32, %c0_i32_0 : i32, i32, i32
  }
  func.func @transform_12(%arg0: i32) -> (i32, i32, i32) {
    %c0_i32 = arith.constant 0 : i32
    %c0_i32_0 = arith.constant 0 : i32
    %c0_i32_1 = arith.constant 0 : i32
    return %arg0, %c0_i32, %c0_i32_0 : i32, i32, i32
  }
  func.func @transform_13(%arg0: i32) -> (i32, i32, i32) {
    %c0_i32 = arith.constant 0 : i32
    %c0_i32_0 = arith.constant 0 : i32
    %c0_i32_1 = arith.constant 0 : i32
    return %arg0, %c0_i32, %c0_i32_0 : i32, i32, i32
  }
  func.func @transform_14(%arg0: i32) -> (i32, i32) {
    %c0_i32 = arith.constant 0 : i32
    %c0_i32_0 = arith.constant 0 : i32
    %c0_i32_1 = arith.constant 0 : i32
    return %c0_i32, %c0_i32_0 : i32, i32
  }
}

module attributes {stable_mosaic.version = 14 : i64} {
  func.func @_pre_body(%arg0: i32, %arg1: memref<1x512x512xf32, #tpu.memory_space<vmem>>, %arg2: memref<4x2x16384xi32, #tpu.memory_space<vmem>>, %arg3: memref<8x16384xi32, #tpu.memory_space<vmem>>, %arg4: memref<1x512xf32, #tpu.memory_space<vmem>>, %arg5: memref<1x512xf32, #tpu.memory_space<vmem>>, %arg6: memref<512x512xf32, #tpu.memory_space<vmem>>, %arg7: memref<1x512xf32, #tpu.memory_space<vmem>>, %arg8: memref<512x512xf32, #tpu.memory_space<vmem>>, %arg9: memref<512x512xf32, #tpu.memory_space<vmem>>, %arg10: memref<64x512xf32, #tpu.memory_space<vmem>>, %arg11: memref<1x512x512xf32, #tpu.memory_space<vmem>>, %arg12: memref<1x512x512xf32, #tpu.memory_space<vmem>>, %arg13: memref<1x512x512xf32, #tpu.memory_space<vmem>>, %arg14: memref<1x512x64xf32, #tpu.memory_space<vmem>>, %arg15: memref<4x16384xi32, #tpu.memory_space<vmem>>, %arg16: memref<1x512x512xf32, #tpu.memory_space<vmem>>) attributes {dimension_semantics = [#tpu.dimension_semantics<arbitrary>], iteration_bounds = array<i64: 4>, scalar_prefetch = 0 : i64, scratch_operands = 0 : i64, tpu.core_type = #tpu.core_type<tc>, window_params = [{transform_indices = @transform_0, window_bounds = array<i64: 1, 512, 512>}, {transform_indices = @transform_1, window_bounds = array<i64: 4, 2, 16384>}, {pipeline_mode = #tpu.pipeline_mode<synchronous>, transform_indices = @transform_2, window_bounds = array<i64: 8, 16384>}, {pipeline_mode = #tpu.pipeline_mode<synchronous>, transform_indices = @transform_3, window_bounds = array<i64: 1, 512>}, {pipeline_mode = #tpu.pipeline_mode<synchronous>, transform_indices = @transform_4, window_bounds = array<i64: 1, 512>}, {pipeline_mode = #tpu.pipeline_mode<synchronous>, transform_indices = @transform_5, window_bounds = array<i64: 512, 512>}, {pipeline_mode = #tpu.pipeline_mode<synchronous>, transform_indices = @transform_6, window_bounds = array<i64: 1, 512>}, {pipeline_mode = #tpu.pipeline_mode<synchronous>, transform_indices = @transform_7, window_bounds = array<i64: 512, 512>}, {pipeline_mode = #tpu.pipeline_mode<synchronous>, transform_indices = @transform_8, window_bounds = array<i64: 512, 512>}, {pipeline_mode = #tpu.pipeline_mode<synchronous>, transform_indices = @transform_9, window_bounds = array<i64: 64, 512>}, {transform_indices = @transform_10, window_bounds = array<i64: 1, 512, 512>}, {transform_indices = @transform_11, window_bounds = array<i64: 1, 512, 512>}, {transform_indices = @transform_12, window_bounds = array<i64: 1, 512, 512>}, {transform_indices = @transform_13, window_bounds = array<i64: 1, 512, 64>}, {pipeline_mode = #tpu.pipeline_mode<synchronous>, transform_indices = @transform_14, window_bounds = array<i64: 4, 16384>}, {transform_indices = @transform_15, window_bounds = array<i64: 1, 512, 512>}]} {
    %get3A = arith.constant 0 : index
    %get3A_0 = arith.constant 0 : index
    %get3A_1 = arith.constant 0 : index
    %get3A_2 = vector.load %arg1[%get3A, %get3A_0, %get3A_1] : memref<1x512x512xf32, #tpu.memory_space<vmem>>, vector<1x512x512xf32>
    %get3A_3 = vector.shape_cast %get3A_2 : vector<1x512x512xf32> to vector<512x512xf32>
    %reduce_sum3A = arith.constant dense<0.000000e+00> : vector<512xf32>
    %reduce_sum3A_4 = vector.multi_reduction <add>, %get3A_3, %reduce_sum3A [1] : vector<512x512xf32> to vector<512xf32>
    %broadcast_in_dim3A = vector.shape_cast %reduce_sum3A_4 : vector<512xf32> to vector<512x1xf32>
    %div3A = arith.constant 5.120000e+02 : f32
    %div3A_5 = vector.broadcast %div3A : f32 to vector<512x1xf32>
    %div3A_6 = arith.divf %broadcast_in_dim3A, %div3A_5 : vector<512x1xf32>
    %sub3A = vector.broadcast %div3A_6 : vector<512x1xf32> to vector<512x512xf32>
    %sub3A_7 = arith.subf %get3A_3, %sub3A : vector<512x512xf32>
    %integer_pow3A = arith.mulf %sub3A_7, %sub3A_7 : vector<512x512xf32>
    %reduce_sum3A_8 = arith.constant dense<0.000000e+00> : vector<512xf32>
    %reduce_sum3A_9 = vector.multi_reduction <add>, %integer_pow3A, %reduce_sum3A_8 [1] : vector<512x512xf32> to vector<512xf32>
    %broadcast_in_dim3A_10 = vector.shape_cast %reduce_sum3A_9 : vector<512xf32> to vector<512x1xf32>
    %div3A_11 = arith.constant 5.120000e+02 : f32
    %div3A_12 = vector.broadcast %div3A_11 : f32 to vector<512x1xf32>
    %div3A_13 = arith.divf %broadcast_in_dim3A_10, %div3A_12 : vector<512x1xf32>
    %sub3A_14 = vector.broadcast %div3A_6 : vector<512x1xf32> to vector<512x512xf32>
    %sub3A_15 = arith.subf %get3A_3, %sub3A_14 : vector<512x512xf32>
    %add3A = arith.constant 9.99999997E-7 : f32
    %add3A_16 = vector.broadcast %add3A : f32 to vector<512x1xf32>
    %add3A_17 = arith.addf %div3A_13, %add3A_16 : vector<512x1xf32>
    %sqrt3A = math.sqrt %add3A_17 : vector<512x1xf32>
    %div3A_18 = vector.broadcast %sqrt3A : vector<512x1xf32> to vector<512x512xf32>
    %div3A_19 = arith.divf %sub3A_15, %div3A_18 : vector<512x512xf32>
    %get3A_20 = arith.constant 0 : index
    %get3A_21 = arith.constant 0 : index
    %get3A_22 = vector.load %arg4[%get3A_20, %get3A_21] : memref<1x512xf32, #tpu.memory_space<vmem>>, vector<1x512xf32>
    %mul3A = vector.broadcast %get3A_22 : vector<1x512xf32> to vector<512x512xf32>
    %mul3A_23 = arith.mulf %div3A_19, %mul3A : vector<512x512xf32>
    %get3A_24 = arith.constant 0 : index
    %get3A_25 = arith.constant 0 : index
    %get3A_26 = vector.load %arg5[%get3A_24, %get3A_25] : memref<1x512xf32, #tpu.memory_space<vmem>>, vector<1x512xf32>
    %add3A_27 = vector.broadcast %get3A_26 : vector<1x512xf32> to vector<512x512xf32>
    %add3A_28 = arith.addf %mul3A_23, %add3A_27 : vector<512x512xf32>
    %get3A_29 = arith.constant 0 : index
    %get3A_30 = arith.constant 0 : index
    %get3A_31 = vector.load %arg6[%get3A_29, %get3A_30] : memref<512x512xf32, #tpu.memory_space<vmem>>, vector<512x512xf32>
    %dot_general3A = arith.constant dense<0.000000e+00> : vector<512x512xf32>
    %dot_general3A_32 = tpu.matmul %add3A_28, %get3A_31, %dot_general3A {dimension_numbers = #tpu.dot_dimension_numbers<[1], [1], [0], [0], [0, 0, 1, 0], [], []>, transpose_lhs_hint = false} : vector<512x512xf32>, vector<512x512xf32>, vector<512x512xf32> -> vector<512x512xf32>
    %get3A_33 = arith.constant 0 : index
    %get3A_34 = arith.constant 0 : index
    %get3A_35 = vector.load %arg7[%get3A_33, %get3A_34] : memref<1x512xf32, #tpu.memory_space<vmem>>, vector<1x512xf32>
    %add3A_36 = vector.broadcast %get3A_35 : vector<1x512xf32> to vector<512x512xf32>
    %add3A_37 = arith.addf %dot_general3A_32, %add3A_36 : vector<512x512xf32>
    %get3A_38 = arith.constant 0 : index
    %get3A_39 = arith.constant 0 : index
    %get3A_40 = vector.load %arg8[%get3A_38, %get3A_39] : memref<512x512xf32, #tpu.memory_space<vmem>>, vector<512x512xf32>
    %dot_general3A_41 = arith.constant dense<0.000000e+00> : vector<512x512xf32>
    %dot_general3A_42 = tpu.matmul %add3A_28, %get3A_40, %dot_general3A_41 {dimension_numbers = #tpu.dot_dimension_numbers<[1], [1], [0], [0], [0, 0, 1, 0], [], []>, transpose_lhs_hint = false} : vector<512x512xf32>, vector<512x512xf32>, vector<512x512xf32> -> vector<512x512xf32>
    %get3A_43 = arith.constant 0 : index
    %get3A_44 = arith.constant 0 : index
    %get3A_45 = vector.load %arg9[%get3A_43, %get3A_44] : memref<512x512xf32, #tpu.memory_space<vmem>>, vector<512x512xf32>
    %dot_general3A_46 = arith.constant dense<0.000000e+00> : vector<512x512xf32>
    %dot_general3A_47 = tpu.matmul %add3A_28, %get3A_45, %dot_general3A_46 {dimension_numbers = #tpu.dot_dimension_numbers<[1], [1], [0], [0], [0, 0, 1, 0], [], []>, transpose_lhs_hint = false} : vector<512x512xf32>, vector<512x512xf32>, vector<512x512xf32> -> vector<512x512xf32>
    %dot_general3A_48 = arith.constant dense<0.000000e+00> : vector<512x512xf32>
    %dot_general3A_49 = tpu.matmul %add3A_37, %dot_general3A_42, %dot_general3A_48 {dimension_numbers = #tpu.dot_dimension_numbers<[1], [1], [0], [0], [0, 0, 1, 0], [], []>, transpose_lhs_hint = false} : vector<512x512xf32>, vector<512x512xf32>, vector<512x512xf32> -> vector<512x512xf32>
    %mul3A_50 = arith.constant 0.0441941731 : f32
    %mul3A_51 = vector.broadcast %mul3A_50 : f32 to vector<512x512xf32>
    %mul3A_52 = arith.mulf %dot_general3A_49, %mul3A_51 : vector<512x512xf32>
    %get3A_53 = arith.constant 0 : index
    %get3A_54 = arith.constant 0 : index
    %get3A_55 = vector.load %arg10[%get3A_53, %get3A_54] : memref<64x512xf32, #tpu.memory_space<vmem>>, vector<64x512xf32>
    %dot_general3A_56 = arith.constant dense<0.000000e+00> : vector<512x64xf32>
    %dot_general3A_57 = tpu.matmul %add3A_37, %get3A_55, %dot_general3A_56 {dimension_numbers = #tpu.dot_dimension_numbers<[1], [1], [0], [0], [0, 0, 1, 0], [], []>, transpose_lhs_hint = false} : vector<512x512xf32>, vector<64x512xf32>, vector<512x64xf32> -> vector<512x64xf32>
    %mul3A_58 = arith.constant 0.0441941731 : f32
    %mul3A_59 = vector.broadcast %mul3A_58 : f32 to vector<512x64xf32>
    %mul3A_60 = arith.mulf %dot_general3A_57, %mul3A_59 : vector<512x64xf32>
    %reduce_max3A = arith.constant dense<0xFF800000> : vector<512xf32>
    %reduce_max3A_61 = vector.multi_reduction <maximumf>, %mul3A_52, %reduce_max3A [1] : vector<512x512xf32> to vector<512xf32>
    %broadcast_in_dim3A_62 = vector.shape_cast %reduce_max3A_61 : vector<512xf32> to vector<512x1xf32>
    %reduce_max3A_63 = arith.constant dense<0xFF800000> : vector<512xf32>
    %reduce_max3A_64 = vector.multi_reduction <maximumf>, %mul3A_60, %reduce_max3A_63 [1] : vector<512x64xf32> to vector<512xf32>
    %broadcast_in_dim3A_65 = vector.shape_cast %reduce_max3A_64 : vector<512xf32> to vector<512x1xf32>
    %add3A_66 = arith.addf %broadcast_in_dim3A_62, %broadcast_in_dim3A_65 : vector<512x1xf32>
    %swap3A = arith.constant 0 : index
    %swap3A_67 = arith.constant 0 : index
    %swap3A_68 = arith.constant 0 : index
    %swap3A_69 = vector.load %arg11[%swap3A, %swap3A_67, %swap3A_68] : memref<1x512x512xf32, #tpu.memory_space<vmem>>, vector<1x512x512xf32>
    %swap3A_70 = vector.shape_cast %swap3A_69 : vector<1x512x512xf32> to vector<512x512xf32>
    %swap3A_71 = vector.shape_cast %add3A_28 : vector<512x512xf32> to vector<1x512x512xf32>
    tpu.vector_store %arg11[%swap3A, %swap3A_67, %swap3A_68], %swap3A_71 {strides = array<i32>} : memref<1x512x512xf32, #tpu.memory_space<vmem>>, vector<1x512x512xf32>,
    %swap3A_72 = arith.constant 0 : index
    %swap3A_73 = arith.constant 0 : index
    %swap3A_74 = arith.constant 0 : index
    %swap3A_75 = vector.load %arg12[%swap3A_72, %swap3A_73, %swap3A_74] : memref<1x512x512xf32, #tpu.memory_space<vmem>>, vector<1x512x512xf32>
    %swap3A_76 = vector.shape_cast %swap3A_75 : vector<1x512x512xf32> to vector<512x512xf32>
    %swap3A_77 = vector.shape_cast %dot_general3A_47 : vector<512x512xf32> to vector<1x512x512xf32>
    tpu.vector_store %arg12[%swap3A_72, %swap3A_73, %swap3A_74], %swap3A_77 {strides = array<i32>} : memref<1x512x512xf32, #tpu.memory_space<vmem>>, vector<1x512x512xf32>,
    %swap3A_78 = arith.constant 0 : index
    %swap3A_79 = arith.constant 0 : index
    %swap3A_80 = arith.constant 0 : index
    %swap3A_81 = vector.load %arg16[%swap3A_78, %swap3A_79, %swap3A_80] : memref<1x512x512xf32, #tpu.memory_space<vmem>>, vector<1x512x512xf32>
    %swap3A_82 = vector.shape_cast %swap3A_81 : vector<1x512x512xf32> to vector<512x512xf32>
    %swap3A_83 = vector.shape_cast %add3A_28 : vector<512x512xf32> to vector<1x512x512xf32>
    tpu.vector_store %arg16[%swap3A_78, %swap3A_79, %swap3A_80], %swap3A_83 {strides = array<i32>} : memref<1x512x512xf32, #tpu.memory_space<vmem>>, vector<1x512x512xf32>,
    %sub3A_84 = vector.broadcast %add3A_66 : vector<512x1xf32> to vector<512x512xf32>
    %sub3A_85 = arith.subf %mul3A_52, %sub3A_84 : vector<512x512xf32>
    %exp3A = math.exp %sub3A_85 : vector<512x512xf32>
    %swap3A_86 = arith.constant 0 : index
    %swap3A_87 = arith.constant 0 : index
    %swap3A_88 = arith.constant 0 : index
    %swap3A_89 = vector.load %arg13[%swap3A_86, %swap3A_87, %swap3A_88] : memref<1x512x512xf32, #tpu.memory_space<vmem>>, vector<1x512x512xf32>
    %swap3A_90 = vector.shape_cast %swap3A_89 : vector<1x512x512xf32> to vector<512x512xf32>
    %swap3A_91 = vector.shape_cast %exp3A : vector<512x512xf32> to vector<1x512x512xf32>
    tpu.vector_store %arg13[%swap3A_86, %swap3A_87, %swap3A_88], %swap3A_91 {strides = array<i32>} : memref<1x512x512xf32, #tpu.memory_space<vmem>>, vector<1x512x512xf32>,
    %exp3A_92 = math.exp %mul3A_60 : vector<512x64xf32>
    %swap3A_93 = arith.constant 0 : index
    %swap3A_94 = arith.constant 0 : index
    %swap3A_95 = arith.constant 0 : index
    %swap3A_96 = vector.load %arg14[%swap3A_93, %swap3A_94, %swap3A_95] : memref<1x512x64xf32, #tpu.memory_space<vmem>>, vector<1x512x64xf32>
    %swap3A_97 = vector.shape_cast %swap3A_96 : vector<1x512x64xf32> to vector<512x64xf32>
    %swap3A_98 = vector.shape_cast %exp3A_92 : vector<512x64xf32> to vector<1x512x64xf32>
    tpu.vector_store %arg14[%swap3A_93, %swap3A_94, %swap3A_95], %swap3A_98 {strides = array<i32>} : memref<1x512x64xf32, #tpu.memory_space<vmem>>, vector<1x512x64xf32>,
    %eq3A = arith.constant 0 : i32
    %eq3A_99 = arith.cmpi eq, %arg0, %eq3A : i32
    %convert_element_type3A = arith.extui %eq3A_99 : i1 to i32
    %cond3A = arith.constant 0 : i32
    %cond3A_100 = arith.cmpi ne, %convert_element_type3A, %cond3A : i32
    scf.if %cond3A_100 {
      %get3A_101 = arith.constant 0 : index
      %get3A_102 = arith.constant 0 : index
      %get3A_103 = vector.load %arg3[%get3A_101, %get3A_102] : memref<8x16384xi32, #tpu.memory_space<vmem>>, vector<4x16384xi32>
      %get3A_104 = arith.constant 0 : index
      %get3A_105 = arith.constant 1 : index
      %get3A_106 = arith.constant 0 : index
      %get3A_107 = vector.load %arg2[%get3A_104, %get3A_105, %get3A_106] : memref<4x2x16384xi32, #tpu.memory_space<vmem>>, vector<4x1x16384xi32>
      %get3A_108 = vector.shape_cast %get3A_107 : vector<4x1x16384xi32> to vector<4x16384xi32>
      %shift_left3A = arith.constant 15 : i32
      %shift_left3A_109 = vector.broadcast %shift_left3A : i32 to vector<4x16384xi32>
      %shift_left3A_110 = arith.shli %get3A_108, %shift_left3A_109 : vector<4x16384xi32>
      %get3A_111 = arith.constant 0 : index
      %get3A_112 = arith.constant 0 : index
      %get3A_113 = arith.constant 0 : index
      %get3A_114 = vector.load %arg2[%get3A_111, %get3A_112, %get3A_113] : memref<4x2x16384xi32, #tpu.memory_space<vmem>>, vector<4x1x16384xi32>
      %get3A_115 = vector.shape_cast %get3A_114 : vector<4x1x16384xi32> to vector<4x16384xi32>
      %shift_left3A_116 = arith.constant 6 : i32
      %shift_left3A_117 = vector.broadcast %shift_left3A_116 : i32 to vector<4x16384xi32>
      %shift_left3A_118 = arith.shli %get3A_115, %shift_left3A_117 : vector<4x16384xi32>
      %or3A = arith.ori %shift_left3A_110, %shift_left3A_118 : vector<4x16384xi32>
      %or3A_119 = arith.ori %or3A, %get3A_103 : vector<4x16384xi32>
      %swap3A_120 = arith.constant 0 : index
      %swap3A_121 = arith.constant 0 : index
      %swap3A_122 = vector.load %arg15[%swap3A_120, %swap3A_121] : memref<4x16384xi32, #tpu.memory_space<vmem>>, vector<4x16384xi32>
      tpu.vector_store %arg15[%swap3A_120, %swap3A_121], %or3A_119 {strides = array<i32>} : memref<4x16384xi32, #tpu.memory_space<vmem>>, vector<4x16384xi32>,
    } else {
    }
    return
  }
  func.func @transform_0(%arg0: i32) -> (i32, i32, i32) {
    %add3A = arith.constant 0 : i32
    %add3A_0 = arith.addi %arg0, %add3A : i32
    %c0_i32 = arith.constant 0 : i32
    %c0_i32_1 = arith.constant 0 : i32
    %c0_i32_2 = arith.constant 0 : i32
    return %add3A_0, %c0_i32, %c0_i32_1 : i32, i32, i32
  }
  func.func @transform_1(%arg0: i32) -> (i32, i32, i32) {
    %c0_i32 = arith.constant 0 : i32
    %c0_i32_0 = arith.constant 0 : i32
    %c0_i32_1 = arith.constant 0 : i32
    %c0_i32_2 = arith.constant 0 : i32
    return %c0_i32, %c0_i32_0, %c0_i32_1 : i32, i32, i32
  }
  func.func @transform_2(%arg0: i32) -> (i32, i32) {
    %c0_i32 = arith.constant 0 : i32
    %c0_i32_0 = arith.constant 0 : i32
    %c0_i32_1 = arith.constant 0 : i32
    return %c0_i32, %c0_i32_0 : i32, i32
  }
  func.func @transform_3(%arg0: i32) -> (i32, i32) {
    %c0_i32 = arith.constant 0 : i32
    %c0_i32_0 = arith.constant 0 : i32
    %c0_i32_1 = arith.constant 0 : i32
    return %c0_i32, %c0_i32_0 : i32, i32
  }
  func.func @transform_4(%arg0: i32) -> (i32, i32) {
    %c0_i32 = arith.constant 0 : i32
    %c0_i32_0 = arith.constant 0 : i32
    %c0_i32_1 = arith.constant 0 : i32
    return %c0_i32, %c0_i32_0 : i32, i32
  }
  func.func @transform_5(%arg0: i32) -> (i32, i32) {
    %c0_i32 = arith.constant 0 : i32
    %c0_i32_0 = arith.constant 0 : i32
    %c0_i32_1 = arith.constant 0 : i32
    return %c0_i32, %c0_i32_0 : i32, i32
  }
  func.func @transform_6(%arg0: i32) -> (i32, i32) {
    %c0_i32 = arith.constant 0 : i32
    %c0_i32_0 = arith.constant 0 : i32
    %c0_i32_1 = arith.constant 0 : i32
    return %c0_i32, %c0_i32_0 : i32, i32
  }
  func.func @transform_7(%arg0: i32) -> (i32, i32) {
    %c0_i32 = arith.constant 0 : i32
    %c0_i32_0 = arith.constant 0 : i32
    %c0_i32_1 = arith.constant 0 : i32
    return %c0_i32, %c0_i32_0 : i32, i32
  }
  func.func @transform_8(%arg0: i32) -> (i32, i32) {
    %c0_i32 = arith.constant 0 : i32
    %c0_i32_0 = arith.constant 0 : i32
    %c0_i32_1 = arith.constant 0 : i32
    return %c0_i32, %c0_i32_0 : i32, i32
  }
  func.func @transform_9(%arg0: i32) -> (i32, i32) {
    %c0_i32 = arith.constant 0 : i32
    %c0_i32_0 = arith.constant 0 : i32
    %c0_i32_1 = arith.constant 0 : i32
    return %c0_i32, %c0_i32_0 : i32, i32
  }
  func.func @transform_10(%arg0: i32) -> (i32, i32, i32) {
    %c0_i32 = arith.constant 0 : i32
    %c0_i32_0 = arith.constant 0 : i32
    %c0_i32_1 = arith.constant 0 : i32
    return %arg0, %c0_i32, %c0_i32_0 : i32, i32, i32
  }
  func.func @transform_11(%arg0: i32) -> (i32, i32, i32) {
    %c0_i32 = arith.constant 0 : i32
    %c0_i32_0 = arith.constant 0 : i32
    %c0_i32_1 = arith.constant 0 : i32
    return %arg0, %c0_i32, %c0_i32_0 : i32, i32, i32
  }
  func.func @transform_12(%arg0: i32) -> (i32, i32, i32) {
    %c0_i32 = arith.constant 0 : i32
    %c0_i32_0 = arith.constant 0 : i32
    %c0_i32_1 = arith.constant 0 : i32
    return %arg0, %c0_i32, %c0_i32_0 : i32, i32, i32
  }
  func.func @transform_13(%arg0: i32) -> (i32, i32, i32) {
    %c0_i32 = arith.constant 0 : i32
    %c0_i32_0 = arith.constant 0 : i32
    %c0_i32_1 = arith.constant 0 : i32
    return %arg0, %c0_i32, %c0_i32_0 : i32, i32, i32
  }
  func.func @transform_14(%arg0: i32) -> (i32, i32) {
    %c0_i32 = arith.constant 0 : i32
    %c0_i32_0 = arith.constant 0 : i32
    %c0_i32_1 = arith.constant 0 : i32
    return %c0_i32, %c0_i32_0 : i32, i32
  }
  func.func @transform_15(%arg0: i32) -> (i32, i32, i32) {
    %c0_i32 = arith.constant 0 : i32
    %c0_i32_0 = arith.constant 0 : i32
    %c0_i32_1 = arith.constant 0 : i32
    return %arg0, %c0_i32, %c0_i32_0 : i32, i32, i32
  }
}

module attributes {stable_mosaic.version = 14 : i64} {
  func.func @_post_body(%arg0: i32, %arg1: memref<1x512x512xf32, #tpu.memory_space<vmem>>, %arg2: memref<1x512x64xf32, #tpu.memory_space<vmem>>, %arg3: memref<1x512x512xf32, #tpu.memory_space<vmem>>, %arg4: memref<64x512xbf16, #tpu.memory_space<vmem>>, %arg5: memref<512x512xbf16, #tpu.memory_space<vmem>>, %arg6: memref<1x512xf32, #tpu.memory_space<vmem>>, %arg7: memref<1x512x512xf32, #tpu.memory_space<vmem>>, %arg8: memref<1x512xf32, #tpu.memory_space<vmem>>, %arg9: memref<1x512xf32, #tpu.memory_space<vmem>>, %arg10: memref<1x512x512xf32, #tpu.memory_space<vmem>>, %arg11: memref<8x512x512xf32, #tpu.memory_space<any>>, %arg12: memref<1x512x512xf32, #tpu.memory_space<vmem>>) attributes {dimension_semantics = [#tpu.dimension_semantics<arbitrary>], iteration_bounds = array<i64: 4>, scalar_prefetch = 0 : i64, scratch_operands = 0 : i64, tpu.core_type = #tpu.core_type<tc>, window_params = [{transform_indices = @transform_0, window_bounds = array<i64: 1, 512, 512>}, {transform_indices = @transform_1, window_bounds = array<i64: 1, 512, 64>}, {transform_indices = @transform_2, window_bounds = array<i64: 1, 512, 512>}, {pipeline_mode = #tpu.pipeline_mode<synchronous>, transform_indices = @transform_3, window_bounds = array<i64: 64, 512>}, {pipeline_mode = #tpu.pipeline_mode<synchronous>, transform_indices = @transform_4, window_bounds = array<i64: 512, 512>}, {pipeline_mode = #tpu.pipeline_mode<synchronous>, transform_indices = @transform_5, window_bounds = array<i64: 1, 512>}, {transform_indices = @transform_6, window_bounds = array<i64: 1, 512, 512>}, {pipeline_mode = #tpu.pipeline_mode<synchronous>, transform_indices = @transform_7, window_bounds = array<i64: 1, 512>}, {pipeline_mode = #tpu.pipeline_mode<synchronous>, transform_indices = @transform_8, window_bounds = array<i64: 1, 512>}, {transform_indices = @transform_9, window_bounds = array<i64: 1, 512, 512>}, {}, {transform_indices = @transform_11, window_bounds = array<i64: 1, 512, 512>}]} {
    %get3A = arith.constant 0 : index
    %get3A_0 = arith.constant 0 : index
    %get3A_1 = arith.constant 0 : index
    %get3A_2 = vector.load %arg1[%get3A, %get3A_0, %get3A_1] : memref<1x512x512xf32, #tpu.memory_space<vmem>>, vector<1x512x512xf32>
    %get3A_3 = vector.shape_cast %get3A_2 : vector<1x512x512xf32> to vector<512x512xf32>
    %reduce_sum3A = arith.constant dense<0.000000e+00> : vector<512xf32>
    %reduce_sum3A_4 = vector.multi_reduction <add>, %get3A_3, %reduce_sum3A [1] : vector<512x512xf32> to vector<512xf32>
    %broadcast_in_dim3A = vector.shape_cast %reduce_sum3A_4 : vector<512xf32> to vector<512x1xf32>
    %convert_element_type3A = arith.truncf %get3A_3 : vector<512x512xf32> to vector<512x512xbf16>
    %get3A_5 = arith.constant 0 : index
    %get3A_6 = arith.constant 0 : index
    %get3A_7 = arith.constant 0 : index
    %get3A_8 = vector.load %arg3[%get3A_5, %get3A_6, %get3A_7] : memref<1x512x512xf32, #tpu.memory_space<vmem>>, vector<1x512x512xf32>
    %get3A_9 = vector.shape_cast %get3A_8 : vector<1x512x512xf32> to vector<512x512xf32>
    %convert_element_type3A_10 = arith.truncf %get3A_9 : vector<512x512xf32> to vector<512x512xbf16>
    %dot_general3A = arith.constant dense<0.000000e+00> : vector<512x512xf32>
    %dot_general3A_11 = tpu.matmul %convert_element_type3A, %convert_element_type3A_10, %dot_general3A {dimension_numbers = #tpu.dot_dimension_numbers<[1], [0], [0], [1], [0, 0, 1, 1], [], []>, transpose_lhs_hint = false} : vector<512x512xbf16>, vector<512x512xbf16>, vector<512x512xf32> -> vector<512x512xf32>
    %get3A_12 = arith.constant 0 : index
    %get3A_13 = arith.constant 0 : index
    %get3A_14 = arith.constant 0 : index
    %get3A_15 = vector.load %arg2[%get3A_12, %get3A_13, %get3A_14] : memref<1x512x64xf32, #tpu.memory_space<vmem>>, vector<1x512x64xf32>
    %get3A_16 = vector.shape_cast %get3A_15 : vector<1x512x64xf32> to vector<512x64xf32>
    %convert_element_type3A_17 = arith.truncf %get3A_16 : vector<512x64xf32> to vector<512x64xbf16>
    %get3A_18 = arith.constant 0 : index
    %get3A_19 = arith.constant 0 : index
    %get3A_20 = vector.load %arg4[%get3A_18, %get3A_19] : memref<64x512xbf16, #tpu.memory_space<vmem>>, vector<64x512xbf16>
    %dot_general3A_21 = arith.constant dense<0.000000e+00> : vector<512x512xf32>
    %dot_general3A_22 = tpu.matmul %convert_element_type3A_17, %get3A_20, %dot_general3A_21 {dimension_numbers = #tpu.dot_dimension_numbers<[1], [0], [0], [1], [0, 0, 1, 1], [], []>, transpose_lhs_hint = false} : vector<512x64xbf16>, vector<64x512xbf16>, vector<512x512xf32> -> vector<512x512xf32>
    %add3A = arith.addf %dot_general3A_11, %dot_general3A_22 : vector<512x512xf32>
    %max3A = arith.constant 9.99999996E-13 : f32
    %max3A_23 = vector.broadcast %max3A : f32 to vector<512x1xf32>
    %max3A_24 = arith.maximumf %broadcast_in_dim3A, %max3A_23 : vector<512x1xf32>
    %div3A = vector.broadcast %max3A_24 : vector<512x1xf32> to vector<512x512xf32>
    %div3A_25 = arith.divf %add3A, %div3A : vector<512x512xf32>
    %convert_element_type3A_26 = arith.truncf %div3A_25 : vector<512x512xf32> to vector<512x512xbf16>
    %get3A_27 = arith.constant 0 : index
    %get3A_28 = arith.constant 0 : index
    %get3A_29 = vector.load %arg5[%get3A_27, %get3A_28] : memref<512x512xbf16, #tpu.memory_space<vmem>>, vector<512x512xbf16>
    %dot_general3A_30 = arith.constant dense<0.000000e+00> : vector<512x512xf32>
    %dot_general3A_31 = tpu.matmul %convert_element_type3A_26, %get3A_29, %dot_general3A_30 {dimension_numbers = #tpu.dot_dimension_numbers<[1], [1], [0], [0], [0, 0, 1, 0], [], []>, transpose_lhs_hint = false} : vector<512x512xbf16>, vector<512x512xbf16>, vector<512x512xf32> -> vector<512x512xf32>
    %get3A_32 = arith.constant 0 : index
    %get3A_33 = arith.constant 0 : index
    %get3A_34 = vector.load %arg6[%get3A_32, %get3A_33] : memref<1x512xf32, #tpu.memory_space<vmem>>, vector<1x512xf32>
    %add3A_35 = vector.broadcast %get3A_34 : vector<1x512xf32> to vector<512x512xf32>
    %add3A_36 = arith.addf %dot_general3A_31, %add3A_35 : vector<512x512xf32>
    %get3A_37 = arith.constant 0 : index
    %get3A_38 = arith.constant 0 : index
    %get3A_39 = arith.constant 0 : index
    %get3A_40 = vector.load %arg7[%get3A_37, %get3A_38, %get3A_39] : memref<1x512x512xf32, #tpu.memory_space<vmem>>, vector<1x512x512xf32>
    %get3A_41 = vector.shape_cast %get3A_40 : vector<1x512x512xf32> to vector<512x512xf32>
    %add3A_42 = arith.addf %get3A_41, %add3A_36 : vector<512x512xf32>
    %reduce_sum3A_43 = arith.constant dense<0.000000e+00> : vector<512xf32>
    %reduce_sum3A_44 = vector.multi_reduction <add>, %add3A_42, %reduce_sum3A_43 [1] : vector<512x512xf32> to vector<512xf32>
    %broadcast_in_dim3A_45 = vector.shape_cast %reduce_sum3A_44 : vector<512xf32> to vector<512x1xf32>
    %div3A_46 = arith.constant 5.120000e+02 : f32
    %div3A_47 = vector.broadcast %div3A_46 : f32 to vector<512x1xf32>
    %div3A_48 = arith.divf %broadcast_in_dim3A_45, %div3A_47 : vector<512x1xf32>
    %sub3A = vector.broadcast %div3A_48 : vector<512x1xf32> to vector<512x512xf32>
    %sub3A_49 = arith.subf %add3A_42, %sub3A : vector<512x512xf32>
    %integer_pow3A = arith.mulf %sub3A_49, %sub3A_49 : vector<512x512xf32>
    %reduce_sum3A_50 = arith.constant dense<0.000000e+00> : vector<512xf32>
    %reduce_sum3A_51 = vector.multi_reduction <add>, %integer_pow3A, %reduce_sum3A_50 [1] : vector<512x512xf32> to vector<512xf32>
    %broadcast_in_dim3A_52 = vector.shape_cast %reduce_sum3A_51 : vector<512xf32> to vector<512x1xf32>
    %div3A_53 = arith.constant 5.120000e+02 : f32
    %div3A_54 = vector.broadcast %div3A_53 : f32 to vector<512x1xf32>
    %div3A_55 = arith.divf %broadcast_in_dim3A_52, %div3A_54 : vector<512x1xf32>
    %sub3A_56 = vector.broadcast %div3A_48 : vector<512x1xf32> to vector<512x512xf32>
    %sub3A_57 = arith.subf %add3A_42, %sub3A_56 : vector<512x512xf32>
    %add3A_58 = arith.constant 9.99999974E-6 : f32
    %add3A_59 = vector.broadcast %add3A_58 : f32 to vector<512x1xf32>
    %add3A_60 = arith.addf %div3A_55, %add3A_59 : vector<512x1xf32>
    %sqrt3A = math.sqrt %add3A_60 : vector<512x1xf32>
    %div3A_61 = vector.broadcast %sqrt3A : vector<512x1xf32> to vector<512x512xf32>
    %div3A_62 = arith.divf %sub3A_57, %div3A_61 : vector<512x512xf32>
    %get3A_63 = arith.constant 0 : index
    %get3A_64 = arith.constant 0 : index
    %get3A_65 = vector.load %arg8[%get3A_63, %get3A_64] : memref<1x512xf32, #tpu.memory_space<vmem>>, vector<1x512xf32>
    %mul3A = vector.broadcast %get3A_65 : vector<1x512xf32> to vector<512x512xf32>
    %mul3A_66 = arith.mulf %div3A_62, %mul3A : vector<512x512xf32>
    %get3A_67 = arith.constant 0 : index
    %get3A_68 = arith.constant 0 : index
    %get3A_69 = vector.load %arg9[%get3A_67, %get3A_68] : memref<1x512xf32, #tpu.memory_space<vmem>>, vector<1x512xf32>
    %add3A_70 = vector.broadcast %get3A_69 : vector<1x512xf32> to vector<512x512xf32>
    %add3A_71 = arith.addf %mul3A_66, %add3A_70 : vector<512x512xf32>
    %get3A_72 = arith.constant 0 : index
    %get3A_73 = arith.constant 0 : index
    %get3A_74 = arith.constant 0 : index
    %get3A_75 = vector.load %arg10[%get3A_72, %get3A_73, %get3A_74] : memref<1x512x512xf32, #tpu.memory_space<vmem>>, vector<1x512x512xf32>
    %get3A_76 = vector.shape_cast %get3A_75 : vector<1x512x512xf32> to vector<512x512xf32>
    %gt3A = arith.constant 0.000000e+00 : f32
    %gt3A_77 = vector.broadcast %gt3A : f32 to vector<512x512xf32>
    %gt3A_78 = arith.cmpf ogt, %add3A_71, %gt3A_77 : vector<512x512xf32>
    %min3A = arith.constant 0.000000e+00 : f32
    %min3A_79 = vector.broadcast %min3A : f32 to vector<512x512xf32>
    %min3A_80 = arith.minimumf %add3A_71, %min3A_79 : vector<512x512xf32>
    %exp3A = math.exp %min3A_80 : vector<512x512xf32>
    %sub3A_81 = arith.constant 1.000000e+00 : f32
    %sub3A_82 = vector.broadcast %sub3A_81 : f32 to vector<512x512xf32>
    %sub3A_83 = arith.subf %exp3A, %sub3A_82 : vector<512x512xf32>
    %select_n3A = arith.select %gt3A_78, %add3A_71, %sub3A_83 : vector<512x512xi1>, vector<512x512xf32>
    %add3A_84 = arith.addf %get3A_76, %select_n3A : vector<512x512xf32>
    %swap3A = arith.constant 0 : index
    %swap3A_85 = arith.constant 0 : index
    %swap3A_86 = arith.constant 0 : index
    %swap3A_87 = vector.load %arg12[%swap3A, %swap3A_85, %swap3A_86] : memref<1x512x512xf32, #tpu.memory_space<vmem>>, vector<1x512x512xf32>
    %swap3A_88 = vector.shape_cast %swap3A_87 : vector<1x512x512xf32> to vector<512x512xf32>
    %swap3A_89 = vector.shape_cast %add3A_84 : vector<512x512xf32> to vector<1x512x512xf32>
    tpu.vector_store %arg12[%swap3A, %swap3A_85, %swap3A_86], %swap3A_89 {strides = array<i32>} : memref<1x512x512xf32, #tpu.memory_space<vmem>>, vector<1x512x512xf32>,
    return
  }
  func.func @transform_0(%arg0: i32) -> (i32, i32, i32) {
    %c0_i32 = arith.constant 0 : i32
    %c0_i32_0 = arith.constant 0 : i32
    %c0_i32_1 = arith.constant 0 : i32
    return %arg0, %c0_i32, %c0_i32_0 : i32, i32, i32
  }
  func.func @transform_1(%arg0: i32) -> (i32, i32, i32) {
    %c0_i32 = arith.constant 0 : i32
    %c0_i32_0 = arith.constant 0 : i32
    %c0_i32_1 = arith.constant 0 : i32
    return %arg0, %c0_i32, %c0_i32_0 : i32, i32, i32
  }
  func.func @transform_2(%arg0: i32) -> (i32, i32, i32) {
    %c0_i32 = arith.constant 0 : i32
    %c0_i32_0 = arith.constant 0 : i32
    %c0_i32_1 = arith.constant 0 : i32
    return %arg0, %c0_i32, %c0_i32_0 : i32, i32, i32
  }
  func.func @transform_3(%arg0: i32) -> (i32, i32) {
    %c0_i32 = arith.constant 0 : i32
    %c0_i32_0 = arith.constant 0 : i32
    %c0_i32_1 = arith.constant 0 : i32
    return %c0_i32, %c0_i32_0 : i32, i32
  }
  func.func @transform_4(%arg0: i32) -> (i32, i32) {
    %c0_i32 = arith.constant 0 : i32
    %c0_i32_0 = arith.constant 0 : i32
    %c0_i32_1 = arith.constant 0 : i32
    return %c0_i32, %c0_i32_0 : i32, i32
  }
  func.func @transform_5(%arg0: i32) -> (i32, i32) {
    %c0_i32 = arith.constant 0 : i32
    %c0_i32_0 = arith.constant 0 : i32
    %c0_i32_1 = arith.constant 0 : i32
    return %c0_i32, %c0_i32_0 : i32, i32
  }
  func.func @transform_6(%arg0: i32) -> (i32, i32, i32) {
    %c0_i32 = arith.constant 0 : i32
    %c0_i32_0 = arith.constant 0 : i32
    %c0_i32_1 = arith.constant 0 : i32
    return %arg0, %c0_i32, %c0_i32_0 : i32, i32, i32
  }
  func.func @transform_7(%arg0: i32) -> (i32, i32) {
    %c0_i32 = arith.constant 0 : i32
    %c0_i32_0 = arith.constant 0 : i32
    %c0_i32_1 = arith.constant 0 : i32
    return %c0_i32, %c0_i32_0 : i32, i32
  }
  func.func @transform_8(%arg0: i32) -> (i32, i32) {
    %c0_i32 = arith.constant 0 : i32
    %c0_i32_0 = arith.constant 0 : i32
    %c0_i32_1 = arith.constant 0 : i32
    return %c0_i32, %c0_i32_0 : i32, i32
  }
  func.func @transform_9(%arg0: i32) -> (i32, i32, i32) {
    %add3A = arith.constant 0 : i32
    %add3A_0 = arith.addi %arg0, %add3A : i32
    %c0_i32 = arith.constant 0 : i32
    %c0_i32_1 = arith.constant 0 : i32
    %c0_i32_2 = arith.constant 0 : i32
    return %add3A_0, %c0_i32, %c0_i32_1 : i32, i32, i32
  }
  func.func @transform_11(%arg0: i32) -> (i32, i32, i32) {
    %add3A = arith.constant 0 : i32
    %add3A_0 = arith.addi %arg0, %add3A : i32
    %c0_i32 = arith.constant 0 : i32
    %c0_i32_1 = arith.constant 0 : i32
    %c0_i32_2 = arith.constant 0 : i32
    return %add3A_0, %c0_i32, %c0_i32_1 : i32, i32, i32
  }
}

module attributes {stable_mosaic.version = 14 : i64} {
  func.func @_post_body(%arg0: i32, %arg1: memref<1x512x512xf32, #tpu.memory_space<vmem>>, %arg2: memref<1x512x64xf32, #tpu.memory_space<vmem>>, %arg3: memref<1x512x512xf32, #tpu.memory_space<vmem>>, %arg4: memref<64x512xbf16, #tpu.memory_space<vmem>>, %arg5: memref<512x512xbf16, #tpu.memory_space<vmem>>, %arg6: memref<1x512xf32, #tpu.memory_space<vmem>>, %arg7: memref<1x512x512xf32, #tpu.memory_space<vmem>>, %arg8: memref<1x512xf32, #tpu.memory_space<vmem>>, %arg9: memref<1x512xf32, #tpu.memory_space<vmem>>, %arg10: memref<1x512x512xf32, #tpu.memory_space<vmem>>, %arg11: memref<8x512x512xf32, #tpu.memory_space<any>>, %arg12: memref<1x512x512xf32, #tpu.memory_space<vmem>>) attributes {dimension_semantics = [#tpu.dimension_semantics<arbitrary>], iteration_bounds = array<i64: 4>, scalar_prefetch = 0 : i64, scratch_operands = 0 : i64, tpu.core_type = #tpu.core_type<tc>, window_params = [{transform_indices = @transform_0, window_bounds = array<i64: 1, 512, 512>}, {transform_indices = @transform_1, window_bounds = array<i64: 1, 512, 64>}, {transform_indices = @transform_2, window_bounds = array<i64: 1, 512, 512>}, {pipeline_mode = #tpu.pipeline_mode<synchronous>, transform_indices = @transform_3, window_bounds = array<i64: 64, 512>}, {pipeline_mode = #tpu.pipeline_mode<synchronous>, transform_indices = @transform_4, window_bounds = array<i64: 512, 512>}, {pipeline_mode = #tpu.pipeline_mode<synchronous>, transform_indices = @transform_5, window_bounds = array<i64: 1, 512>}, {transform_indices = @transform_6, window_bounds = array<i64: 1, 512, 512>}, {pipeline_mode = #tpu.pipeline_mode<synchronous>, transform_indices = @transform_7, window_bounds = array<i64: 1, 512>}, {pipeline_mode = #tpu.pipeline_mode<synchronous>, transform_indices = @transform_8, window_bounds = array<i64: 1, 512>}, {transform_indices = @transform_9, window_bounds = array<i64: 1, 512, 512>}, {}, {transform_indices = @transform_11, window_bounds = array<i64: 1, 512, 512>}]} {
    %get3A = arith.constant 0 : index
    %get3A_0 = arith.constant 0 : index
    %get3A_1 = arith.constant 0 : index
    %get3A_2 = vector.load %arg1[%get3A, %get3A_0, %get3A_1] : memref<1x512x512xf32, #tpu.memory_space<vmem>>, vector<1x512x512xf32>
    %get3A_3 = vector.shape_cast %get3A_2 : vector<1x512x512xf32> to vector<512x512xf32>
    %reduce_sum3A = arith.constant dense<0.000000e+00> : vector<512xf32>
    %reduce_sum3A_4 = vector.multi_reduction <add>, %get3A_3, %reduce_sum3A [1] : vector<512x512xf32> to vector<512xf32>
    %broadcast_in_dim3A = vector.shape_cast %reduce_sum3A_4 : vector<512xf32> to vector<512x1xf32>
    %convert_element_type3A = arith.truncf %get3A_3 : vector<512x512xf32> to vector<512x512xbf16>
    %get3A_5 = arith.constant 0 : index
    %get3A_6 = arith.constant 0 : index
    %get3A_7 = arith.constant 0 : index
    %get3A_8 = vector.load %arg3[%get3A_5, %get3A_6, %get3A_7] : memref<1x512x512xf32, #tpu.memory_space<vmem>>, vector<1x512x512xf32>
    %get3A_9 = vector.shape_cast %get3A_8 : vector<1x512x512xf32> to vector<512x512xf32>
    %convert_element_type3A_10 = arith.truncf %get3A_9 : vector<512x512xf32> to vector<512x512xbf16>
    %dot_general3A = arith.constant dense<0.000000e+00> : vector<512x512xf32>
    %dot_general3A_11 = tpu.matmul %convert_element_type3A, %convert_element_type3A_10, %dot_general3A {dimension_numbers = #tpu.dot_dimension_numbers<[1], [0], [0], [1], [0, 0, 1, 1], [], []>, transpose_lhs_hint = false} : vector<512x512xbf16>, vector<512x512xbf16>, vector<512x512xf32> -> vector<512x512xf32>
    %get3A_12 = arith.constant 0 : index
    %get3A_13 = arith.constant 0 : index
    %get3A_14 = arith.constant 0 : index
    %get3A_15 = vector.load %arg2[%get3A_12, %get3A_13, %get3A_14] : memref<1x512x64xf32, #tpu.memory_space<vmem>>, vector<1x512x64xf32>
    %get3A_16 = vector.shape_cast %get3A_15 : vector<1x512x64xf32> to vector<512x64xf32>
    %convert_element_type3A_17 = arith.truncf %get3A_16 : vector<512x64xf32> to vector<512x64xbf16>
    %get3A_18 = arith.constant 0 : index
    %get3A_19 = arith.constant 0 : index
    %get3A_20 = vector.load %arg4[%get3A_18, %get3A_19] : memref<64x512xbf16, #tpu.memory_space<vmem>>, vector<64x512xbf16>
    %dot_general3A_21 = arith.constant dense<0.000000e+00> : vector<512x512xf32>
    %dot_general3A_22 = tpu.matmul %convert_element_type3A_17, %get3A_20, %dot_general3A_21 {dimension_numbers = #tpu.dot_dimension_numbers<[1], [0], [0], [1], [0, 0, 1, 1], [], []>, transpose_lhs_hint = false} : vector<512x64xbf16>, vector<64x512xbf16>, vector<512x512xf32> -> vector<512x512xf32>
    %add3A = arith.addf %dot_general3A_11, %dot_general3A_22 : vector<512x512xf32>
    %max3A = arith.constant 9.99999996E-13 : f32
    %max3A_23 = vector.broadcast %max3A : f32 to vector<512x1xf32>
    %max3A_24 = arith.maximumf %broadcast_in_dim3A, %max3A_23 : vector<512x1xf32>
    %div3A = vector.broadcast %max3A_24 : vector<512x1xf32> to vector<512x512xf32>
    %div3A_25 = arith.divf %add3A, %div3A : vector<512x512xf32>
    %convert_element_type3A_26 = arith.truncf %div3A_25 : vector<512x512xf32> to vector<512x512xbf16>
    %get3A_27 = arith.constant 0 : index
    %get3A_28 = arith.constant 0 : index
    %get3A_29 = vector.load %arg5[%get3A_27, %get3A_28] : memref<512x512xbf16, #tpu.memory_space<vmem>>, vector<512x512xbf16>
    %dot_general3A_30 = arith.constant dense<0.000000e+00> : vector<512x512xf32>
    %dot_general3A_31 = tpu.matmul %convert_element_type3A_26, %get3A_29, %dot_general3A_30 {dimension_numbers = #tpu.dot_dimension_numbers<[1], [1], [0], [0], [0, 0, 1, 0], [], []>, transpose_lhs_hint = false} : vector<512x512xbf16>, vector<512x512xbf16>, vector<512x512xf32> -> vector<512x512xf32>
    %get3A_32 = arith.constant 0 : index
    %get3A_33 = arith.constant 0 : index
    %get3A_34 = vector.load %arg6[%get3A_32, %get3A_33] : memref<1x512xf32, #tpu.memory_space<vmem>>, vector<1x512xf32>
    %add3A_35 = vector.broadcast %get3A_34 : vector<1x512xf32> to vector<512x512xf32>
    %add3A_36 = arith.addf %dot_general3A_31, %add3A_35 : vector<512x512xf32>
    %get3A_37 = arith.constant 0 : index
    %get3A_38 = arith.constant 0 : index
    %get3A_39 = arith.constant 0 : index
    %get3A_40 = vector.load %arg7[%get3A_37, %get3A_38, %get3A_39] : memref<1x512x512xf32, #tpu.memory_space<vmem>>, vector<1x512x512xf32>
    %get3A_41 = vector.shape_cast %get3A_40 : vector<1x512x512xf32> to vector<512x512xf32>
    %add3A_42 = arith.addf %get3A_41, %add3A_36 : vector<512x512xf32>
    %reduce_sum3A_43 = arith.constant dense<0.000000e+00> : vector<512xf32>
    %reduce_sum3A_44 = vector.multi_reduction <add>, %add3A_42, %reduce_sum3A_43 [1] : vector<512x512xf32> to vector<512xf32>
    %broadcast_in_dim3A_45 = vector.shape_cast %reduce_sum3A_44 : vector<512xf32> to vector<512x1xf32>
    %div3A_46 = arith.constant 5.120000e+02 : f32
    %div3A_47 = vector.broadcast %div3A_46 : f32 to vector<512x1xf32>
    %div3A_48 = arith.divf %broadcast_in_dim3A_45, %div3A_47 : vector<512x1xf32>
    %sub3A = vector.broadcast %div3A_48 : vector<512x1xf32> to vector<512x512xf32>
    %sub3A_49 = arith.subf %add3A_42, %sub3A : vector<512x512xf32>
    %integer_pow3A = arith.mulf %sub3A_49, %sub3A_49 : vector<512x512xf32>
    %reduce_sum3A_50 = arith.constant dense<0.000000e+00> : vector<512xf32>
    %reduce_sum3A_51 = vector.multi_reduction <add>, %integer_pow3A, %reduce_sum3A_50 [1] : vector<512x512xf32> to vector<512xf32>
    %broadcast_in_dim3A_52 = vector.shape_cast %reduce_sum3A_51 : vector<512xf32> to vector<512x1xf32>
    %div3A_53 = arith.constant 5.120000e+02 : f32
    %div3A_54 = vector.broadcast %div3A_53 : f32 to vector<512x1xf32>
    %div3A_55 = arith.divf %broadcast_in_dim3A_52, %div3A_54 : vector<512x1xf32>
    %sub3A_56 = vector.broadcast %div3A_48 : vector<512x1xf32> to vector<512x512xf32>
    %sub3A_57 = arith.subf %add3A_42, %sub3A_56 : vector<512x512xf32>
    %add3A_58 = arith.constant 9.99999974E-6 : f32
    %add3A_59 = vector.broadcast %add3A_58 : f32 to vector<512x1xf32>
    %add3A_60 = arith.addf %div3A_55, %add3A_59 : vector<512x1xf32>
    %sqrt3A = math.sqrt %add3A_60 : vector<512x1xf32>
    %div3A_61 = vector.broadcast %sqrt3A : vector<512x1xf32> to vector<512x512xf32>
    %div3A_62 = arith.divf %sub3A_57, %div3A_61 : vector<512x512xf32>
    %get3A_63 = arith.constant 0 : index
    %get3A_64 = arith.constant 0 : index
    %get3A_65 = vector.load %arg8[%get3A_63, %get3A_64] : memref<1x512xf32, #tpu.memory_space<vmem>>, vector<1x512xf32>
    %mul3A = vector.broadcast %get3A_65 : vector<1x512xf32> to vector<512x512xf32>
    %mul3A_66 = arith.mulf %div3A_62, %mul3A : vector<512x512xf32>
    %get3A_67 = arith.constant 0 : index
    %get3A_68 = arith.constant 0 : index
    %get3A_69 = vector.load %arg9[%get3A_67, %get3A_68] : memref<1x512xf32, #tpu.memory_space<vmem>>, vector<1x512xf32>
    %add3A_70 = vector.broadcast %get3A_69 : vector<1x512xf32> to vector<512x512xf32>
    %add3A_71 = arith.addf %mul3A_66, %add3A_70 : vector<512x512xf32>
    %get3A_72 = arith.constant 0 : index
    %get3A_73 = arith.constant 0 : index
    %get3A_74 = arith.constant 0 : index
    %get3A_75 = vector.load %arg10[%get3A_72, %get3A_73, %get3A_74] : memref<1x512x512xf32, #tpu.memory_space<vmem>>, vector<1x512x512xf32>
    %get3A_76 = vector.shape_cast %get3A_75 : vector<1x512x512xf32> to vector<512x512xf32>
    %gt3A = arith.constant 0.000000e+00 : f32
    %gt3A_77 = vector.broadcast %gt3A : f32 to vector<512x512xf32>
    %gt3A_78 = arith.cmpf ogt, %add3A_71, %gt3A_77 : vector<512x512xf32>
    %min3A = arith.constant 0.000000e+00 : f32
    %min3A_79 = vector.broadcast %min3A : f32 to vector<512x512xf32>
    %min3A_80 = arith.minimumf %add3A_71, %min3A_79 : vector<512x512xf32>
    %exp3A = math.exp %min3A_80 : vector<512x512xf32>
    %sub3A_81 = arith.constant 1.000000e+00 : f32
    %sub3A_82 = vector.broadcast %sub3A_81 : f32 to vector<512x512xf32>
    %sub3A_83 = arith.subf %exp3A, %sub3A_82 : vector<512x512xf32>
    %select_n3A = arith.select %gt3A_78, %add3A_71, %sub3A_83 : vector<512x512xi1>, vector<512x512xf32>
    %add3A_84 = arith.addf %get3A_76, %select_n3A : vector<512x512xf32>
    %swap3A = arith.constant 0 : index
    %swap3A_85 = arith.constant 0 : index
    %swap3A_86 = arith.constant 0 : index
    %swap3A_87 = vector.load %arg12[%swap3A, %swap3A_85, %swap3A_86] : memref<1x512x512xf32, #tpu.memory_space<vmem>>, vector<1x512x512xf32>
    %swap3A_88 = vector.shape_cast %swap3A_87 : vector<1x512x512xf32> to vector<512x512xf32>
    %swap3A_89 = vector.shape_cast %add3A_84 : vector<512x512xf32> to vector<1x512x512xf32>
    tpu.vector_store %arg12[%swap3A, %swap3A_85, %swap3A_86], %swap3A_89 {strides = array<i32>} : memref<1x512x512xf32, #tpu.memory_space<vmem>>, vector<1x512x512xf32>,
    return
  }
  func.func @transform_0(%arg0: i32) -> (i32, i32, i32) {
    %c0_i32 = arith.constant 0 : i32
    %c0_i32_0 = arith.constant 0 : i32
    %c0_i32_1 = arith.constant 0 : i32
    return %arg0, %c0_i32, %c0_i32_0 : i32, i32, i32
  }
  func.func @transform_1(%arg0: i32) -> (i32, i32, i32) {
    %c0_i32 = arith.constant 0 : i32
    %c0_i32_0 = arith.constant 0 : i32
    %c0_i32_1 = arith.constant 0 : i32
    return %arg0, %c0_i32, %c0_i32_0 : i32, i32, i32
  }
  func.func @transform_2(%arg0: i32) -> (i32, i32, i32) {
    %c0_i32 = arith.constant 0 : i32
    %c0_i32_0 = arith.constant 0 : i32
    %c0_i32_1 = arith.constant 0 : i32
    return %arg0, %c0_i32, %c0_i32_0 : i32, i32, i32
  }
  func.func @transform_3(%arg0: i32) -> (i32, i32) {
    %c0_i32 = arith.constant 0 : i32
    %c0_i32_0 = arith.constant 0 : i32
    %c0_i32_1 = arith.constant 0 : i32
    return %c0_i32, %c0_i32_0 : i32, i32
  }
  func.func @transform_4(%arg0: i32) -> (i32, i32) {
    %c0_i32 = arith.constant 0 : i32
    %c0_i32_0 = arith.constant 0 : i32
    %c0_i32_1 = arith.constant 0 : i32
    return %c0_i32, %c0_i32_0 : i32, i32
  }
  func.func @transform_5(%arg0: i32) -> (i32, i32) {
    %c0_i32 = arith.constant 0 : i32
    %c0_i32_0 = arith.constant 0 : i32
    %c0_i32_1 = arith.constant 0 : i32
    return %c0_i32, %c0_i32_0 : i32, i32
  }
  func.func @transform_6(%arg0: i32) -> (i32, i32, i32) {
    %c0_i32 = arith.constant 0 : i32
    %c0_i32_0 = arith.constant 0 : i32
    %c0_i32_1 = arith.constant 0 : i32
    return %arg0, %c0_i32, %c0_i32_0 : i32, i32, i32
  }
  func.func @transform_7(%arg0: i32) -> (i32, i32) {
    %c0_i32 = arith.constant 0 : i32
    %c0_i32_0 = arith.constant 0 : i32
    %c0_i32_1 = arith.constant 0 : i32
    return %c0_i32, %c0_i32_0 : i32, i32
  }
  func.func @transform_8(%arg0: i32) -> (i32, i32) {
    %c0_i32 = arith.constant 0 : i32
    %c0_i32_0 = arith.constant 0 : i32
    %c0_i32_1 = arith.constant 0 : i32
    return %c0_i32, %c0_i32_0 : i32, i32
  }
  func.func @transform_9(%arg0: i32) -> (i32, i32, i32) {
    %add3A = arith.constant 4 : i32
    %add3A_0 = arith.addi %arg0, %add3A : i32
    %c0_i32 = arith.constant 0 : i32
    %c0_i32_1 = arith.constant 0 : i32
    %c0_i32_2 = arith.constant 0 : i32
    return %add3A_0, %c0_i32, %c0_i32_1 : i32, i32, i32
  }
  func.func @transform_11(%arg0: i32) -> (i32, i32, i32) {
    %add3A = arith.constant 4 : i32
    %add3A_0 = arith.addi %arg0, %add3A : i32
    %c0_i32 = arith.constant 0 : i32
    %c0_i32_1 = arith.constant 0 : i32
    %c0_i32_2 = arith.constant 0 : i32
    return %add3A_0, %c0_i32, %c0_i32_1 : i32, i32, i32
  }
}

</mosaic_0001>

<sc_bundles>
// kernel: kernel.11.cloned.1.call-start
scs
__scs_entry_jumppad:
0x0: {  	(pc) =	sbr.rel $0x88, $3  }
0x1: {  	(tag) =	ssettag $0x0;
	lr =	simm.s32 $0x1  }
0x2: {  	[smem:$0x3F93] =	sst lr;
	_ =	strace $0xD0000000  }
0x3: {  	_ = 	snop  }
0x4: {  	_ = 	snop  }
0x5: {  	_ = 	snop  }
0x6: {  	_ = 	snop  }
0x7: {  	_ = 	snop  }
__scs_overlays_trampoline_lowered:
0x8: {  	[smem:$0x3FA2] =	sst s0  }
0x9: {  	[smem:$0x3FA3] =	sst s1  }
0xa: {  	[smem:$0x3FA4] =	sst s2  }
0xb: {  	[smem:$0x3FA5] =	sst s3  }
0xc: {  	[smem:$0x3FA6] =	sst s4  }
0xd: {  	[smem:$0x3FA7] =	sst s5  }
0xe: {  	[smem:$0x3FA8] =	sst s6  }
0xf: {  	[smem:$0x3FA9] =	sst s7  }
0x10: {  	[smem:$0x3FAA] =	sst s8  }
0x11: {  	[smem:$0x3FAB] =	sst s9;
	s0 =	simm.s32 @!p0 $0x0  }
0x12: {  	s1 =	sld [smem:$0x3F91];
	s0 =	simm.s32 @p0 $0x1  }
0x13: {  	[smem:$0x3FAC] =	sst s0;
	s0 =	simm.s32 @!p1 $0x0  }
0x14: {  	s2 =	sld [smem:$0x3F90];
	s0 =	simm.s32 @p1 $0x1  }
0x15: {  	[smem:$0x3FAD] =	sst s0;
	s0 =	simm.s32 @!p2 $0x0  }
0x16: {  	s3 =	sld [smem:$0x3FDB];
	s0 =	simm.s32 @p2 $0x1  }
0x17: {  	s4 =	simm.s32 $0x1BF5;
	[smem:$0x3FAF] =	sst s0  }
0x18: {  	s0 =	sld [smem:$0x3F92];
	_ =	swait.ge [sflag:s4], $0x0  }
0x19: {  	s7 =	sld [smem:$0x3F93]  }
0x1a: {  	s8 =	sadd.s32 $0xFFFFE003, lr  }
0x1b: {  	s9 =	sadd.s32 $0xFFFFFEF7, lr;
	s5 =	simm.s32 $0xFFFFFFFF;
	p2 =	slt.u32 s8, $0xFFFFF086  }
0x1c: {  	p1 =	slt.u32 s9, $0xF7A;
	s5 =	simm.s32 @!p2 $0x0  }
0x1d: {  	s5 =	simm.s32 @p1 $0x1;
	p0 =	seq.s32 s7, s2  }
0x1e: {  	s7 =	smul.u32 @!p0 $0xF7A, s2;
	p2 =	seq.s32 @!p0 s5, $0x0  }
0x1f: {  	s9 =	smul.u32 $0xF7A, s1;
	s8 =	simm.s32 @!p0 $0x1BF5;
	p2 =	por !p2, p0  }
0x20: {  	[sflag:s8] =	ssyncset.s32 @!p0 $0xFFFFF086;
	s6 =	sadd.s32 @!p0 s3, s7;
	s7 =	simm.s32 @!p0 $0x108  }
0x21: {  	s3 =	sadd.s32 s3, s9;
	s6 =	sadd.s32 @!p0 $0x88, s6;
	s7 =	simm.s32 @p2 $0x1082  }
0x22: {  	[simem:s7], [sflag:s8] =	dma.local @!p0 [hbm:s6], $0xF7A  }
0x23: {  	s9 =	sor.u32 $0xD0000000, s2;
	s6 =	simm.s32 $0x108;
	_ =	swait.ge @!p0 [sflag:s8], $0x0  }
0x24: {  	s3 =	sadd.s32 $0x88, s3;
	s6 =	simm.s32 @!p1 $0x1082;
	[sflag:s4] =	ssyncset.s32 $0xFFFFF086  }
0x25: {  	[simem:s6], [sflag:s4] =	dma.local [hbm:s3], $0xF7A  }
0x26: {  	[smem:$0x3F93] =	sst s1;
	(tag) =	ssettag s2;
	_ =	strace s9  }
0x27: {  	s1 =	sld [smem:$0x3FA3]  }
0x28: {  	s2 =	sld [smem:$0x3FA4]  }
0x29: {  	s4 =	sld [smem:$0x3FA6]  }
0x2a: {  	p0 =	seq.s32 s5, $0x0;
	s5 =	sld [smem:$0x3FA7]  }
0x2b: {  	s6 =	sld [smem:$0x3FA8]  }
0x2c: {  	s7 =	sld [smem:$0x3FA9]  }
0x2d: {  	s3 =	simm.s32 $0x108;
	s8 =	sld [smem:$0x3FAA]  }
0x2e: {  	s3 =	simm.s32 @!p0 $0x1082;
	s9 =	sld [smem:$0x3FAB]  }
0x2f: {  	lr =	sadd.s32 s0, s3;
	s0 =	sld [smem:$0x3FA2]  }
0x30: {  	s3 =	sld [smem:$0x3FA5]  }
0x31: {  	[smem:$0x3FAE] =	sst s10  }
0x32: {  	s10 =	sld [smem:$0x3FAC];
	_ =	sdelay $0x3  }
0x33: {  	p0 =	seq.s32 s10, $0x1;
	s10 =	sld [smem:$0x3FAE];
	_ =	sdelay $0x3  }
0x34: {  	[smem:$0x3FAE] =	sst s10  }
0x35: {  	s10 =	sld [smem:$0x3FAD];
	_ =	sdelay $0x3  }
0x36: {  	p1 =	seq.s32 s10, $0x1;
	s10 =	sld [smem:$0x3FAE];
	_ =	sdelay $0x3  }
0x37: {  	[smem:$0x3FAE] =	sst s10  }
0x38: {  	s10 =	sld [smem:$0x3FAF]  }
0x39: {  	_ = 	snop;
	(pc) =	sbr.ind lr, $3  }
0x3a: {  	_ = 	snop  }
0x3b: {  	_ = 	snop  }
0x3c: {  	p2 =	seq.s32 s10, $0x1;
	s10 =	sld [smem:$0x3FAE]  }
0x3d: {  	_ =	shalt  }
0x3e: {  	_ =	shalt  }
0x3f: {  	_ =	shalt  }
0x40: {  	_ =	shalt  }
0x41: {  	_ =	shalt  }
0x42: {  	_ =	shalt  }
0x43: {  	_ =	shalt  }
0x44: {  	_ =	shalt  }
0x45: {  	_ =	shalt  }
0x46: {  	_ =	shalt  }
0x47: {  	_ =	shalt  }
0x48: {  	_ =	shalt  }
0x49: {  	_ =	shalt  }
0x4a: {  	_ =	shalt  }
0x4b: {  	_ =	shalt  }
0x4c: {  	_ =	shalt  }
0x4d: {  	_ =	shalt  }
0x4e: {  	_ =	shalt  }
0x4f: {  	_ =	shalt  }
0x50: {  	_ =	shalt  }
0x51: {  	_ =	shalt  }
0x52: {  	_ =	shalt  }
0x53: {  	_ =	shalt  }
0x54: {  	_ =	shalt  }
0x55: {  	_ =	shalt  }
0x56: {  	_ =	shalt  }
0x57: {  	_ =	shalt  }
0x58: {  	_ =	shalt  }
0x59: {  	_ =	shalt  }
0x5a: {  	_ =	shalt  }
0x5b: {  	_ =	shalt  }
0x5c: {  	_ =	shalt  }
0x5d: {  	_ =	shalt  }
0x5e: {  	_ =	shalt  }
0x5f: {  	_ =	shalt  }
0x60: {  	_ =	shalt  }
0x61: {  	_ =	shalt  }
0x62: {  	_ =	shalt  }
0x63: {  	_ =	shalt  }
0x64: {  	_ =	shalt  }
0x65: {  	_ =	shalt  }
0x66: {  	_ =	shalt  }
0x67: {  	_ =	shalt  }
0x68: {  	_ =	shalt  }
0x69: {  	_ =	shalt  }
0x6a: {  	_ =	shalt  }
0x6b: {  	_ =	shalt  }
0x6c: {  	_ =	shalt  }
0x6d: {  	_ =	shalt  }
0x6e: {  	_ =	shalt  }
0x6f: {  	_ =	shalt  }
0x70: {  	_ =	shalt  }
0x71: {  	_ =	shalt  }
0x72: {  	_ =	shalt  }
0x73: {  	_ =	shalt  }
0x74: {  	_ =	shalt  }
0x75: {  	_ =	shalt  }
0x76: {  	_ =	shalt  }
0x77: {  	_ =	shalt  }
0x78: {  	_ =	shalt  }
0x79: {  	_ =	shalt  }
0x7a: {  	_ =	shalt  }
0x7b: {  	_ =	shalt  }
0x7c: {  	_ =	shalt  }
0x7d: {  	_ =	shalt  }
0x7e: {  	_ =	shalt  }
0x7f: {  	_ =	shalt  }
0x80: {  	_ =	shalt  }
0x81: {  	_ =	shalt  }
0x82: {  	_ =	shalt  }
0x83: {  	_ =	shalt  }
0x84: {  	_ =	shalt  }
0x85: {  	_ =	shalt  }
0x86: {  	_ =	shalt  }
0x87: {  	_ =	shalt  }
.Lfunc_end0:
.L_simem_size_0:
called_computation.1_lowered:
.L_overlay_start_0:
0x88: {  	s2 =	sld [smem:$0x3FD9]  }
0x89: {  	s3 =	sld [smem:$0x3FFE];
	_ =	sdelay $0x1  }
0x8a: {  	s1 =	srdreg.scid  }
0x8b: {  	s0 =	sand.u32 $0x1, s1  }
0x8c: {  	s17 =	sshll.u32 s0, $0xA;
	s2 =	sadd.s32 s3, s2  }
0x8d: {  	s2 =	sadd.s32 s2, s17  }
0x8e: {  	[smem:$0x3FBA] =	sst s2  }
0x8f: {  	_ = 	snop  }
0x90: {  	(tm) =	ssettm $0x1  }
0x91: {  	s18 =	sld [smem:$0x3FFB];
	_ =	sdelay $0x3  }
0x92: {  	_ =	strace s18  }
0x93: {  	s2 =	sld [smem:$0x3FFC];
	_ =	sdelay $0x3  }
0x94: {  	_ =	strace s2  }
0x95: {  	s2 =	sld [smem:$0x3FFD];
	_ =	sdelay $0x3  }
0x96: {  	_ =	strace s2  }
0x97: {  	_ =	strace $0x8FFFFFFF  }
0x98: {  	s19 =	sld [smem:$0x3FDB];
	_ =	sdelay $0x1  }
0x99: {  	s20 =	simm.s32 $_scs_section_size  }
0x9a: {  	s4 =	simm.s32 $_size__tile_overlayer_lowered;
	s5 =	simm.s32 $_tile_overlayer_lowered  }
0x9b: {  	s6 =	simm.s32 $0x1BFF;
	s21 =	sshll.u32 s5, $0x1;
	s3 =	sadd.s32 s20, s19  }
0x9c: {  	s22 =	simm.s32 $0x0;
	s4 =	sshll.u32 s4, $0x1;
	s5 =	sadd.s32 s21, s3  }
0x9d: {  	[timem:s22], [sflag:s6] =	dma.local [hbm:s5], s4  }
0x9e: {  	_ =	swait.ge [sflag:s6], s4  }
0x9f: {  	s4 =	ssub.s32 $0x0, s4;
	[sflag:s6] =	ssyncset.done $0x0  }
0xa0: {  	[sflag:s6] =	ssyncadd.s32 s4;
	_ =	sdelay $0x1  }
0xa1: {  	s23 =	simm.s32 $0x1B8B  }
0xa2: {  	_ =	swait.ge [sflag:s23], $0x1  }
0xa3: {  	[sflag:s23] =	ssyncset.done $0x0  }
0xa4: {  	[sflag:s23] =	ssyncadd.s32 $0xFFFFFFFF  }
0xa5: {  	s4 =	sld [smem:$0x0]  }
0xa6: {  	s5 =	sand.u32 $0xFFFFFFFE, s1  }
0xa7: {  	p0 =	sne.s32 s1, s5  }
0xa8: {  	s5 =	sshll.u32 @p0 s5, $0xE  }
0xa9: {  	s5 =	sadd.s32 @p0 $0x11B8D, s5;
	s6 =	sshll.u32 @p0 s4, $0x11  }
0xaa: {  	s5 =	sor.u32 @p0 s6, s5  }
0xab: {  	[sflag:s5] =	ssyncadd.remote.s32 @p0 $0x1;
	_ =	sdelay $0x1  }
0xac: {  	s5 =	simm.s32 @p0 $0x1B8D  }
0xad: {  	_ =	swait.eq @p0 [sflag:s5], $0x1  }
0xae: {  	[sflag:s5] =	ssyncadd.s32 @p0 $0xFFFFFFFF  }
0xaf: {  	s6 =	sshll.u32 @!p0 s1, $0xE  }
0xb0: {  	s6 =	sor.u32 @!p0 $0x4000, s6;
	s5 =	simm.s32 @!p0 $0x1B8D  }
0xb1: {  	s4 =	sshll.u32 @!p0 s4, $0x11;
	s6 =	sadd.s32 @!p0 $0x11B8D, s6;
	_ =	swait.eq @!p0 [sflag:s5], $0x1  }
0xb2: {  	s4 =	sor.u32 @!p0 s4, s6;
	[sflag:s5] =	ssyncadd.s32 @!p0 $0xFFFFFFFF  }
0xb3: {  	s25 =	simm.s32 $0x1B8E;
	s24 =	sld [smem:$0x3FFE];
	[sflag:s4] =	ssyncadd.remote.s32 @!p0 $0x1  }
0xb4: {  	s26 =	simm.s32 $execute0_lowered;
	[smem:$0x3FD2] =	sst s25  }
0xb5: {  	s5 =	sshll.u32 s26, $0x1;
	_ =	strace $0x80000049;
	[dreg:$0x1] =	wrdreg $0xFFFFFFFF  }
0xb6: {  	s28 =	simm.s32 $_size_execute0_lowered;
	s3 =	sadd.s32 s3, s5;
	[dreg:$0x0] =	wrdreg $0x0  }
0xb7: {  	s5 =	sshll.u32 s28, $0x1;
	[dreg:$0x2] =	wrdreg s3  }
0xb8: {  	[dreg:$0x3] =	wrdreg s5  }
0xb9: {  	[dreg:$0x4] =	wrdreg $0xC0  }
0xba: {  	_ =	task [dreg:s22], $0x5FFFF  }
0xbb: {  	[dreg:$0x1] =	wrdreg $0xFFFFFFFF  }
0xbc: {  	[dreg:$0x0] =	wrdreg $0x60  }
0xbd: {  	[dreg:$0x2] =	wrdreg s24  }
0xbe: {  	[dreg:$0x3] =	wrdreg $0xA  }
0xbf: {  	_ =	task.clear_ibuf [dreg:s22], $0x4FFFF;
	_ =	strace $0x90000049  }
0xc0: {  	s29 =	simm.s32 $0xA;
	_ =	strace $0x8000004B  }
0xc1: {  	_ =	swait.ge [sflag:s29], $0x1  }
0xc2: {  	[sflag:s29] =	ssyncadd.s32 $0xFFFFFFFF  }
0xc3: {  	_ =	strace $0x9000004B  }
0xc4: {  	_ =	sfence  }
0xc5: {  	s30 =	sld [smem:$0x0];
	_ =	sdelay $0x2  }
0xc6: {  	s31 =	sshll.u32 s1, $0xD;
	s1 =	sshrl.u32 s1, $0x2  }
0xc7: {  	s4 =	sand.u32 $0x4000, s31;
	s1 =	sadd.s32 s1, s30  }
0xc8: {  	s0 =	sor.u32 s4, s0;
	s1 =	sshll.u32 s1, $0x11  }
0xc9: {  	s0 =	sor.u32 s1, s0  }
0xca: {  	s0 =	sadd.s32 $0x8F2B, s0  }
0xcb: {  	[sflag:s0] =	ssyncadd.remote.s32 $0x1  }
0xcc: {  	_ =	sfence.sel $0xFFFF  }
0xcd: {  	[dreg:$0x0] =	wrdreg $0xFFFFFFFF;
	(pc) =	sbr.abs _section_cstart, $3  }
0xce: {  	[dreg:$0x1] =	wrdreg $0xFFFFFFFF  }
0xcf: {  	_ =	task.clear_ibuf [dreg:s22], $0x2FFFF;
	_ =	strace $0x9FFFFFFF  }
0xd0: {  	(tm) =	ssettm $0x7FFFFFFF  }
0xd1: {  	_ =	shalt  }
tec
execute0_lowered:
.L_overlay_start_1:
0x0: {  	(tag) =	ssettag $0x1  }
0x1: {  	s0 =	srdreg.scid  }
0x2: {  	s2 =	simm.s32 $0x1;
	s6 =	rddreg [dreg:$0x0];
	s12 =	simm.s32 $0x200  }
0x3: {  	s13 =	simm.s32 $0x14000;
	s14 =	simm.s32 $0xA000;
	s4 =	sand.u32 $0x1, s0  }
0x4: {  	s16 =	simm.s32 $0x2;
	s0 =	stileid.u32;
	s1 =	sshll.u32 s4, $0x4  }
0x5: {  	s17 =	simm.s32 $0x0;
	s5 =	sand.u32 $0x7, s0;
	s1 =	sor.u32 s0, s1  }
0x6: {  	s4 =	ssub.s32 $0x2, s4;
	p1 =	sne.s32 s5, $0x0;
	p0 =	seq.s32 s1, $0x0  }
0x7: {  	s10 =	sshll.u32 s5, $0xF;
	s11 =	sshll.u32 s5, $0xD;
	p0 =	por !p1, !p0  }
0x8: {  	s30 =	sshrl.u32 s4, $0x1;
	s15 =	sshll.u32 s5, $0x6;
	p0 =	por !p0, !p0  }
0x9: {  	s1 =	sshrl.u32 s1, $0x3;
	v54 =	vmov s15;
	s15 =	simm.s32 $0x12000;
	s2 =	simm.s32 @!p0 $0x0  }
0xa: {  	s7 =	ssub.s32 s1, s2;
	s1 =	rddreg [dreg:$0x1];
	s2 =	simm.s32 $0x0  }
0xb: {  	s3 =	sshll.u32 s7, $0xE;
	s8 =	sshll.u32 s7, $0x7;
	[smem:$0x7FF] =	sst s2  }
0xc: {  	s9 =	sshll.u32 s7, $0x12;
	s7 =	sshll.u32 s7, $0x10;
	s3 =	sand.u32 $0xFFFF0000, s3  }
0xd: {  	s8 =	sand.u32 $0x180, s8;
	_ =	strace $0x8000004A;
	s9 =	sor.u32 s10, s9  }
0xe: {  	s7 =	sor.u32 s11, s7;
	s10 =	ssub.s32 s4, s30;
	s11 =	simm.s32 $0x80  }
0xf: {  	s3 =	sor.u32 s8, s3;
	s9 =	sshrl.u32 s9, $0x3;
	s7 =	sshrl.u32 s7, $0x3  }
0x10: {  	s8 =	sshrl.u32 s3, $0x3;
	s3 =	simm.s32 $0x1;
	s9 =	sadd.s32 s9, s6  }
0x11: {  	s31 =	sadd.s32 s7, s6;
	s8 =	sadd.s32 s8, s6;
	s4 =	sadd.s32 $0x97800, s9  }
0x12: {  	s5 =	sadd.s32 $0xB7800, s31;
	s7 =	sadd.s32 $0xE1800, s9;
	s9 =	smax.u32 s10, $0x1  }
0x13: {  	v0 =	vimm.f32 $0.0e+00;
	s10 =	simm.s32 $0x8000;
	s6 =	sadd.s32 $0xDF800, s8;
	s8 =	sadd.s32 $0x101800, s31  }
.LBB2_1:
0x14: {  	[tilespmem:s2], [sflag:$0x1] =	stream.linear.gather [hbm4b:s4+s2], $0x8000, $0x38;
	[tilespmem:$0x18000] =	vst v63  }
0x15: {  	s18 =	simm.s32 $0x0  }
0x16: {  	s19 =	sand.u32 $0xC00, s2;
	s20 =	simm.s32 $0x0;
	s18 =	sand.u32 $0x7000, s18  }
0x17: {  	[tilespmem:s10], [sflag:$0x1] =	stream.linear.gather [hbm4b:s5+s2], $0x2000, $0x38;
	[tilespmem:$0x18000] =	vst v63  }
0x18: {  	s20 =	sand.u32 $0x380, s20;
	s18 =	sor.u32 s19, s18  }
0x19: {  	s19 =	sor.u32 s20, s18  }
0x1a: {  	[tilespmem:s13], [sflag:$0x1] =	stream.strided.gather [hbm4b:s6+s11], $0x4000, s12, s11, $0x38;
	[tilespmem:$0x18000] =	vst v63  }
0x1b: {  	[tilespmem:s19+$0xA070] =	vst v0  }
0x1c: {  	[tilespmem:s19+$0xA000] =	vst v0  }
0x1d: {  	s21 =	simm.s32 $0x0;
	s20 =	simm.s32 $0x0;
	s18 =	simm.s32 $0x12080;
	[tilespmem:s19+$0xA010] =	vst v0  }
.LBB2_2:
0x1e: {  	s20 =	sadd.s32 $0x8, s20;
	[tilespmem:s19+$0xA020] =	vst v0  }
0x1f: {  	s21 =	sadd.s32 $0x400, s21;
	s22 =	sshll.u32 s20, $0x4;
	p0 =	slt.u32 s20, $0x7F8;
	[tilespmem:s19+$0xA030] =	vst v0  }
0x20: {  	s23 =	sand.u32 $0xC00, s21;
	s24 =	sshll.u32 s20, $0x2;
	s22 =	sand.u32 $0x7000, s22;
	[tilespmem:s19+$0xA040] =	vst v0  }
.Ltmp0:
0x21: {  	s24 =	sand.u32 $0x380, s24;
	s22 =	sor.u32 s23, s22;
	[tilespmem:s19+$0xA050] =	vst v0;
	(pc) =	sbr.rel @p0 .LBB2_2-.Ltmp0, $4  }
0x22: {  	[tilespmem:s19+$0xA060] =	vst v0;
	s19 =	sor.u32 s24, s22  }
0x23: {  	[tilespmem:s19+$0xA070] =	vst v0  }
0x24: {  	[tilespmem:s19+$0xA000] =	vst v0  }
0x25: {  	[tilespmem:s19+$0xA010] =	vst v0  }
0x26: {  	[tilespmem:s19+$0xA020] =	vst v0  }
0x27: {  	[tilespmem:s19+$0xA030] =	vst v0  }
0x28: {  	[tilespmem:s19+$0xA040] =	vst v0  }
0x29: {  	[tilespmem:s19+$0xA050] =	vst v0  }
0x2a: {  	[tilespmem:s19+$0xA060] =	vst v0  }
0x2b: {  	[tilespmem:s18+$0xFFFFFF80] =	vst v0  }
0x2c: {  	[tilespmem:s18+$0x30] =	vst v0  }
0x2d: {  	[tilespmem:s18+$0x20] =	vst v0  }
0x2e: {  	[tilespmem:s18+$0x10] =	vst v0  }
0x2f: {  	[tilespmem:s18+$0x0] =	vst v0  }
0x30: {  	[tilespmem:s18+$0xFFFFFFB0] =	vst v0  }
0x31: {  	s19 =	simm.s32 $0x0;
	[tilespmem:s18+$0xFFFFFFA0] =	vst v0  }
.LBB2_4:
0x32: {  	s19 =	sadd.s32 $0x8, s19;
	[tilespmem:s18+$0xFFFFFF90] =	vst v0;
	s18 =	sadd.s32 $0x100, s18  }
0x33: {  	[tilespmem:s18+$0xFFFFFF80] =	vst v0;
	p0 =	slt.u32 s19, $0xF8  }
0x34: {  	[tilespmem:s18+$0x30] =	vst v0  }
.Ltmp1:
0x35: {  	[tilespmem:s18+$0x20] =	vst v0;
	(pc) =	sbr.rel @p0 .LBB2_4-.Ltmp1, $4  }
0x36: {  	[tilespmem:s18+$0x10] =	vst v0  }
0x37: {  	[tilespmem:s18+$0x0] =	vst v0  }
0x38: {  	[tilespmem:s18+$0xFFFFFFB0] =	vst v0  }
0x39: {  	[tilespmem:s18+$0xFFFFFFA0] =	vst v0  }
0x3a: {  	[tilespmem:s18+$0xFFFFFF90] =	vst v0  }
0x3b: {  	_ =	swait.ge [sflag:s3], $0x8000  }
0x3c: {  	[sflag:s3] =	ssyncset.done $0x0  }
0x3d: {  	[sflag:s3] =	ssyncadd.s32 $0xFFFF8000  }
0x3e: {  	_ =	swait.ge [sflag:s3], $0x2000  }
0x3f: {  	[sflag:s3] =	ssyncset.done $0x0  }
0x40: {  	[sflag:s3] =	ssyncadd.s32 $0xFFFFE000  }
0x41: {  	_ =	swait.ge [sflag:s3], $0x4000  }
0x42: {  	[sflag:s3] =	ssyncset.done $0x0  }
0x43: {  	s30 =	simm.s32 $0x14040;
	[sflag:s3] =	ssyncadd.s32 $0xFFFFC000  }
0x44: {  	v2 =	vld [tilespmem:s30+$0x30]  }
0x45: {  	v4 =	vld [tilespmem:s30+$0xFFFFFFD0]  }
0x46: {  	v8 =	vld [tilespmem:s30+$0xFFFFFFC0]  }
0x47: {  	v10 =	vld [tilespmem:s30+$0xFFFFFFE0]  }
0x48: {  	v12 =	vld [tilespmem:s30+$0xFFFFFFF0]  }
0x49: {  	v49 =	vld [tilespmem:s30+$0x20];
	v3 =	vshra.s32 v2, $0xF;
	v5 =	vand.u32 $0x3F, v2;
	v7 =	vshrl.u32 v2, $0x6  }
0x4a: {  	v2 =	vshrl.u32 v2, $0x3;
	v63 =	vshra.s32 v4, $0xF;
	v48 =	vshrl.u32 v4, $0x6  }
0x4b: {  	v50 =	vshra.s32 v8, $0xF;
	v51 =	vshrl.u32 v8, $0x6;
	v13 =	vshrl.u32 v8, $0x3  }
0x4c: {  	v14 =	vshrl.u32 v4, $0x3;
	v15 =	vshra.s32 v10, $0xF;
	v18 =	vshrl.u32 v10, $0x6  }
0x4d: {  	v19 =	vshrl.u32 v10, $0x3;
	v20 =	vshra.s32 v12, $0xF;
	v21 =	vshrl.u32 v12, $0x6  }
0x4e: {  	v22 =	vshrl.u32 v12, $0x3;
	v30 =	vshra.s32 v49, $0xF;
	v32 =	vshrl.u32 v49, $0x6  }
0x4f: {  	v33 =	vshrl.u32 v49, $0x3;
	v10 =	vand.u32 $0x3F, v10;
	v12 =	vand.u32 $0x3F, v12  }
0x50: {  	v41 =	vand.u32 $0x3F, v49;
	v6 =	vsub.s32 v3, v54;
	v9 =	vand.u32 $0x3F, v3  }
0x51: {  	v7 =	vand.u32 $0x7F, v7;
	v11 =	vshll.u32 v3, $0x9;
	v2 =	vand.u32 $0xC00, v2  }
0x52: {  	v3 =	vshll.u32 v3, $0x7;
	v13 =	vand.u32 $0xC00, v13;
	v34 =	vshll.u32 v50, $0x7  }
0x53: {  	v14 =	vand.u32 $0xC00, v14;
	v52 =	vshll.u32 v63, $0x7;
	v36 =	vand.u32 $0x7F, v18  }
0x54: {  	v19 =	vand.u32 $0xC00, v19;
	v37 =	vshll.u32 v15, $0x7;
	v21 =	vand.u32 $0x7F, v21  }
0x55: {  	v22 =	vand.u32 $0xC00, v22;
	v35 =	vshll.u32 v20, $0x7;
	v32 =	vand.u32 $0x7F, v32  }
0x56: {  	v33 =	vand.u32 $0xC00, v33;
	v39 =	vshll.u32 v30, $0x7;
	v55 =	vand.u32 $0x3F, v63  }
0x57: {  	v56 =	vshll.u32 v63, $0x9;
	v57 =	vand.u32 $0x3F, v15;
	v58 =	vshll.u32 v15, $0x9  }
0x58: {  	v59 =	vand.u32 $0x3F, v20;
	v40 =	vshll.u32 v20, $0x9;
	v45 =	vand.u32 $0x3F, v30  }
0x59: {  	v46 =	vshll.u32 v30, $0x9;
	v20 =	vsub.s32 v20, v54;
	vm6 =	vlt.u32 v6, $0x40  }
0x5a: {  	v3 =	vand.u32 $0x380, v3;
	v2 =	vor.u32 v2, v7;
	v61 =	vshll.u32 v9, $0x7  }
0x5b: {  	v62 =	vand.u32 $0x7000, v11;
	v9 =	vand.u32 $0x7F, v51;
	v7 =	vand.u32 $0x7F, v48  }
0x5c: {  	v34 =	vand.u32 $0x380, v34;
	v19 =	vor.u32 v19, v36;
	v53 =	vand.u32 $0x380, v35  }
0x5d: {  	v21 =	vor.u32 v22, v21;
	v32 =	vor.u32 v33, v32;
	v60 =	vand.u32 $0x7000, v56  }
0x5e: {  	v33 =	vshll.u32 v59, $0x7;
	v35 =	vsub.s32 v30, v54;
	v30 =	vand.u32 $0x7000, v46  }
0x5f: {  	vm3 =	vlt.u32 v20, $0x40;
	v2 =	vor.u32 v3, v2;
	v16 =	vor.u32 v5, v61  }
0x60: {  	v9 =	vor.u32 v13, v9;
	v13 =	vand.u32 $0x380, v52;
	v7 =	vor.u32 v14, v7  }
0x61: {  	v6 =	vld [tilespmem:s30+$0x0];
	v14 =	vand.u32 $0x380, v37;
	v61 =	vand.u32 $0x7000, v40;
	v40 =	vand.u32 $0x3F, v4  }
0x62: {  	v3 =	vld [tilespmem:s30+$0x10];
	v4 =	vshll.u32 v45, $0x7;
	v56 =	vor.u32 v12, v33;
	vm11 =	vlt.u32 v35, $0x40  }
0x63: {  	v17 =	vor.u32 v62, v2;
	v9 =	vor.u32 v34, v9;
	v7 =	vor.u32 v13, v7  }
0x64: {  	v13 =	vor.u32 v14, v19;
	v14 =	vor.u32 v53, v21;
	v2 =	vsub.s32 v50, v54  }
0x65: {  	vm12 =	vmmov vm11;
	v5 =	vor.u32 v60, v7;
	vm0 =	vlt.u32 v2, $0x40  }
0x66: {  	s31 =	simm.s32 $0x140C0;
	vm10 =	vmmov vm0;
	v23 =	vshra.s32 v6, $0xF;
	v24 =	vshrl.u32 v6, $0x6  }
0x67: {  	v34 =	vld [tilespmem:s31+$0x10];
	v25 =	vshrl.u32 v6, $0x3;
	v26 =	vshra.s32 v3, $0xF;
	v28 =	vshrl.u32 v3, $0x6  }
0x68: {  	v27 =	vld.idx.msk [tilespmem:v16+s10+$0x0], vm6;
	v29 =	vshrl.u32 v3, $0x3;
	v24 =	vand.u32 $0x7F, v24;
	v25 =	vand.u32 $0xC00, v25  }
0x69: {  	v38 =	vand.u32 $0x3F, v23;
	v42 =	vshll.u32 v23, $0x9;
	v31 =	vld.idx.msk [tilespmem:v17+s2+$0x0], vm6;
	v28 =	vand.u32 $0x7F, v28  }
0x6a: {  	v29 =	vand.u32 $0xC00, v29;
	v24 =	vor.u32 v25, v24;
	v43 =	vand.u32 $0x3F, v26  }
0x6b: {  	v44 =	vshll.u32 v26, $0x9;
	v62 =	vand.u32 $0x7000, v42;
	v0 =	vshll.u32 v38, $0x7  }
0x6c: {  	v42 =	vand.u32 $0x3F, v6;
	v59 =	vshrl.u32 v34, $0x6;
	v60 =	vshrl.u32 v34, $0x3  }
0x6d: {  	v38 =	vand.u32 $0x3F, v3;
	v45 =	vand.u32 $0x7F, v59;
	v46 =	vand.u32 $0xC00, v60  }
0x6e: {  	v37 =	vshll.u32 v43, $0x7;
	v45 =	vor.u32 v46, v45;
	v18 =	vmul.f32 v27, v31  }
0x6f: {  	v27 =	vshll.u32 v23, $0x7;
	v31 =	vshll.u32 v26, $0x7;
	v23 =	vsub.s32 v23, v54  }
0x70: {  	v26 =	vsub.s32 v26, v54;
	v22 =	vand.u32 $0x380, v27;
	v25 =	vand.u32 $0x380, v31  }
0x71: {  	v27 =	vor.u32 v29, v28;
	v28 =	vand.u32 $0x380, v39;
	v29 =	vand.u32 $0x3F, v50  }
0x72: {  	v31 =	vshll.u32 v50, $0x9;
	v39 =	vand.u32 $0x3F, v8;
	vm7 =	vlt.u32 v23, $0x40  }
0x73: {  	vm9 =	vlt.u32 v26, $0x40;
	v19 =	vor.u32 v22, v24;
	v21 =	vor.u32 v25, v27  }
0x74: {  	v22 =	vand.u32 $0x7000, v31;
	v24 =	vor.u32 v28, v32;
	v25 =	vshll.u32 v29, $0x7  }
0x75: {  	v27 =	vsub.s32 v63, v54;
	v28 =	vshll.u32 v55, $0x7;
	v29 =	vsub.s32 v15, v54  }
0x76: {  	v15 =	vand.u32 $0x7000, v58;
	v31 =	vshll.u32 v57, $0x7;
	v63 =	vand.u32 $0x7000, v44  }
0x77: {  	v26 =	vld [tilespmem:s31+$0xFFFFFFC0];
	v57 =	vor.u32 v61, v14;
	v61 =	vor.u32 v38, v37;
	v58 =	vor.u32 v41, v4  }
0x78: {  	vm0 =	vmmov vm7;
	v44 =	vshra.s32 v34, $0xF;
	[tilespmem:v17+s14+$0x0] =	vst.idx.add.f32.msk vm6, v18;
	v34 =	vand.u32 $0x3F, v34  }
0x79: {  	v23 =	vld [tilespmem:s31+$0x20];
	v6 =	vor.u32 v22, v9;
	v1 =	vor.u32 v15, v13;
	v55 =	vor.u32 v62, v19  }
0x7a: {  	v13 =	vld [tilespmem:s31+$0x30];
	v50 =	vor.u32 v63, v21;
	v62 =	vor.u32 v30, v24;
	v9 =	vor.u32 v39, v25  }
0x7b: {  	vm1 =	vlt.u32 v27, $0x40;
	v8 =	vor.u32 v40, v28;
	vm2 =	vlt.u32 v29, $0x40;
	v27 =	vld [tilespmem:s31+$0xFFFFFFD0]  }
0x7c: {  	v7 =	vor.u32 v10, v31;
	[tilespmem:v16+s15+$0x0] =	vst.idx.add.f32.msk vm6, v18;
	v16 =	vshll.u32 v44, $0x9;
	vm4 =	vmmov vm1  }
0x7d: {  	v30 =	vld [tilespmem:s31+$0xFFFFFFE0];
	vm5 =	vmmov vm2;
	vm2 =	vmmov vm3;
	vm1 =	vmmov vm9  }
0x7e: {  	v22 =	vld [tilespmem:s31+$0xFFFFFFF0];
	v16 =	vand.u32 $0x7000, v16;
	vm3 =	vmmov vm1;
	v24 =	vshrl.u32 v26, $0x3  }
0x7f: {  	v25 =	vld [tilespmem:s31+$0x0];
	v31 =	vshra.s32 v26, $0xF;
	v47 =	vshra.s32 v23, $0xF;
	v24 =	vand.u32 $0xC00, v24  }
0x80: {  	v59 =	vshll.u32 v31, $0x9;
	v63 =	vshra.s32 v13, $0xF;
	v12 =	vand.u32 $0x3F, v13  }
0x81: {  	v19 =	vshrl.u32 v13, $0x6;
	v13 =	vshrl.u32 v13, $0x3;
	v29 =	vshra.s32 v27, $0xF  }
0x82: {  	v10 =	vshrl.u32 v27, $0x3;
	v11 =	vshrl.u32 v30, $0x6;
	v48 =	vshrl.u32 v30, $0x3  }
0x83: {  	v3 =	vshra.s32 v22, $0xF;
	v49 =	vshrl.u32 v22, $0x6;
	v51 =	vshrl.u32 v22, $0x3  }
0x84: {  	v4 =	vshra.s32 v25, $0xF;
	v52 =	vshrl.u32 v25, $0x6;
	v53 =	vshrl.u32 v25, $0x3  }
0x85: {  	v22 =	vand.u32 $0x3F, v22;
	v25 =	vand.u32 $0x3F, v25;
	v14 =	vsub.s32 v63, v54  }
0x86: {  	v20 =	vand.u32 $0x3F, v63;
	v19 =	vand.u32 $0x7F, v19;
	v21 =	vshll.u32 v63, $0x9  }
0x87: {  	v13 =	vand.u32 $0xC00, v13;
	v2 =	vshll.u32 v63, $0x7;
	v63 =	vor.u32 v42, v0  }
0x88: {  	v0 =	vshra.s32 v30, $0xF;
	v33 =	vand.u32 $0xC00, v10;
	v36 =	vand.u32 $0x7F, v11  }
0x89: {  	v37 =	vand.u32 $0xC00, v48;
	v10 =	vshll.u32 v31, $0x7;
	v11 =	vshll.u32 v29, $0x7  }
0x8a: {  	v39 =	vand.u32 $0x7F, v49;
	v40 =	vand.u32 $0xC00, v51;
	v42 =	vand.u32 $0x7F, v52  }
0x8b: {  	v43 =	vand.u32 $0xC00, v53;
	v49 =	vshll.u32 v3, $0x7;
	v51 =	vshll.u32 v4, $0x7  }
0x8c: {  	v52 =	vshll.u32 v47, $0x7;
	v53 =	vand.u32 $0x3F, v31;
	vm8 =	vlt.u32 v14, $0x40  }
0x8d: {  	v2 =	vand.u32 $0x380, v2;
	v13 =	vor.u32 v13, v19;
	v14 =	vshll.u32 v20, $0x7  }
0x8e: {  	v19 =	vand.u32 $0x7000, v21;
	v2 =	vor.u32 v2, v13;
	v28 =	vor.u32 v12, v14  }
0x8f: {  	v60 =	vand.u32 $0x3F, v29;
	v17 =	vshll.u32 v4, $0x9;
	v2 =	vor.u32 v19, v2  }
0x90: {  	v30 =	vand.u32 $0x3F, v30;
	v21 =	vshrl.u32 v26, $0x6;
	v36 =	vor.u32 v37, v36  }
0x91: {  	v39 =	vor.u32 v40, v39;
	v48 =	vshll.u32 v0, $0x7;
	v42 =	vor.u32 v43, v42  }
0x92: {  	v37 =	vand.u32 $0x380, v11;
	v43 =	vand.u32 $0x380, v49;
	v46 =	vand.u32 $0x380, v51  }
0x93: {  	v11 =	vand.u32 $0x3F, v3;
	v17 =	vand.u32 $0x7000, v17;
	v51 =	vshll.u32 v47, $0x9;
	v20 =	vld.idx.msk [tilespmem:v28+s10+$0x0], vm8  }
0x94: {  	v26 =	vand.u32 $0x3F, v26;
	v21 =	vand.u32 $0x7F, v21;
	v40 =	vand.u32 $0x380, v48;
	v32 =	vld.idx.msk [tilespmem:v2+s2+$0x0], vm8  }
0x95: {  	v39 =	vor.u32 v43, v39;
	v42 =	vor.u32 v46, v42;
	v48 =	vand.u32 $0x3F, v0  }
0x96: {  	v46 =	vsub.s32 v4, v54;
	v19 =	vshrl.u32 v27, $0x6;
	v21 =	vor.u32 v24, v21  }
0x97: {  	v24 =	vshrl.u32 v23, $0x3;
	v36 =	vor.u32 v40, v36;
	v49 =	vor.u32 v17, v42  }
0x98: {  	v27 =	vand.u32 $0x3F, v27;
	vm15 =	vlt.u32 v46, $0x40;
	v19 =	vand.u32 $0x7F, v19  }
0x99: {  	v24 =	vand.u32 $0xC00, v24;
	v32 =	vmul.f32 v20, v32;
	v20 =	vshrl.u32 v23, $0x6  }
0x9a: {  	v19 =	vor.u32 v33, v19;
	v33 =	vand.u32 $0x380, v10;
	v20 =	vand.u32 $0x7F, v20  }
0x9b: {  	v10 =	vshll.u32 v29, $0x9;
	v20 =	vor.u32 v24, v20;
	v24 =	vshll.u32 v44, $0x7  }
0x9c: {  	v21 =	vor.u32 v33, v21;
	v33 =	vand.u32 $0x380, v52;
	v24 =	vand.u32 $0x380, v24  }
0x9d: {  	v19 =	vor.u32 v37, v19;
	v45 =	vor.u32 v24, v45;
	v24 =	vand.u32 $0x7000, v59  }
0x9e: {  	v52 =	vand.u32 $0x3F, v4;
	[tilespmem:v2+s14+$0x0] =	vst.idx.add.f32.msk vm8, v32;
	v24 =	vor.u32 v24, v21;
	v21 =	vand.u32 $0x7000, v10  }
0x9f: {  	v23 =	vand.u32 $0x3F, v23;
	[tilespmem:v28+s15+$0x0] =	vst.idx.add.f32.msk vm8, v32;
	v21 =	vor.u32 v21, v19;
	v19 =	vshll.u32 v3, $0x9  }
0xa0: {  	v2 =	vand.u32 $0x7000, v51;
	v33 =	vor.u32 v33, v20;
	[tilespmem:$0x1FF80] =	vst v6;
	v19 =	vand.u32 $0x7000, v19  }
0xa1: {  	v51 =	vand.u32 $0x3F, v47;
	v28 =	vsub.s32 v31, v54;
	v19 =	vor.u32 v19, v39;
	v39 =	vld.idx.msk [tilespmem:v6+s2+$0x0], vm10;
	[tilespmem:$0x1FF90] =	vst v5  }
0xa2: {  	v20 =	vshll.u32 v0, $0x9;
	v17 =	vor.u32 v16, v45;
	v16 =	vor.u32 v2, v33;
	v2 =	vld.idx.msk [tilespmem:v5+s2+$0x0], vm4;
	[tilespmem:$0x1FFA0] =	vst v1  }
0xa3: {  	v31 =	vshll.u32 v53, $0x7;
	v53 =	vsub.s32 v29, v54;
	v0 =	vsub.s32 v0, v54;
	v45 =	vld.idx.msk [tilespmem:v1+s2+$0x0], vm5  }
0xa4: {  	v20 =	vand.u32 $0x7000, v20;
	vm8 =	vlt.u32 v28, $0x40;
	v59 =	vshll.u32 v60, $0x7;
	v15 =	vld.idx.msk [tilespmem:v57+s2+$0x0], vm2  }
0xa5: {  	v29 =	vor.u32 v26, v31;
	v31 =	vshll.u32 v48, $0x7;
	vm9 =	vlt.u32 v53, $0x40;
	v26 =	vld.idx.msk [tilespmem:v55+s2+$0x0], vm0  }
0xa6: {  	vm11 =	vlt.u32 v0, $0x40;
	v53 =	vsub.s32 v47, v54;
	v20 =	vor.u32 v20, v36;
	v18 =	vld.idx.msk [tilespmem:v50+s2+$0x0], vm1;
	[tilespmem:$0x1FFB0] =	vst v9  }
0xa7: {  	v60 =	vand.u32 $0x3F, v44;
	v32 =	vor.u32 v27, v59;
	v30 =	vor.u32 v30, v31;
	v10 =	vld.idx.msk [tilespmem:v9+s10+$0x0], vm10;
	[tilespmem:$0x1FFC0] =	vst v8  }
0xa8: {  	v31 =	vshll.u32 v11, $0x7;
	v36 =	vshll.u32 v52, $0x7;
	v0 =	vshll.u32 v60, $0x7;
	v11 =	vld.idx.msk [tilespmem:v8+s10+$0x0], vm4;
	[tilespmem:$0x1FFD0] =	vst v7  }
0xa9: {  	v52 =	vimm.s32 $0x0;
	v31 =	vor.u32 v22, v31;
	v22 =	vsub.s32 v44, v54;
	v48 =	vld.idx.msk [tilespmem:v7+s10+$0x0], vm5  }
0xaa: {  	vm7 =	vlt.u32 v22, $0x40;
	v22 =	vor.u32 v34, v0;
	v0 =	vsel vm0, $0xFFFFFFFF, v52;
	v27 =	vld.idx.msk [tilespmem:v62+s2+$0x0], vm12  }
0xab: {  	v59 =	vshll.u32 v51, $0x7;
	v60 =	vimm.s32 $0x0;
	v25 =	vor.u32 v25, v36;
	v37 =	vld.idx.msk [tilespmem:v56+s10+$0x0], vm2;
	[tilespmem:$0x1FFE0] =	vst v0  }
0xac: {  	v23 =	vor.u32 v23, v59;
	v6 =	vsub.s32 v3, v54;
	v0 =	vsel vm12, $0xFFFFFFFF, v60;
	v40 =	vld.idx.msk [tilespmem:v63+s10+$0x0], vm0  }
0xad: {  	vm14 =	vlt.u32 v6, $0x40;
	vm0 =	vlt.u32 v53, $0x40;
	v42 =	vld.idx.msk [tilespmem:v61+s10+$0x0], vm1;
	[tilespmem:$0x1FFF0] =	vst v0;
	v53 =	vmul.f32 v10, v39  }
0xae: {  	s18 =	simm.s32 $0x8;
	s19 =	simm.s32 $0x14140;
	v44 =	vld.idx.msk [tilespmem:v58+s10+$0x0], vm12;
	vm12 =	vmmov vm10;
	v52 =	vmul.f32 v11, v2;
	v48 =	vmul.f32 v48, v45  }
.LBB2_6:
0xaf: {  	v2 =	vld [tilespmem:s19+$0x30]  }
0xb0: {  	[tilespmem:$0x1FE70] =	vst v63;
	v63 =	vld [tilespmem:$0x1FFE0];
	_ =	sdelay $0x1  }
0xb1: {  	vm13 =	vmmov vm4;
	vm6 =	vmmov vm9  }
0xb2: {  	vm1 =	vmmov vm11;
	vm11 =	vmmov vm2;
	vm4 =	vmmov vm14  }
0xb3: {  	[tilespmem:$0x1FE80] =	vst v50;
	v4 =	vimm.s32 $0x0;
	v50 =	vmul.f32 v40, v26;
	v0 =	vmul.f32 v44, v27  }
0xb4: {  	vm2 =	vnez.u8 v63;
	v26 =	vshra.s32 v2, $0xF;
	v27 =	vand.u32 $0x3F, v2  }
0xb5: {  	v33 =	vshrl.u32 v2, $0x6;
	vm9 =	vmmov vm2;
	vm2 =	vmmov vm3  }
0xb6: {  	v2 =	vshrl.u32 v2, $0x3;
	[tilespmem:$0x1FEC0] =	vst v0;
	v0 =	vsel vm2, $0xFFFFFFFF, v4;
	vm2 =	vmmov vm7  }
0xb7: {  	v28 =	vsub.s32 v26, v54;
	v6 =	vand.u32 $0x3F, v26;
	v33 =	vand.u32 $0x7F, v33  }
0xb8: {  	v34 =	vld [tilespmem:s19+$0xFFFFFFD0];
	v7 =	vshll.u32 v26, $0x9;
	v2 =	vand.u32 $0xC00, v2;
	v26 =	vshll.u32 v26, $0x7  }
0xb9: {  	v36 =	vld [tilespmem:s19+$0xFFFFFFE0];
	v26 =	vand.u32 $0x380, v26;
	v2 =	vor.u32 v2, v33  }
0xba: {  	v39 =	vld [tilespmem:s19+$0xFFFFFFF0];
	vm14 =	vlt.u32 v28, $0x40;
	v10 =	vand.u32 $0x7000, v7;
	v2 =	vor.u32 v26, v2  }
0xbb: {  	v43 =	vld [tilespmem:s19+$0x0];
	v28 =	vshll.u32 v6, $0x7;
	v4 =	vor.u32 v10, v2  }
0xbc: {  	vm10 =	vmmov vm8;
	v3 =	vor.u32 v27, v28;
	v10 =	vld.idx.msk [tilespmem:v17+s2+$0x0], vm2  }
0xbd: {  	v33 =	vld.idx.msk [tilespmem:v19+s2+$0x0], vm4  }
0xbe: {  	v51 =	vld [tilespmem:s19+$0xFFFFFFC0]  }
0xbf: {  	v11 =	vld.idx.msk [tilespmem:v20+s2+$0x0], vm1  }
0xc0: {  	v13 =	vld.idx.msk [tilespmem:v4+s2+$0x0], vm14  }
0xc1: {  	vm8 =	vmmov vm5;
	vm5 =	vmmov vm15;
	vm15 =	vmmov vm0;
	[tilespmem:$0x1FEA0] =	vst v10;
	v10 =	vld.idx.msk [tilespmem:v3+s10+$0x0], vm14  }
0xc2: {  	[tilespmem:$0x1FEF0] =	vst v33;
	v33 =	vld.idx.msk [tilespmem:v29+s10+$0x0], vm10  }
0xc3: {  	v5 =	vld [tilespmem:$0x1FFF0]  }
0xc4: {  	[tilespmem:$0x1FEE0] =	vst v58;
	v45 =	vld [tilespmem:s19+$0x10];
	v35 =	vshrl.u32 v51, $0x6;
	v38 =	vshrl.u32 v51, $0x3  }
0xc5: {  	v47 =	vld [tilespmem:s19+$0x20];
	[tilespmem:$0x1FE90] =	vst v0;
	v0 =	vand.u32 $0x7F, v35;
	v35 =	vand.u32 $0xC00, v38  }
0xc6: {  	v58 =	vshra.s32 v34, $0xF;
	v0 =	vor.u32 v35, v0;
	v35 =	vld [tilespmem:$0x1FF80];
	[tilespmem:$0x1FF60] =	vst v11;
	v10 =	vmul.f32 v10, v13  }
0xc7: {  	v11 =	vld.idx.msk [tilespmem:v16+s2+$0x0], vm15;
	[tilespmem:$0x1FF30] =	vst v33;
	v33 =	vmov v16;
	v16 =	vmov v54;
	v54 =	vshll.u32 v58, $0x7  }
0xc8: {  	[tilespmem:v4+s14+$0x0] =	vst.idx.add.f32.msk vm14, v10  }
0xc9: {  	[tilespmem:v3+s15+$0x0] =	vst.idx.add.f32.msk vm14, v10  }
0xca: {  	v3 =	vand.u32 $0x380, v54;
	v54 =	vmov v16;
	v16 =	vld [tilespmem:$0x1FFB0]  }
0xcb: {  	[tilespmem:$0x1FE60] =	vst v56;
	v56 =	vmul.f32 v37, v15;
	v9 =	vld.idx.msk [tilespmem:v21+s2+$0x0], vm6  }
0xcc: {  	v46 =	vmul.f32 v42, v18;
	v42 =	vimm.s32 $0x0;
	v37 =	vshrl.u32 v34, $0x6  }
0xcd: {  	[tilespmem:$0x1FED0] =	vst v62;
	v44 =	vshrl.u32 v34, $0x3;
	v63 =	vshra.s32 v36, $0xF;
	v62 =	vshra.s32 v39, $0xF  }
0xce: {  	[tilespmem:$0x1FEB0] =	vst v61;
	v61 =	vshra.s32 v43, $0xF;
	v59 =	vshra.s32 v45, $0xF;
	v12 =	vshrl.u32 v45, $0x6;
	v8 =	vld.idx.msk [tilespmem:v24+s2+$0x0], vm10  }
0xcf: {  	v14 =	vshrl.u32 v45, $0x3;
	v60 =	vshra.s32 v47, $0xF;
	v15 =	vshrl.u32 v47, $0x6;
	v1 =	vld.idx.msk [tilespmem:v32+s10+$0x0], vm6  }
0xd0: {  	vm3 =	vnez.u8 v5;
	v5 =	vshrl.u32 v36, $0x6;
	v12 =	vand.u32 $0x7F, v12;
	[tilespmem:$0x1FF40] =	vst v9;
	v9 =	vld.idx.msk [tilespmem:v49+s2+$0x0], vm5  }
0xd1: {  	v14 =	vand.u32 $0xC00, v14;
	v15 =	vand.u32 $0x7F, v15;
	v6 =	vshrl.u32 v36, $0x3;
	[tilespmem:v35+s14+$0x0] =	vst.idx.add.f32.msk vm12, v53  }
0xd2: {  	v7 =	vshrl.u32 v39, $0x6;
	v5 =	vand.u32 $0x7F, v5;
	v12 =	vor.u32 v14, v12;
	[tilespmem:v16+s15+$0x0] =	vst.idx.add.f32.msk vm12, v53;
	v16 =	vmovc v24  }
0xd3: {  	v38 =	vshrl.u32 v47, $0x3;
	v26 =	vand.u32 $0xC00, v44;
	v27 =	vsel vm5, $0xFFFFFFFF, v42;
	[tilespmem:$0x1FF80] =	vst v16;
	v16 =	vld [tilespmem:$0x1FFA0]  }
0xd4: {  	v18 =	vld.idx.msk [tilespmem:v30+s10+$0x0], vm1;
	v6 =	vand.u32 $0xC00, v6;
	v7 =	vand.u32 $0x7F, v7;
	v2 =	vshra.s32 v51, $0xF;
	[tilespmem:$0x1FFE0] =	vst v27  }
0xd5: {  	v40 =	vld.idx.msk [tilespmem:v25+s10+$0x0], vm5;
	v27 =	vimm.s32 $0x0;
	v38 =	vand.u32 $0xC00, v38;
	v5 =	vor.u32 v6, v5;
	[tilespmem:$0x1FF20] =	vst v8  }
0xd6: {  	v14 =	vld [tilespmem:$0x1FFC0];
	v41 =	vshll.u32 v2, $0x7;
	v28 =	vmovc v55;
	v55 =	vshll.u32 v63, $0x7;
	v27 =	vsel vm15, $0xFFFFFFFF, v27;
	[tilespmem:$0x1FF50] =	vst v1  }
0xd7: {  	v44 =	vld.idx.msk [tilespmem:v23+s10+$0x0], vm15;
	v15 =	vor.u32 v38, v15;
	v8 =	vshrl.u32 v39, $0x3;
	v1 =	vand.u32 $0x7F, v37;
	[tilespmem:$0x1FF00] =	vst v9  }
0xd8: {  	v37 =	vld.idx.msk [tilespmem:v31+s10+$0x0], vm4;
	v8 =	vand.u32 $0xC00, v8;
	[tilespmem:$0x1FF10] =	vst v11;
	v9 =	vshrl.u32 v43, $0x6;
	v11 =	vshrl.u32 v43, $0x3  }
0xd9: {  	[tilespmem:$0x1FF70] =	vst v18;
	v1 =	vor.u32 v26, v1;
	v42 =	vld.idx.msk [tilespmem:v22+s10+$0x0], vm2;
	v9 =	vand.u32 $0x7F, v9;
	v11 =	vand.u32 $0xC00, v11  }
0xda: {  	v18 =	vmovc v17;
	v17 =	vmovc v57;
	v7 =	vor.u32 v8, v7;
	v35 =	vld [tilespmem:$0x1FF90];
	v9 =	vor.u32 v11, v9;
	v13 =	vshll.u32 v61, $0x7  }
0xdb: {  	v8 =	vand.u32 $0x380, v13;
	v4 =	vand.u32 $0x380, v41;
	v41 =	vshll.u32 v60, $0x7;
	[tilespmem:v16+s14+$0x0] =	vst.idx.add.f32.msk vm8, v48;
	v16 =	vmovc v20  }
0xdc: {  	v10 =	vand.u32 $0x380, v55;
	v13 =	vand.u32 $0x380, v41;
	v1 =	vor.u32 v3, v1;
	[tilespmem:$0x1FFA0] =	vst v16;
	v16 =	vld [tilespmem:$0x1FFD0]  }
0xdd: {  	[tilespmem:$0x1FFF0] =	vst v27;
	v3 =	vor.u32 v10, v5;
	v5 =	vor.u32 v8, v9;
	v8 =	vor.u32 v13, v15;
	v13 =	vld [tilespmem:$0x1FE90]  }
0xde: {  	v27 =	vshll.u32 v59, $0x7;
	v57 =	vshll.u32 v62, $0x7;
	[tilespmem:v28+s14+$0x0] =	vst.idx.add.f32.msk vm9, v50  }
0xdf: {  	v6 =	vand.u32 $0x380, v57;
	v11 =	vand.u32 $0x380, v27;
	[tilespmem:v17+s14+$0x0] =	vst.idx.add.f32.msk vm11, v56  }
0xe0: {  	v0 =	vor.u32 v4, v0;
	v4 =	vor.u32 v6, v7;
	v6 =	vor.u32 v11, v12;
	v12 =	vld [tilespmem:$0x1FE80]  }
0xe1: {  	vm7 =	vmmov vm3;
	v15 =	vld [tilespmem:$0x1FEB0]  }
0xe2: {  	v36 =	vand.u32 $0x3F, v36;
	vm3 =	vmmov vm2;
	[tilespmem:v35+s14+$0x0] =	vst.idx.add.f32.msk vm13, v52;
	vm0 =	vnez.u8 v13  }
0xe3: {  	v38 =	vand.u32 $0x3F, v60;
	vm5 =	vmmov vm1;
	v26 =	vand.u32 $0x3F, v63;
	[tilespmem:v14+s15+$0x0] =	vst.idx.add.f32.msk vm13, v52  }
0xe4: {  	vm2 =	vmmov vm4;
	vm4 =	vmmov vm6;
	v57 =	vmovc v19;
	v19 =	vand.u32 $0x3F, v61;
	[tilespmem:v16+s15+$0x0] =	vst.idx.add.f32.msk vm8, v48;
	v16 =	vmovc v30  }
0xe5: {  	v27 =	vshll.u32 v63, $0x9;
	v35 =	vand.u32 $0x3F, v59;
	v14 =	vmovc v21;
	v21 =	vshll.u32 v2, $0x9;
	[tilespmem:$0x1FFD0] =	vst v16;
	v16 =	vld [tilespmem:$0x1FE60]  }
0xe6: {  	v55 =	vmovc v49;
	v49 =	vld [tilespmem:$0x1FE70];
	v52 =	vand.u32 $0x3F, v34;
	[tilespmem:$0x1FF90] =	vst v14;
	v14 =	vand.u32 $0x3F, v2;
	v2 =	vsub.s32 v2, v54;
	v41 =	vmovc v29  }
0xe7: {  	v7 =	vand.u32 $0x7000, v21;
	v10 =	vsub.s32 v58, v54;
	v21 =	vld [tilespmem:$0x1FEE0];
	v29 =	vand.u32 $0x3F, v62;
	[tilespmem:$0x1FFB0] =	vst v41  }
0xe8: {  	v9 =	vshll.u32 v14, $0x7;
	v41 =	vshll.u32 v60, $0x9;
	v24 =	vshll.u32 v58, $0x9;
	[tilespmem:v12+s14+$0x0] =	vst.idx.add.f32.msk vm0, v46  }
0xe9: {  	[tilespmem:v15+s15+$0x0] =	vst.idx.add.f32.msk vm0, v46;
	v20 =	vand.u32 $0x3F, v58;
	v58 =	vmovc v23;
	v23 =	vshll.u32 v35, $0x7;
	v35 =	vsub.s32 v60, v54  }
0xea: {  	v60 =	vand.u32 $0x3F, v43;
	v43 =	vand.u32 $0x3F, v45;
	v45 =	vand.u32 $0x3F, v47;
	v47 =	vld [tilespmem:$0x1FF20]  }
0xeb: {  	v14 =	vand.u32 $0x7000, v27;
	v27 =	vsub.s32 v61, v54;
	v12 =	vshll.u32 v20, $0x7;
	v20 =	vld [tilespmem:$0x1FEC0];
	v48 =	vmovc v32  }
0xec: {  	vm15 =	vlt.u32 v27, $0x40;
	v13 =	vsub.s32 v63, v54;
	v63 =	vmovc v25;
	v25 =	vsub.s32 v62, v54;
	[tilespmem:$0x1FFC0] =	vst v48;
	v48 =	vld [tilespmem:$0x1FF30]  }
0xed: {  	vm14 =	vlt.u32 v25, $0x40;
	v15 =	vshll.u32 v26, $0x7;
	v26 =	vshll.u32 v29, $0x7;
	[tilespmem:v16+s15+$0x0] =	vst.idx.add.f32.msk vm11, v56  }
0xee: {  	v46 =	vsub.s32 v59, v54;
	v32 =	vshll.u32 v62, $0x9;
	v30 =	vshll.u32 v61, $0x9;
	v16 =	vld [tilespmem:$0x1FED0]  }
0xef: {  	v61 =	vmovc v22;
	v22 =	vshll.u32 v19, $0x7;
	v17 =	vand.u32 $0x7000, v32;
	v32 =	vor.u32 v52, v12;
	v52 =	vld [tilespmem:$0x1FF50]  }
0xf0: {  	v25 =	vor.u32 v60, v22;
	v60 =	vld [tilespmem:$0x1FF70];
	v19 =	vor.u32 v17, v4;
	v56 =	vmovc v31;
	v31 =	vshll.u32 v59, $0x9  }
0xf1: {  	v59 =	vand.u32 $0x3F, v39;
	v29 =	vand.u32 $0x7000, v31;
	v31 =	vand.u32 $0x3F, v51;
	v51 =	vld [tilespmem:$0x1FF40]  }
0xf2: {  	v17 =	vor.u32 v29, v6;
	v29 =	vor.u32 v31, v9;
	v31 =	vor.u32 v59, v26;
	v59 =	vld [tilespmem:$0x1FF60]  }
0xf3: {  	s18 =	sadd.s32 $0x8, s18;
	[tilespmem:v49+s15+$0x0] =	vst.idx.add.f32.msk vm9, v50;
	v53 =	vshll.u32 v38, $0x7;
	vm9 =	vlt.u32 v10, $0x40;
	vm12 =	vmmov vm10  }
0xf4: {  	p0 =	slt.u32 s18, $0x3F8;
	v27 =	vld [tilespmem:$0x1FF10];
	v11 =	vand.u32 $0x7000, v24;
	v24 =	vor.u32 v7, v0;
	vm0 =	vlt.u32 v35, $0x40  }
.Ltmp2:
0xf5: {  	v50 =	vmovc v18;
	v18 =	vld [tilespmem:$0x1FEA0];
	vm8 =	vlt.u32 v2, $0x40;
	v22 =	vor.u32 v43, v23;
	v23 =	vor.u32 v45, v53;
	(pc) =	sbr.rel @p0 .LBB2_6-.Ltmp2, $4  }
0xf6: {  	v53 =	vmul.f32 v48, v47;
	vm11 =	vlt.u32 v13, $0x40;
	v52 =	vmul.f32 v52, v51;
	[tilespmem:v16+s14+$0x0] =	vst.idx.add.f32.msk vm7, v20  }
0xf7: {  	v48 =	vmul.f32 v60, v59;
	v16 =	vand.u32 $0x7000, v30;
	v30 =	vand.u32 $0x7000, v41;
	[tilespmem:v21+s15+$0x0] =	vst.idx.add.f32.msk vm7, v20  }
0xf8: {  	v26 =	vld [tilespmem:$0x1FF00];
	v21 =	vor.u32 v11, v1;
	v20 =	vor.u32 v14, v3;
	v49 =	vor.u32 v16, v5  }
0xf9: {  	s19 =	sadd.s32 $0x80, s19;
	v62 =	vmovc v33;
	v16 =	vor.u32 v30, v8;
	v30 =	vor.u32 v36, v15;
	v15 =	vld [tilespmem:$0x1FEF0];
	vm7 =	vlt.u32 v46, $0x40  }
0xfa: {  	v10 =	vld [tilespmem:$0x1FF80];
	_ =	sdelay $0x7  }
0xfb: {  	[tilespmem:v10+s14+$0x0] =	vst.idx.add.f32.msk vm12, v53  }
0xfc: {  	v11 =	vld [tilespmem:$0x1FFB0];
	_ =	sdelay $0x7  }
0xfd: {  	[tilespmem:v11+s15+$0x0] =	vst.idx.add.f32.msk vm12, v53  }
0xfe: {  	v13 =	vld [tilespmem:$0x1FF90]  }
0xff: {  	vm6 =	vmmov vm9  }
0x100: {  	vm9 =	vmmov vm14;
	vm14 =	vmmov vm0;
	v6 =	vld.idx.msk [tilespmem:v16+s2+$0x0], vm0;
	vm0 =	vmmov vm4;
	_ =	sdelay $0x5  }
0x101: {  	[tilespmem:v13+s14+$0x0] =	vst.idx.add.f32.msk vm0, v52  }
0x102: {  	v14 =	vld [tilespmem:$0x1FFC0];
	_ =	sdelay $0x6  }
0x103: {  	vm13 =	vmmov vm8;
	v13 =	vld [tilespmem:$0x1FFE0]  }
0x104: {  	[tilespmem:v14+s15+$0x0] =	vst.idx.add.f32.msk vm0, v52  }
0x105: {  	vm11 =	vmmov vm11;
	v52 =	vld [tilespmem:$0x1FFA0];
	_ =	sdelay $0x1  }
0x106: {  	v4 =	vld.idx.msk [tilespmem:v49+s2+$0x0], vm15;
	vm10 =	vmmov vm5  }
0x107: {  	v46 =	vld.idx.msk [tilespmem:v25+s10+$0x0], vm15  }
0x108: {  	vm7 =	vmmov vm7;
	v0 =	vld.idx.msk [tilespmem:v24+s2+$0x0], vm13  }
0x109: {  	v1 =	vld.idx.msk [tilespmem:v21+s2+$0x0], vm6  }
0x10a: {  	v2 =	vld.idx.msk [tilespmem:v20+s2+$0x0], vm11  }
0x10b: {  	v3 =	vld.idx.msk [tilespmem:v19+s2+$0x0], vm9  }
0x10c: {  	[tilespmem:v52+s14+$0x0] =	vst.idx.add.f32.msk vm10, v48  }
0x10d: {  	v51 =	vmul.f32 v37, v15;
	v15 =	vld [tilespmem:$0x1FFD0]  }
0x10e: {  	v5 =	vld.idx.msk [tilespmem:v17+s2+$0x0], vm7  }
0x10f: {  	v7 =	vld.idx.msk [tilespmem:v29+s10+$0x0], vm13  }
0x110: {  	v8 =	vld.idx.msk [tilespmem:v32+s10+$0x0], vm6  }
0x111: {  	vm2 =	vmmov vm2;
	v9 =	vld.idx.msk [tilespmem:v30+s10+$0x0], vm11;
	vm12 =	vnez.u8 v13  }
0x112: {  	v45 =	vld.idx.msk [tilespmem:v31+s10+$0x0], vm9;
	vm5 =	vmmov vm12  }
0x113: {  	v12 =	vld.idx.msk [tilespmem:v22+s10+$0x0], vm7  }
0x114: {  	v47 =	vld.idx.msk [tilespmem:v23+s10+$0x0], vm14  }
0x115: {  	[tilespmem:v15+s15+$0x0] =	vst.idx.add.f32.msk vm10, v48  }
0x116: {  	v53 =	vmul.f32 v40, v26;
	v59 =	vld [tilespmem:$0x1FFF0]  }
0x117: {  	v60 =	vmul.f32 v42, v18;
	[tilespmem:v57+s14+$0x0] =	vst.idx.add.f32.msk vm2, v51  }
0x118: {  	vm8 =	vmmov vm15;
	vm15 =	vmmov vm3;
	v0 =	vmul.f32 v7, v0;
	[tilespmem:v55+s14+$0x0] =	vst.idx.add.f32.msk vm5, v53  }
0x119: {  	v1 =	vmul.f32 v8, v1;
	[tilespmem:v50+s14+$0x0] =	vst.idx.add.f32.msk vm3, v60  }
0x11a: {  	[tilespmem:v24+s14+$0x0] =	vst.idx.add.f32.msk vm13, v0  }
0x11b: {  	[tilespmem:v21+s14+$0x0] =	vst.idx.add.f32.msk vm6, v1  }
0x11c: {  	[tilespmem:v56+s15+$0x0] =	vst.idx.add.f32.msk vm2, v51  }
0x11d: {  	[tilespmem:v63+s15+$0x0] =	vst.idx.add.f32.msk vm5, v53  }
0x11e: {  	[tilespmem:v61+s15+$0x0] =	vst.idx.add.f32.msk vm15, v60  }
0x11f: {  	[tilespmem:v29+s15+$0x0] =	vst.idx.add.f32.msk vm13, v0;
	v0 =	vmul.f32 v9, v2  }
0x120: {  	[tilespmem:v32+s15+$0x0] =	vst.idx.add.f32.msk vm6, v1;
	v1 =	vmul.f32 v45, v3  }
0x121: {  	[tilespmem:v20+s14+$0x0] =	vst.idx.add.f32.msk vm11, v0  }
0x122: {  	[tilespmem:v19+s14+$0x0] =	vst.idx.add.f32.msk vm9, v1  }
0x123: {  	[tilespmem:v30+s15+$0x0] =	vst.idx.add.f32.msk vm11, v0;
	v0 =	vmul.f32 v46, v4  }
0x124: {  	[tilespmem:v31+s15+$0x0] =	vst.idx.add.f32.msk vm9, v1;
	v1 =	vmul.f32 v12, v5;
	vm1 =	vnez.u8 v59  }
0x125: {  	vm1 =	vmmov vm1;
	[tilespmem:v49+s14+$0x0] =	vst.idx.add.f32.msk vm8, v0  }
0x126: {  	[tilespmem:v17+s14+$0x0] =	vst.idx.add.f32.msk vm7, v1  }
0x127: {  	[tilespmem:v25+s15+$0x0] =	vst.idx.add.f32.msk vm8, v0;
	v0 =	vmul.f32 v47, v6  }
0x128: {  	[tilespmem:v22+s15+$0x0] =	vst.idx.add.f32.msk vm7, v1  }
0x129: {  	v63 =	vmul.f32 v44, v27;
	[tilespmem:v16+s14+$0x0] =	vst.idx.add.f32.msk vm14, v0  }
0x12a: {  	[tilespmem:v23+s15+$0x0] =	vst.idx.add.f32.msk vm14, v0  }
0x12b: {  	[tilespmem:v62+s14+$0x0] =	vst.idx.add.f32.msk vm1, v63  }
0x12c: {  	[tilespmem:v58+s15+$0x0] =	vst.idx.add.f32.msk vm1, v63  }
0x12d: {  	[hbm4b:s7+s2] =	stream.linear.scatter [tilespmem:s14], [sflag:$0x2], $0x8000, $0x38;
	[tilespmem:$0x18000] =	vst v63  }
0x12e: {  	s17 =	sadd.s32 $0x1, s17;
	_ =	swait.ge [sflag:s16], $0x8000  }
0x12f: {  	p0 =	sne.s32 s17, s9;
	[sflag:s16] =	ssyncset.done $0x0  }
.Ltmp3:
0x130: {  	[sflag:s16] =	ssyncadd.s32 $0xFFFF8000;
	(pc) =	sbr.rel @p0 .LBB2_1-.Ltmp3, $4  }
0x131: {  	[hbm4b:s8+s2] =	stream.linear.scatter [tilespmem:s15], [sflag:$0x2], $0x2000, $0x38;
	[tilespmem:$0x18000] =	vst v63  }
0x132: {  	vm4 =	vmmov vm13;
	vm12 =	vmmov vm11;
	_ =	swait.ge [sflag:s16], $0x2000  }
0x133: {  	vm0 =	vmmov vm14;
	vm10 =	vmmov vm6;
	vm3 =	vmmov vm7;
	[sflag:s16] =	ssyncset.done $0x0  }
0x134: {  	vm15 =	vmmov vm9;
	vm2 =	vmmov vm8;
	v0 =	vimm.f32 $0.0e+00;
	[sflag:s16] =	ssyncadd.s32 $0xFFFFE000  }
0x135: {  	_ =	sfence.sel $0x180000  }
0x136: {  	[bflag:$0x0] =	sbarrier.arrive $0xFFFF  }
0x137: {  	p0 =	sne.s32 s0, $0x0;
	_ =	strace $0x9000004A  }
0x138: {  	s0 =	sadd.s32 @!p0 $0x100000, s1;
	[bflag:$0x2] =	sbarrier.arrive $0xFFFF  }
0x139: {  	[sflag:s0] =	ssyncadd.tile.s32 @!p0 $0x1;
	_ =	shalt  }
.Lfunc_end2:
_tile_overlayer_lowered:
.L_overlay_start_2:
0x13a: {  	(tag) =	ssettag $0x2  }
0x13b: {  	s0 =	rddreg [dreg:$0x0];
	s2 =	stileid.u32  }
0x13c: {  	s1 =	rddreg [dreg:$0x1];
	p0 =	sne.s32 s2, $0x0  }
0x13d: {  	s3 =	rddreg [dreg:$0x2];
	[bflag:$0x3] =	sbarrier.arrive $0xFFFF;
	s2 =	simm.s32 @!p0 $0x1C02  }
0x13e: {  	[timem:s3], [sflag:s2] =	dma.local @!p0 [hbm:s0], s1  }
0x13f: {  	s0 =	simm.s32 @!p0 $0x2  }
0x140: {  	_ =	swait.ge @!p0 [sflag:s0], s1  }
0x141: {  	s1 =	ssub.s32 @!p0 $0x0, s1;
	[sflag:s0] =	ssyncset.done @!p0 $0x0  }
0x142: {  	[sflag:s0] =	ssyncadd.s32 @!p0 s1  }
0x143: {  	[bflag:$0x3] =	sbarrier.arrive $0xFFFF  }
0x144: {  	_ =	shalt  }

// kernel: kernel.8.cloned.1.call-start
scs
__scs_entry_jumppad:
0x0: {  	(pc) =	sbr.rel $0x88, $3  }
0x1: {  	(tag) =	ssettag $0x0;
	lr =	simm.s32 $0x1  }
0x2: {  	[smem:$0x3F93] =	sst lr;
	_ =	strace $0xD0000000  }
0x3: {  	_ = 	snop  }
0x4: {  	_ = 	snop  }
0x5: {  	_ = 	snop  }
0x6: {  	_ = 	snop  }
0x7: {  	_ = 	snop  }
__scs_overlays_trampoline_lowered:
0x8: {  	[smem:$0x3FA2] =	sst s0  }
0x9: {  	[smem:$0x3FA3] =	sst s1  }
0xa: {  	[smem:$0x3FA4] =	sst s2  }
0xb: {  	[smem:$0x3FA5] =	sst s3  }
0xc: {  	[smem:$0x3FA6] =	sst s4  }
0xd: {  	[smem:$0x3FA7] =	sst s5  }
0xe: {  	[smem:$0x3FA8] =	sst s6  }
0xf: {  	[smem:$0x3FA9] =	sst s7  }
0x10: {  	[smem:$0x3FAA] =	sst s8  }
0x11: {  	[smem:$0x3FAB] =	sst s9;
	s0 =	simm.s32 @!p0 $0x0  }
0x12: {  	s1 =	sld [smem:$0x3F91];
	s0 =	simm.s32 @p0 $0x1  }
0x13: {  	[smem:$0x3FAC] =	sst s0;
	s0 =	simm.s32 @!p1 $0x0  }
0x14: {  	s2 =	sld [smem:$0x3F90];
	s0 =	simm.s32 @p1 $0x1  }
0x15: {  	[smem:$0x3FAD] =	sst s0;
	s0 =	simm.s32 @!p2 $0x0  }
0x16: {  	s3 =	sld [smem:$0x3FDB];
	s0 =	simm.s32 @p2 $0x1  }
0x17: {  	s4 =	simm.s32 $0x1BF5;
	[smem:$0x3FAF] =	sst s0  }
0x18: {  	s0 =	sld [smem:$0x3F92];
	_ =	swait.ge [sflag:s4], $0x0  }
0x19: {  	s7 =	sld [smem:$0x3F93]  }
0x1a: {  	s8 =	sadd.s32 $0xFFFFE003, lr  }
0x1b: {  	s9 =	sadd.s32 $0xFFFFFEF7, lr;
	s5 =	simm.s32 $0xFFFFFFFF;
	p2 =	slt.u32 s8, $0xFFFFF086  }
0x1c: {  	p1 =	slt.u32 s9, $0xF7A;
	s5 =	simm.s32 @!p2 $0x0  }
0x1d: {  	s5 =	simm.s32 @p1 $0x1;
	p0 =	seq.s32 s7, s2  }
0x1e: {  	s7 =	smul.u32 @!p0 $0xF7A, s2;
	p2 =	seq.s32 @!p0 s5, $0x0  }
0x1f: {  	s9 =	smul.u32 $0xF7A, s1;
	s8 =	simm.s32 @!p0 $0x1BF5;
	p2 =	por !p2, p0  }
0x20: {  	[sflag:s8] =	ssyncset.s32 @!p0 $0xFFFFF086;
	s6 =	sadd.s32 @!p0 s3, s7;
	s7 =	simm.s32 @!p0 $0x108  }
0x21: {  	s3 =	sadd.s32 s3, s9;
	s6 =	sadd.s32 @!p0 $0x88, s6;
	s7 =	simm.s32 @p2 $0x1082  }
0x22: {  	[simem:s7], [sflag:s8] =	dma.local @!p0 [hbm:s6], $0xF7A  }
0x23: {  	s9 =	sor.u32 $0xD0000000, s2;
	s6 =	simm.s32 $0x108;
	_ =	swait.ge @!p0 [sflag:s8], $0x0  }
0x24: {  	s3 =	sadd.s32 $0x88, s3;
	s6 =	simm.s32 @!p1 $0x1082;
	[sflag:s4] =	ssyncset.s32 $0xFFFFF086  }
0x25: {  	[simem:s6], [sflag:s4] =	dma.local [hbm:s3], $0xF7A  }
0x26: {  	[smem:$0x3F93] =	sst s1;
	(tag) =	ssettag s2;
	_ =	strace s9  }
0x27: {  	s1 =	sld [smem:$0x3FA3]  }
0x28: {  	s2 =	sld [smem:$0x3FA4]  }
0x29: {  	s4 =	sld [smem:$0x3FA6]  }
0x2a: {  	p0 =	seq.s32 s5, $0x0;
	s5 =	sld [smem:$0x3FA7]  }
0x2b: {  	s6 =	sld [smem:$0x3FA8]  }
0x2c: {  	s7 =	sld [smem:$0x3FA9]  }
0x2d: {  	s3 =	simm.s32 $0x108;
	s8 =	sld [smem:$0x3FAA]  }
0x2e: {  	s3 =	simm.s32 @!p0 $0x1082;
	s9 =	sld [smem:$0x3FAB]  }
0x2f: {  	lr =	sadd.s32 s0, s3;
	s0 =	sld [smem:$0x3FA2]  }
0x30: {  	s3 =	sld [smem:$0x3FA5]  }
0x31: {  	[smem:$0x3FAE] =	sst s10  }
0x32: {  	s10 =	sld [smem:$0x3FAC];
	_ =	sdelay $0x3  }
0x33: {  	p0 =	seq.s32 s10, $0x1;
	s10 =	sld [smem:$0x3FAE];
	_ =	sdelay $0x3  }
0x34: {  	[smem:$0x3FAE] =	sst s10  }
0x35: {  	s10 =	sld [smem:$0x3FAD];
	_ =	sdelay $0x3  }
0x36: {  	p1 =	seq.s32 s10, $0x1;
	s10 =	sld [smem:$0x3FAE];
	_ =	sdelay $0x3  }
0x37: {  	[smem:$0x3FAE] =	sst s10  }
0x38: {  	s10 =	sld [smem:$0x3FAF]  }
0x39: {  	_ = 	snop;
	(pc) =	sbr.ind lr, $3  }
0x3a: {  	_ = 	snop  }
0x3b: {  	_ = 	snop  }
0x3c: {  	p2 =	seq.s32 s10, $0x1;
	s10 =	sld [smem:$0x3FAE]  }
0x3d: {  	_ =	shalt  }
0x3e: {  	_ =	shalt  }
0x3f: {  	_ =	shalt  }
0x40: {  	_ =	shalt  }
0x41: {  	_ =	shalt  }
0x42: {  	_ =	shalt  }
0x43: {  	_ =	shalt  }
0x44: {  	_ =	shalt  }
0x45: {  	_ =	shalt  }
0x46: {  	_ =	shalt  }
0x47: {  	_ =	shalt  }
0x48: {  	_ =	shalt  }
0x49: {  	_ =	shalt  }
0x4a: {  	_ =	shalt  }
0x4b: {  	_ =	shalt  }
0x4c: {  	_ =	shalt  }
0x4d: {  	_ =	shalt  }
0x4e: {  	_ =	shalt  }
0x4f: {  	_ =	shalt  }
0x50: {  	_ =	shalt  }
0x51: {  	_ =	shalt  }
0x52: {  	_ =	shalt  }
0x53: {  	_ =	shalt  }
0x54: {  	_ =	shalt  }
0x55: {  	_ =	shalt  }
0x56: {  	_ =	shalt  }
0x57: {  	_ =	shalt  }
0x58: {  	_ =	shalt  }
0x59: {  	_ =	shalt  }
0x5a: {  	_ =	shalt  }
0x5b: {  	_ =	shalt  }
0x5c: {  	_ =	shalt  }
0x5d: {  	_ =	shalt  }
0x5e: {  	_ =	shalt  }
0x5f: {  	_ =	shalt  }
0x60: {  	_ =	shalt  }
0x61: {  	_ =	shalt  }
0x62: {  	_ =	shalt  }
0x63: {  	_ =	shalt  }
0x64: {  	_ =	shalt  }
0x65: {  	_ =	shalt  }
0x66: {  	_ =	shalt  }
0x67: {  	_ =	shalt  }
0x68: {  	_ =	shalt  }
0x69: {  	_ =	shalt  }
0x6a: {  	_ =	shalt  }
0x6b: {  	_ =	shalt  }
0x6c: {  	_ =	shalt  }
0x6d: {  	_ =	shalt  }
0x6e: {  	_ =	shalt  }
0x6f: {  	_ =	shalt  }
0x70: {  	_ =	shalt  }
0x71: {  	_ =	shalt  }
0x72: {  	_ =	shalt  }
0x73: {  	_ =	shalt  }
0x74: {  	_ =	shalt  }
0x75: {  	_ =	shalt  }
0x76: {  	_ =	shalt  }
0x77: {  	_ =	shalt  }
0x78: {  	_ =	shalt  }
0x79: {  	_ =	shalt  }
0x7a: {  	_ =	shalt  }
0x7b: {  	_ =	shalt  }
0x7c: {  	_ =	shalt  }
0x7d: {  	_ =	shalt  }
0x7e: {  	_ =	shalt  }
0x7f: {  	_ =	shalt  }
0x80: {  	_ =	shalt  }
0x81: {  	_ =	shalt  }
0x82: {  	_ =	shalt  }
0x83: {  	_ =	shalt  }
0x84: {  	_ =	shalt  }
0x85: {  	_ =	shalt  }
0x86: {  	_ =	shalt  }
0x87: {  	_ =	shalt  }
.Lfunc_end0:
.L_simem_size_0:
called_computation_lowered:
.L_overlay_start_0:
0x88: {  	s2 =	sld [smem:$0x3FD9]  }
0x89: {  	s3 =	sld [smem:$0x3FFE];
	_ =	sdelay $0x1  }
0x8a: {  	s1 =	srdreg.scid  }
0x8b: {  	s0 =	sand.u32 $0x1, s1  }
0x8c: {  	s16 =	sshll.u32 s0, $0xA;
	s2 =	sadd.s32 s3, s2  }
0x8d: {  	s2 =	sadd.s32 s2, s16  }
0x8e: {  	[smem:$0x3FBA] =	sst s2  }
0x8f: {  	_ = 	snop  }
0x90: {  	(tm) =	ssettm $0x1  }
0x91: {  	s17 =	sld [smem:$0x3FFB];
	_ =	sdelay $0x3  }
0x92: {  	_ =	strace s17  }
0x93: {  	s2 =	sld [smem:$0x3FFC];
	_ =	sdelay $0x3  }
0x94: {  	_ =	strace s2  }
0x95: {  	s2 =	sld [smem:$0x3FFD];
	_ =	sdelay $0x3  }
0x96: {  	_ =	strace s2  }
0x97: {  	_ =	strace $0x8FFFFFFF  }
0x98: {  	s18 =	sld [smem:$0x3FDB];
	_ =	sdelay $0x1  }
0x99: {  	s19 =	simm.s32 $_scs_section_size  }
0x9a: {  	s4 =	simm.s32 $_size__tile_overlayer_lowered;
	s5 =	simm.s32 $_tile_overlayer_lowered  }
0x9b: {  	s22 =	simm.s32 $0x1BFF;
	s21 =	sshll.u32 s5, $0x1;
	s2 =	sadd.s32 s19, s18  }
0x9c: {  	s6 =	simm.s32 $0x0;
	s20 =	sshll.u32 s4, $0x1;
	s4 =	sadd.s32 s21, s2  }
0x9d: {  	[timem:s6], [sflag:s22] =	dma.local [hbm:s4], s20  }
0x9e: {  	_ =	swait.ge [sflag:s22], s20  }
0x9f: {  	s3 =	ssub.s32 $0x0, s20;
	[sflag:s22] =	ssyncset.done $0x0  }
0xa0: {  	[sflag:s22] =	ssyncadd.s32 s3;
	_ =	sdelay $0x1  }
0xa1: {  	s23 =	simm.s32 $0x1B8B  }
0xa2: {  	_ =	swait.ge [sflag:s23], $0x1  }
0xa3: {  	[sflag:s23] =	ssyncset.done $0x0  }
0xa4: {  	s25 =	simm.s32 $0x1B8E;
	s24 =	sld [smem:$0x3FFE];
	[sflag:s23] =	ssyncadd.s32 $0xFFFFFFFF  }
0xa5: {  	s26 =	simm.s32 $execute0_lowered;
	[smem:$0x3FD2] =	sst s25  }
0xa6: {  	s4 =	sshll.u32 s26, $0x1;
	_ =	strace $0x80000046;
	[dreg:$0x1] =	wrdreg $0xFFFFFFFF  }
0xa7: {  	s28 =	simm.s32 $_size_execute0_lowered;
	s2 =	sadd.s32 s2, s4;
	[dreg:$0x0] =	wrdreg $0x0  }
0xa8: {  	s4 =	sshll.u32 s28, $0x1;
	[dreg:$0x2] =	wrdreg s2  }
0xa9: {  	[dreg:$0x3] =	wrdreg s4  }
0xaa: {  	[dreg:$0x4] =	wrdreg $0xC0  }
0xab: {  	_ =	task [dreg:s6], $0x5FFFF  }
0xac: {  	[dreg:$0x1] =	wrdreg $0xFFFFFFFF  }
0xad: {  	[dreg:$0x0] =	wrdreg $0x60  }
0xae: {  	[dreg:$0x2] =	wrdreg s24  }
0xaf: {  	[dreg:$0x3] =	wrdreg $0x9  }
0xb0: {  	_ =	task.clear_ibuf [dreg:s6], $0x4FFFF;
	_ =	strace $0x90000046  }
0xb1: {  	s29 =	simm.s32 $0x9;
	_ =	strace $0x80000048  }
0xb2: {  	_ =	swait.ge [sflag:s29], $0x1  }
0xb3: {  	[sflag:s29] =	ssyncadd.s32 $0xFFFFFFFF  }
0xb4: {  	_ =	strace $0x90000048  }
0xb5: {  	_ =	sfence  }
0xb6: {  	s30 =	sld [smem:$0x0];
	_ =	sdelay $0x2  }
0xb7: {  	s31 =	sshll.u32 s1, $0xD;
	s1 =	sshrl.u32 s1, $0x2  }
0xb8: {  	s3 =	sand.u32 $0x4000, s31;
	s1 =	sadd.s32 s1, s30  }
0xb9: {  	s0 =	sor.u32 s3, s0;
	s1 =	sshll.u32 s1, $0x11  }
0xba: {  	s0 =	sor.u32 s1, s0  }
0xbb: {  	s0 =	sadd.s32 $0x8F2B, s0  }
0xbc: {  	[sflag:s0] =	ssyncadd.remote.s32 $0x1  }
0xbd: {  	_ =	sfence.sel $0xFFFF  }
0xbe: {  	[dreg:$0x0] =	wrdreg $0xFFFFFFFF;
	(pc) =	sbr.abs _section_cstart, $3  }
0xbf: {  	[dreg:$0x1] =	wrdreg $0xFFFFFFFF  }
0xc0: {  	_ =	task.clear_ibuf [dreg:s6], $0x2FFFF;
	_ =	strace $0x9FFFFFFF  }
0xc1: {  	(tm) =	ssettm $0x7FFFFFFF  }
tec
execute0_lowered:
.L_overlay_start_1:
0x0: {  	(tag) =	ssettag $0x1  }
0x1: {  	s0 =	srdreg.scid  }
0x2: {  	s2 =	simm.s32 $0x1;
	s6 =	rddreg [dreg:$0x0];
	s12 =	simm.s32 $0x200  }
0x3: {  	s13 =	simm.s32 $0x14000;
	s14 =	simm.s32 $0xA000;
	s4 =	sand.u32 $0x1, s0  }
0x4: {  	s16 =	simm.s32 $0x2;
	s0 =	stileid.u32;
	s1 =	sshll.u32 s4, $0x4  }
0x5: {  	s17 =	simm.s32 $0x0;
	s5 =	sand.u32 $0x7, s0;
	s1 =	sor.u32 s0, s1  }
0x6: {  	s4 =	ssub.s32 $0x2, s4;
	p1 =	sne.s32 s5, $0x0;
	p0 =	seq.s32 s1, $0x0  }
0x7: {  	s10 =	sshll.u32 s5, $0xF;
	s11 =	sshll.u32 s5, $0xD;
	p0 =	por !p1, !p0  }
0x8: {  	s30 =	sshrl.u32 s4, $0x1;
	s15 =	sshll.u32 s5, $0x6;
	p0 =	por !p0, !p0  }
0x9: {  	s1 =	sshrl.u32 s1, $0x3;
	v54 =	vmov s15;
	s15 =	simm.s32 $0x12000;
	s2 =	simm.s32 @!p0 $0x0  }
0xa: {  	s7 =	ssub.s32 s1, s2;
	s1 =	rddreg [dreg:$0x1];
	s2 =	simm.s32 $0x0  }
0xb: {  	s3 =	sshll.u32 s7, $0xE;
	s8 =	sshll.u32 s7, $0x7;
	[smem:$0x7FF] =	sst s2  }
0xc: {  	s9 =	sshll.u32 s7, $0x12;
	s7 =	sshll.u32 s7, $0x10;
	s3 =	sand.u32 $0xFFFF0000, s3  }
0xd: {  	s8 =	sand.u32 $0x180, s8;
	_ =	strace $0x80000047;
	s9 =	sor.u32 s10, s9  }
0xe: {  	s7 =	sor.u32 s11, s7;
	s10 =	ssub.s32 s4, s30;
	s11 =	simm.s32 $0x80  }
0xf: {  	s3 =	sor.u32 s8, s3;
	s9 =	sshrl.u32 s9, $0x3;
	s7 =	sshrl.u32 s7, $0x3  }
0x10: {  	s8 =	sshrl.u32 s3, $0x3;
	s3 =	simm.s32 $0x1;
	s9 =	sadd.s32 s9, s6  }
0x11: {  	s31 =	sadd.s32 s7, s6;
	s8 =	sadd.s32 s8, s6;
	s4 =	sadd.s32 $0x5800, s9  }
0x12: {  	s5 =	sadd.s32 $0x25800, s31;
	s7 =	sadd.s32 $0x6F800, s9;
	s9 =	smax.u32 s10, $0x1  }
0x13: {  	v0 =	vimm.f32 $0.0e+00;
	s10 =	simm.s32 $0x8000;
	s6 =	sadd.s32 $0x2D800, s8;
	s8 =	sadd.s32 $0x8F800, s31  }
.LBB2_1:
0x14: {  	[tilespmem:s2], [sflag:$0x1] =	stream.linear.gather [hbm4b:s4+s2], $0x8000, $0x38;
	[tilespmem:$0x18000] =	vst v63  }
0x15: {  	s18 =	simm.s32 $0x0  }
0x16: {  	s19 =	sand.u32 $0xC00, s2;
	s20 =	simm.s32 $0x0;
	s18 =	sand.u32 $0x7000, s18  }
0x17: {  	[tilespmem:s10], [sflag:$0x1] =	stream.linear.gather [hbm4b:s5+s2], $0x2000, $0x38;
	[tilespmem:$0x18000] =	vst v63  }
0x18: {  	s20 =	sand.u32 $0x380, s20;
	s18 =	sor.u32 s19, s18  }
0x19: {  	s19 =	sor.u32 s20, s18  }
0x1a: {  	[tilespmem:s13], [sflag:$0x1] =	stream.strided.gather [hbm4b:s6+s11], $0x4000, s12, s11, $0x38;
	[tilespmem:$0x18000] =	vst v63  }
0x1b: {  	[tilespmem:s19+$0xA070] =	vst v0  }
0x1c: {  	[tilespmem:s19+$0xA000] =	vst v0  }
0x1d: {  	s21 =	simm.s32 $0x0;
	s20 =	simm.s32 $0x0;
	s18 =	simm.s32 $0x12080;
	[tilespmem:s19+$0xA010] =	vst v0  }
.LBB2_2:
0x1e: {  	s20 =	sadd.s32 $0x8, s20;
	[tilespmem:s19+$0xA020] =	vst v0  }
0x1f: {  	s21 =	sadd.s32 $0x400, s21;
	s22 =	sshll.u32 s20, $0x4;
	p0 =	slt.u32 s20, $0x7F8;
	[tilespmem:s19+$0xA030] =	vst v0  }
0x20: {  	s23 =	sand.u32 $0xC00, s21;
	s24 =	sshll.u32 s20, $0x2;
	s22 =	sand.u32 $0x7000, s22;
	[tilespmem:s19+$0xA040] =	vst v0  }
.Ltmp0:
0x21: {  	s24 =	sand.u32 $0x380, s24;
	s22 =	sor.u32 s23, s22;
	[tilespmem:s19+$0xA050] =	vst v0;
	(pc) =	sbr.rel @p0 .LBB2_2-.Ltmp0, $4  }
0x22: {  	[tilespmem:s19+$0xA060] =	vst v0;
	s19 =	sor.u32 s24, s22  }
0x23: {  	[tilespmem:s19+$0xA070] =	vst v0  }
0x24: {  	[tilespmem:s19+$0xA000] =	vst v0  }
0x25: {  	[tilespmem:s19+$0xA010] =	vst v0  }
0x26: {  	[tilespmem:s19+$0xA020] =	vst v0  }
0x27: {  	[tilespmem:s19+$0xA030] =	vst v0  }
0x28: {  	[tilespmem:s19+$0xA040] =	vst v0  }
0x29: {  	[tilespmem:s19+$0xA050] =	vst v0  }
0x2a: {  	[tilespmem:s19+$0xA060] =	vst v0  }
0x2b: {  	[tilespmem:s18+$0xFFFFFF80] =	vst v0  }
0x2c: {  	[tilespmem:s18+$0x30] =	vst v0  }
0x2d: {  	[tilespmem:s18+$0x20] =	vst v0  }
0x2e: {  	[tilespmem:s18+$0x10] =	vst v0  }
0x2f: {  	[tilespmem:s18+$0x0] =	vst v0  }
0x30: {  	[tilespmem:s18+$0xFFFFFFB0] =	vst v0  }
0x31: {  	s19 =	simm.s32 $0x0;
	[tilespmem:s18+$0xFFFFFFA0] =	vst v0  }
.LBB2_4:
0x32: {  	s19 =	sadd.s32 $0x8, s19;
	[tilespmem:s18+$0xFFFFFF90] =	vst v0;
	s18 =	sadd.s32 $0x100, s18  }
0x33: {  	[tilespmem:s18+$0xFFFFFF80] =	vst v0;
	p0 =	slt.u32 s19, $0xF8  }
0x34: {  	[tilespmem:s18+$0x30] =	vst v0  }
.Ltmp1:
0x35: {  	[tilespmem:s18+$0x20] =	vst v0;
	(pc) =	sbr.rel @p0 .LBB2_4-.Ltmp1, $4  }
0x36: {  	[tilespmem:s18+$0x10] =	vst v0  }
0x37: {  	[tilespmem:s18+$0x0] =	vst v0  }
0x38: {  	[tilespmem:s18+$0xFFFFFFB0] =	vst v0  }
0x39: {  	[tilespmem:s18+$0xFFFFFFA0] =	vst v0  }
0x3a: {  	[tilespmem:s18+$0xFFFFFF90] =	vst v0  }
0x3b: {  	_ =	swait.ge [sflag:s3], $0x8000  }
0x3c: {  	[sflag:s3] =	ssyncset.done $0x0  }
0x3d: {  	[sflag:s3] =	ssyncadd.s32 $0xFFFF8000  }
0x3e: {  	_ =	swait.ge [sflag:s3], $0x2000  }
0x3f: {  	[sflag:s3] =	ssyncset.done $0x0  }
0x40: {  	[sflag:s3] =	ssyncadd.s32 $0xFFFFE000  }
0x41: {  	_ =	swait.ge [sflag:s3], $0x4000  }
0x42: {  	[sflag:s3] =	ssyncset.done $0x0  }
0x43: {  	s30 =	simm.s32 $0x14040;
	[sflag:s3] =	ssyncadd.s32 $0xFFFFC000  }
0x44: {  	v2 =	vld [tilespmem:s30+$0x30]  }
0x45: {  	v4 =	vld [tilespmem:s30+$0xFFFFFFD0]  }
0x46: {  	v8 =	vld [tilespmem:s30+$0xFFFFFFC0]  }
0x47: {  	v10 =	vld [tilespmem:s30+$0xFFFFFFE0]  }
0x48: {  	v12 =	vld [tilespmem:s30+$0xFFFFFFF0]  }
0x49: {  	v49 =	vld [tilespmem:s30+$0x20];
	v3 =	vshra.s32 v2, $0xF;
	v5 =	vand.u32 $0x3F, v2;
	v7 =	vshrl.u32 v2, $0x6  }
0x4a: {  	v2 =	vshrl.u32 v2, $0x3;
	v63 =	vshra.s32 v4, $0xF;
	v48 =	vshrl.u32 v4, $0x6  }
0x4b: {  	v50 =	vshra.s32 v8, $0xF;
	v51 =	vshrl.u32 v8, $0x6;
	v13 =	vshrl.u32 v8, $0x3  }
0x4c: {  	v14 =	vshrl.u32 v4, $0x3;
	v15 =	vshra.s32 v10, $0xF;
	v18 =	vshrl.u32 v10, $0x6  }
0x4d: {  	v19 =	vshrl.u32 v10, $0x3;
	v20 =	vshra.s32 v12, $0xF;
	v21 =	vshrl.u32 v12, $0x6  }
0x4e: {  	v22 =	vshrl.u32 v12, $0x3;
	v30 =	vshra.s32 v49, $0xF;
	v32 =	vshrl.u32 v49, $0x6  }
0x4f: {  	v33 =	vshrl.u32 v49, $0x3;
	v10 =	vand.u32 $0x3F, v10;
	v12 =	vand.u32 $0x3F, v12  }
0x50: {  	v41 =	vand.u32 $0x3F, v49;
	v6 =	vsub.s32 v3, v54;
	v9 =	vand.u32 $0x3F, v3  }
0x51: {  	v7 =	vand.u32 $0x7F, v7;
	v11 =	vshll.u32 v3, $0x9;
	v2 =	vand.u32 $0xC00, v2  }
0x52: {  	v3 =	vshll.u32 v3, $0x7;
	v13 =	vand.u32 $0xC00, v13;
	v34 =	vshll.u32 v50, $0x7  }
0x53: {  	v14 =	vand.u32 $0xC00, v14;
	v52 =	vshll.u32 v63, $0x7;
	v36 =	vand.u32 $0x7F, v18  }
0x54: {  	v19 =	vand.u32 $0xC00, v19;
	v37 =	vshll.u32 v15, $0x7;
	v21 =	vand.u32 $0x7F, v21  }
0x55: {  	v22 =	vand.u32 $0xC00, v22;
	v35 =	vshll.u32 v20, $0x7;
	v32 =	vand.u32 $0x7F, v32  }
0x56: {  	v33 =	vand.u32 $0xC00, v33;
	v39 =	vshll.u32 v30, $0x7;
	v55 =	vand.u32 $0x3F, v63  }
0x57: {  	v56 =	vshll.u32 v63, $0x9;
	v57 =	vand.u32 $0x3F, v15;
	v58 =	vshll.u32 v15, $0x9  }
0x58: {  	v59 =	vand.u32 $0x3F, v20;
	v40 =	vshll.u32 v20, $0x9;
	v45 =	vand.u32 $0x3F, v30  }
0x59: {  	v46 =	vshll.u32 v30, $0x9;
	v20 =	vsub.s32 v20, v54;
	vm6 =	vlt.u32 v6, $0x40  }
0x5a: {  	v3 =	vand.u32 $0x380, v3;
	v2 =	vor.u32 v2, v7;
	v61 =	vshll.u32 v9, $0x7  }
0x5b: {  	v62 =	vand.u32 $0x7000, v11;
	v9 =	vand.u32 $0x7F, v51;
	v7 =	vand.u32 $0x7F, v48  }
0x5c: {  	v34 =	vand.u32 $0x380, v34;
	v19 =	vor.u32 v19, v36;
	v53 =	vand.u32 $0x380, v35  }
0x5d: {  	v21 =	vor.u32 v22, v21;
	v32 =	vor.u32 v33, v32;
	v60 =	vand.u32 $0x7000, v56  }
0x5e: {  	v33 =	vshll.u32 v59, $0x7;
	v35 =	vsub.s32 v30, v54;
	v30 =	vand.u32 $0x7000, v46  }
0x5f: {  	vm3 =	vlt.u32 v20, $0x40;
	v2 =	vor.u32 v3, v2;
	v16 =	vor.u32 v5, v61  }
0x60: {  	v9 =	vor.u32 v13, v9;
	v13 =	vand.u32 $0x380, v52;
	v7 =	vor.u32 v14, v7  }
0x61: {  	v6 =	vld [tilespmem:s30+$0x0];
	v14 =	vand.u32 $0x380, v37;
	v61 =	vand.u32 $0x7000, v40;
	v40 =	vand.u32 $0x3F, v4  }
0x62: {  	v3 =	vld [tilespmem:s30+$0x10];
	v4 =	vshll.u32 v45, $0x7;
	v56 =	vor.u32 v12, v33;
	vm11 =	vlt.u32 v35, $0x40  }
0x63: {  	v17 =	vor.u32 v62, v2;
	v9 =	vor.u32 v34, v9;
	v7 =	vor.u32 v13, v7  }
0x64: {  	v13 =	vor.u32 v14, v19;
	v14 =	vor.u32 v53, v21;
	v2 =	vsub.s32 v50, v54  }
0x65: {  	vm12 =	vmmov vm11;
	v5 =	vor.u32 v60, v7;
	vm0 =	vlt.u32 v2, $0x40  }
0x66: {  	s31 =	simm.s32 $0x140C0;
	vm10 =	vmmov vm0;
	v23 =	vshra.s32 v6, $0xF;
	v24 =	vshrl.u32 v6, $0x6  }
0x67: {  	v34 =	vld [tilespmem:s31+$0x10];
	v25 =	vshrl.u32 v6, $0x3;
	v26 =	vshra.s32 v3, $0xF;
	v28 =	vshrl.u32 v3, $0x6  }
0x68: {  	v27 =	vld.idx.msk [tilespmem:v16+s10+$0x0], vm6;
	v29 =	vshrl.u32 v3, $0x3;
	v24 =	vand.u32 $0x7F, v24;
	v25 =	vand.u32 $0xC00, v25  }
0x69: {  	v38 =	vand.u32 $0x3F, v23;
	v42 =	vshll.u32 v23, $0x9;
	v31 =	vld.idx.msk [tilespmem:v17+s2+$0x0], vm6;
	v28 =	vand.u32 $0x7F, v28  }
0x6a: {  	v29 =	vand.u32 $0xC00, v29;
	v24 =	vor.u32 v25, v24;
	v43 =	vand.u32 $0x3F, v26  }
0x6b: {  	v44 =	vshll.u32 v26, $0x9;
	v62 =	vand.u32 $0x7000, v42;
	v0 =	vshll.u32 v38, $0x7  }
0x6c: {  	v42 =	vand.u32 $0x3F, v6;
	v59 =	vshrl.u32 v34, $0x6;
	v60 =	vshrl.u32 v34, $0x3  }
0x6d: {  	v38 =	vand.u32 $0x3F, v3;
	v45 =	vand.u32 $0x7F, v59;
	v46 =	vand.u32 $0xC00, v60  }
0x6e: {  	v37 =	vshll.u32 v43, $0x7;
	v45 =	vor.u32 v46, v45;
	v18 =	vmul.f32 v27, v31  }
0x6f: {  	v27 =	vshll.u32 v23, $0x7;
	v31 =	vshll.u32 v26, $0x7;
	v23 =	vsub.s32 v23, v54  }
0x70: {  	v26 =	vsub.s32 v26, v54;
	v22 =	vand.u32 $0x380, v27;
	v25 =	vand.u32 $0x380, v31  }
0x71: {  	v27 =	vor.u32 v29, v28;
	v28 =	vand.u32 $0x380, v39;
	v29 =	vand.u32 $0x3F, v50  }
0x72: {  	v31 =	vshll.u32 v50, $0x9;
	v39 =	vand.u32 $0x3F, v8;
	vm7 =	vlt.u32 v23, $0x40  }
0x73: {  	vm9 =	vlt.u32 v26, $0x40;
	v19 =	vor.u32 v22, v24;
	v21 =	vor.u32 v25, v27  }
0x74: {  	v22 =	vand.u32 $0x7000, v31;
	v24 =	vor.u32 v28, v32;
	v25 =	vshll.u32 v29, $0x7  }
0x75: {  	v27 =	vsub.s32 v63, v54;
	v28 =	vshll.u32 v55, $0x7;
	v29 =	vsub.s32 v15, v54  }
0x76: {  	v15 =	vand.u32 $0x7000, v58;
	v31 =	vshll.u32 v57, $0x7;
	v63 =	vand.u32 $0x7000, v44  }
0x77: {  	v26 =	vld [tilespmem:s31+$0xFFFFFFC0];
	v57 =	vor.u32 v61, v14;
	v61 =	vor.u32 v38, v37;
	v58 =	vor.u32 v41, v4  }
0x78: {  	vm0 =	vmmov vm7;
	v44 =	vshra.s32 v34, $0xF;
	[tilespmem:v17+s14+$0x0] =	vst.idx.add.f32.msk vm6, v18;
	v34 =	vand.u32 $0x3F, v34  }
0x79: {  	v23 =	vld [tilespmem:s31+$0x20];
	v6 =	vor.u32 v22, v9;
	v1 =	vor.u32 v15, v13;
	v55 =	vor.u32 v62, v19  }
0x7a: {  	v13 =	vld [tilespmem:s31+$0x30];
	v50 =	vor.u32 v63, v21;
	v62 =	vor.u32 v30, v24;
	v9 =	vor.u32 v39, v25  }
0x7b: {  	vm1 =	vlt.u32 v27, $0x40;
	v8 =	vor.u32 v40, v28;
	vm2 =	vlt.u32 v29, $0x40;
	v27 =	vld [tilespmem:s31+$0xFFFFFFD0]  }
0x7c: {  	v7 =	vor.u32 v10, v31;
	[tilespmem:v16+s15+$0x0] =	vst.idx.add.f32.msk vm6, v18;
	v16 =	vshll.u32 v44, $0x9;
	vm4 =	vmmov vm1  }
0x7d: {  	v30 =	vld [tilespmem:s31+$0xFFFFFFE0];
	vm5 =	vmmov vm2;
	vm2 =	vmmov vm3;
	vm1 =	vmmov vm9  }
0x7e: {  	v22 =	vld [tilespmem:s31+$0xFFFFFFF0];
	v16 =	vand.u32 $0x7000, v16;
	vm3 =	vmmov vm1;
	v24 =	vshrl.u32 v26, $0x3  }
0x7f: {  	v25 =	vld [tilespmem:s31+$0x0];
	v31 =	vshra.s32 v26, $0xF;
	v47 =	vshra.s32 v23, $0xF;
	v24 =	vand.u32 $0xC00, v24  }
0x80: {  	v59 =	vshll.u32 v31, $0x9;
	v63 =	vshra.s32 v13, $0xF;
	v12 =	vand.u32 $0x3F, v13  }
0x81: {  	v19 =	vshrl.u32 v13, $0x6;
	v13 =	vshrl.u32 v13, $0x3;
	v29 =	vshra.s32 v27, $0xF  }
0x82: {  	v10 =	vshrl.u32 v27, $0x3;
	v11 =	vshrl.u32 v30, $0x6;
	v48 =	vshrl.u32 v30, $0x3  }
0x83: {  	v3 =	vshra.s32 v22, $0xF;
	v49 =	vshrl.u32 v22, $0x6;
	v51 =	vshrl.u32 v22, $0x3  }
0x84: {  	v4 =	vshra.s32 v25, $0xF;
	v52 =	vshrl.u32 v25, $0x6;
	v53 =	vshrl.u32 v25, $0x3  }
0x85: {  	v22 =	vand.u32 $0x3F, v22;
	v25 =	vand.u32 $0x3F, v25;
	v14 =	vsub.s32 v63, v54  }
0x86: {  	v20 =	vand.u32 $0x3F, v63;
	v19 =	vand.u32 $0x7F, v19;
	v21 =	vshll.u32 v63, $0x9  }
0x87: {  	v13 =	vand.u32 $0xC00, v13;
	v2 =	vshll.u32 v63, $0x7;
	v63 =	vor.u32 v42, v0  }
0x88: {  	v0 =	vshra.s32 v30, $0xF;
	v33 =	vand.u32 $0xC00, v10;
	v36 =	vand.u32 $0x7F, v11  }
0x89: {  	v37 =	vand.u32 $0xC00, v48;
	v10 =	vshll.u32 v31, $0x7;
	v11 =	vshll.u32 v29, $0x7  }
0x8a: {  	v39 =	vand.u32 $0x7F, v49;
	v40 =	vand.u32 $0xC00, v51;
	v42 =	vand.u32 $0x7F, v52  }
0x8b: {  	v43 =	vand.u32 $0xC00, v53;
	v49 =	vshll.u32 v3, $0x7;
	v51 =	vshll.u32 v4, $0x7  }
0x8c: {  	v52 =	vshll.u32 v47, $0x7;
	v53 =	vand.u32 $0x3F, v31;
	vm8 =	vlt.u32 v14, $0x40  }
0x8d: {  	v2 =	vand.u32 $0x380, v2;
	v13 =	vor.u32 v13, v19;
	v14 =	vshll.u32 v20, $0x7  }
0x8e: {  	v19 =	vand.u32 $0x7000, v21;
	v2 =	vor.u32 v2, v13;
	v28 =	vor.u32 v12, v14  }
0x8f: {  	v60 =	vand.u32 $0x3F, v29;
	v17 =	vshll.u32 v4, $0x9;
	v2 =	vor.u32 v19, v2  }
0x90: {  	v30 =	vand.u32 $0x3F, v30;
	v21 =	vshrl.u32 v26, $0x6;
	v36 =	vor.u32 v37, v36  }
0x91: {  	v39 =	vor.u32 v40, v39;
	v48 =	vshll.u32 v0, $0x7;
	v42 =	vor.u32 v43, v42  }
0x92: {  	v37 =	vand.u32 $0x380, v11;
	v43 =	vand.u32 $0x380, v49;
	v46 =	vand.u32 $0x380, v51  }
0x93: {  	v11 =	vand.u32 $0x3F, v3;
	v17 =	vand.u32 $0x7000, v17;
	v51 =	vshll.u32 v47, $0x9;
	v20 =	vld.idx.msk [tilespmem:v28+s10+$0x0], vm8  }
0x94: {  	v26 =	vand.u32 $0x3F, v26;
	v21 =	vand.u32 $0x7F, v21;
	v40 =	vand.u32 $0x380, v48;
	v32 =	vld.idx.msk [tilespmem:v2+s2+$0x0], vm8  }
0x95: {  	v39 =	vor.u32 v43, v39;
	v42 =	vor.u32 v46, v42;
	v48 =	vand.u32 $0x3F, v0  }
0x96: {  	v46 =	vsub.s32 v4, v54;
	v19 =	vshrl.u32 v27, $0x6;
	v21 =	vor.u32 v24, v21  }
0x97: {  	v24 =	vshrl.u32 v23, $0x3;
	v36 =	vor.u32 v40, v36;
	v49 =	vor.u32 v17, v42  }
0x98: {  	v27 =	vand.u32 $0x3F, v27;
	vm15 =	vlt.u32 v46, $0x40;
	v19 =	vand.u32 $0x7F, v19  }
0x99: {  	v24 =	vand.u32 $0xC00, v24;
	v32 =	vmul.f32 v20, v32;
	v20 =	vshrl.u32 v23, $0x6  }
0x9a: {  	v19 =	vor.u32 v33, v19;
	v33 =	vand.u32 $0x380, v10;
	v20 =	vand.u32 $0x7F, v20  }
0x9b: {  	v10 =	vshll.u32 v29, $0x9;
	v20 =	vor.u32 v24, v20;
	v24 =	vshll.u32 v44, $0x7  }
0x9c: {  	v21 =	vor.u32 v33, v21;
	v33 =	vand.u32 $0x380, v52;
	v24 =	vand.u32 $0x380, v24  }
0x9d: {  	v19 =	vor.u32 v37, v19;
	v45 =	vor.u32 v24, v45;
	v24 =	vand.u32 $0x7000, v59  }
0x9e: {  	v52 =	vand.u32 $0x3F, v4;
	[tilespmem:v2+s14+$0x0] =	vst.idx.add.f32.msk vm8, v32;
	v24 =	vor.u32 v24, v21;
	v21 =	vand.u32 $0x7000, v10  }
0x9f: {  	v23 =	vand.u32 $0x3F, v23;
	[tilespmem:v28+s15+$0x0] =	vst.idx.add.f32.msk vm8, v32;
	v21 =	vor.u32 v21, v19;
	v19 =	vshll.u32 v3, $0x9  }
0xa0: {  	v2 =	vand.u32 $0x7000, v51;
	v33 =	vor.u32 v33, v20;
	[tilespmem:$0x1FF80] =	vst v6;
	v19 =	vand.u32 $0x7000, v19  }
0xa1: {  	v51 =	vand.u32 $0x3F, v47;
	v28 =	vsub.s32 v31, v54;
	v19 =	vor.u32 v19, v39;
	v39 =	vld.idx.msk [tilespmem:v6+s2+$0x0], vm10;
	[tilespmem:$0x1FF90] =	vst v5  }
0xa2: {  	v20 =	vshll.u32 v0, $0x9;
	v17 =	vor.u32 v16, v45;
	v16 =	vor.u32 v2, v33;
	v2 =	vld.idx.msk [tilespmem:v5+s2+$0x0], vm4;
	[tilespmem:$0x1FFA0] =	vst v1  }
0xa3: {  	v31 =	vshll.u32 v53, $0x7;
	v53 =	vsub.s32 v29, v54;
	v0 =	vsub.s32 v0, v54;
	v45 =	vld.idx.msk [tilespmem:v1+s2+$0x0], vm5  }
0xa4: {  	v20 =	vand.u32 $0x7000, v20;
	vm8 =	vlt.u32 v28, $0x40;
	v59 =	vshll.u32 v60, $0x7;
	v15 =	vld.idx.msk [tilespmem:v57+s2+$0x0], vm2  }
0xa5: {  	v29 =	vor.u32 v26, v31;
	v31 =	vshll.u32 v48, $0x7;
	vm9 =	vlt.u32 v53, $0x40;
	v26 =	vld.idx.msk [tilespmem:v55+s2+$0x0], vm0  }
0xa6: {  	vm11 =	vlt.u32 v0, $0x40;
	v53 =	vsub.s32 v47, v54;
	v20 =	vor.u32 v20, v36;
	v18 =	vld.idx.msk [tilespmem:v50+s2+$0x0], vm1;
	[tilespmem:$0x1FFB0] =	vst v9  }
0xa7: {  	v60 =	vand.u32 $0x3F, v44;
	v32 =	vor.u32 v27, v59;
	v30 =	vor.u32 v30, v31;
	v10 =	vld.idx.msk [tilespmem:v9+s10+$0x0], vm10;
	[tilespmem:$0x1FFC0] =	vst v8  }
0xa8: {  	v31 =	vshll.u32 v11, $0x7;
	v36 =	vshll.u32 v52, $0x7;
	v0 =	vshll.u32 v60, $0x7;
	v11 =	vld.idx.msk [tilespmem:v8+s10+$0x0], vm4;
	[tilespmem:$0x1FFD0] =	vst v7  }
0xa9: {  	v52 =	vimm.s32 $0x0;
	v31 =	vor.u32 v22, v31;
	v22 =	vsub.s32 v44, v54;
	v48 =	vld.idx.msk [tilespmem:v7+s10+$0x0], vm5  }
0xaa: {  	vm7 =	vlt.u32 v22, $0x40;
	v22 =	vor.u32 v34, v0;
	v0 =	vsel vm0, $0xFFFFFFFF, v52;
	v27 =	vld.idx.msk [tilespmem:v62+s2+$0x0], vm12  }
0xab: {  	v59 =	vshll.u32 v51, $0x7;
	v60 =	vimm.s32 $0x0;
	v25 =	vor.u32 v25, v36;
	v37 =	vld.idx.msk [tilespmem:v56+s10+$0x0], vm2;
	[tilespmem:$0x1FFE0] =	vst v0  }
0xac: {  	v23 =	vor.u32 v23, v59;
	v6 =	vsub.s32 v3, v54;
	v0 =	vsel vm12, $0xFFFFFFFF, v60;
	v40 =	vld.idx.msk [tilespmem:v63+s10+$0x0], vm0  }
0xad: {  	vm14 =	vlt.u32 v6, $0x40;
	vm0 =	vlt.u32 v53, $0x40;
	v42 =	vld.idx.msk [tilespmem:v61+s10+$0x0], vm1;
	[tilespmem:$0x1FFF0] =	vst v0;
	v53 =	vmul.f32 v10, v39  }
0xae: {  	s18 =	simm.s32 $0x8;
	s19 =	simm.s32 $0x14140;
	v44 =	vld.idx.msk [tilespmem:v58+s10+$0x0], vm12;
	vm12 =	vmmov vm10;
	v52 =	vmul.f32 v11, v2;
	v48 =	vmul.f32 v48, v45  }
.LBB2_6:
0xaf: {  	v2 =	vld [tilespmem:s19+$0x30]  }
0xb0: {  	[tilespmem:$0x1FE70] =	vst v63;
	v63 =	vld [tilespmem:$0x1FFE0];
	_ =	sdelay $0x1  }
0xb1: {  	vm13 =	vmmov vm4;
	vm6 =	vmmov vm9  }
0xb2: {  	vm1 =	vmmov vm11;
	vm11 =	vmmov vm2;
	vm4 =	vmmov vm14  }
0xb3: {  	[tilespmem:$0x1FE80] =	vst v50;
	v4 =	vimm.s32 $0x0;
	v50 =	vmul.f32 v40, v26;
	v0 =	vmul.f32 v44, v27  }
0xb4: {  	vm2 =	vnez.u8 v63;
	v26 =	vshra.s32 v2, $0xF;
	v27 =	vand.u32 $0x3F, v2  }
0xb5: {  	v33 =	vshrl.u32 v2, $0x6;
	vm9 =	vmmov vm2;
	vm2 =	vmmov vm3  }
0xb6: {  	v2 =	vshrl.u32 v2, $0x3;
	[tilespmem:$0x1FEC0] =	vst v0;
	v0 =	vsel vm2, $0xFFFFFFFF, v4;
	vm2 =	vmmov vm7  }
0xb7: {  	v28 =	vsub.s32 v26, v54;
	v6 =	vand.u32 $0x3F, v26;
	v33 =	vand.u32 $0x7F, v33  }
0xb8: {  	v34 =	vld [tilespmem:s19+$0xFFFFFFD0];
	v7 =	vshll.u32 v26, $0x9;
	v2 =	vand.u32 $0xC00, v2;
	v26 =	vshll.u32 v26, $0x7  }
0xb9: {  	v36 =	vld [tilespmem:s19+$0xFFFFFFE0];
	v26 =	vand.u32 $0x380, v26;
	v2 =	vor.u32 v2, v33  }
0xba: {  	v39 =	vld [tilespmem:s19+$0xFFFFFFF0];
	vm14 =	vlt.u32 v28, $0x40;
	v10 =	vand.u32 $0x7000, v7;
	v2 =	vor.u32 v26, v2  }
0xbb: {  	v43 =	vld [tilespmem:s19+$0x0];
	v28 =	vshll.u32 v6, $0x7;
	v4 =	vor.u32 v10, v2  }
0xbc: {  	vm10 =	vmmov vm8;
	v3 =	vor.u32 v27, v28;
	v10 =	vld.idx.msk [tilespmem:v17+s2+$0x0], vm2  }
0xbd: {  	v33 =	vld.idx.msk [tilespmem:v19+s2+$0x0], vm4  }
0xbe: {  	v51 =	vld [tilespmem:s19+$0xFFFFFFC0]  }
0xbf: {  	v11 =	vld.idx.msk [tilespmem:v20+s2+$0x0], vm1  }
0xc0: {  	v13 =	vld.idx.msk [tilespmem:v4+s2+$0x0], vm14  }
0xc1: {  	vm8 =	vmmov vm5;
	vm5 =	vmmov vm15;
	vm15 =	vmmov vm0;
	[tilespmem:$0x1FEA0] =	vst v10;
	v10 =	vld.idx.msk [tilespmem:v3+s10+$0x0], vm14  }
0xc2: {  	[tilespmem:$0x1FEF0] =	vst v33;
	v33 =	vld.idx.msk [tilespmem:v29+s10+$0x0], vm10  }
0xc3: {  	v5 =	vld [tilespmem:$0x1FFF0]  }
0xc4: {  	[tilespmem:$0x1FEE0] =	vst v58;
	v45 =	vld [tilespmem:s19+$0x10];
	v35 =	vshrl.u32 v51, $0x6;
	v38 =	vshrl.u32 v51, $0x3  }
0xc5: {  	v47 =	vld [tilespmem:s19+$0x20];
	[tilespmem:$0x1FE90] =	vst v0;
	v0 =	vand.u32 $0x7F, v35;
	v35 =	vand.u32 $0xC00, v38  }
0xc6: {  	v58 =	vshra.s32 v34, $0xF;
	v0 =	vor.u32 v35, v0;
	v35 =	vld [tilespmem:$0x1FF80];
	[tilespmem:$0x1FF60] =	vst v11;
	v10 =	vmul.f32 v10, v13  }
0xc7: {  	v11 =	vld.idx.msk [tilespmem:v16+s2+$0x0], vm15;
	[tilespmem:$0x1FF30] =	vst v33;
	v33 =	vmov v16;
	v16 =	vmov v54;
	v54 =	vshll.u32 v58, $0x7  }
0xc8: {  	[tilespmem:v4+s14+$0x0] =	vst.idx.add.f32.msk vm14, v10  }
0xc9: {  	[tilespmem:v3+s15+$0x0] =	vst.idx.add.f32.msk vm14, v10  }
0xca: {  	v3 =	vand.u32 $0x380, v54;
	v54 =	vmov v16;
	v16 =	vld [tilespmem:$0x1FFB0]  }
0xcb: {  	[tilespmem:$0x1FE60] =	vst v56;
	v56 =	vmul.f32 v37, v15;
	v9 =	vld.idx.msk [tilespmem:v21+s2+$0x0], vm6  }
0xcc: {  	v46 =	vmul.f32 v42, v18;
	v42 =	vimm.s32 $0x0;
	v37 =	vshrl.u32 v34, $0x6  }
0xcd: {  	[tilespmem:$0x1FED0] =	vst v62;
	v44 =	vshrl.u32 v34, $0x3;
	v63 =	vshra.s32 v36, $0xF;
	v62 =	vshra.s32 v39, $0xF  }
0xce: {  	[tilespmem:$0x1FEB0] =	vst v61;
	v61 =	vshra.s32 v43, $0xF;
	v59 =	vshra.s32 v45, $0xF;
	v12 =	vshrl.u32 v45, $0x6;
	v8 =	vld.idx.msk [tilespmem:v24+s2+$0x0], vm10  }
0xcf: {  	v14 =	vshrl.u32 v45, $0x3;
	v60 =	vshra.s32 v47, $0xF;
	v15 =	vshrl.u32 v47, $0x6;
	v1 =	vld.idx.msk [tilespmem:v32+s10+$0x0], vm6  }
0xd0: {  	vm3 =	vnez.u8 v5;
	v5 =	vshrl.u32 v36, $0x6;
	v12 =	vand.u32 $0x7F, v12;
	[tilespmem:$0x1FF40] =	vst v9;
	v9 =	vld.idx.msk [tilespmem:v49+s2+$0x0], vm5  }
0xd1: {  	v14 =	vand.u32 $0xC00, v14;
	v15 =	vand.u32 $0x7F, v15;
	v6 =	vshrl.u32 v36, $0x3;
	[tilespmem:v35+s14+$0x0] =	vst.idx.add.f32.msk vm12, v53  }
0xd2: {  	v7 =	vshrl.u32 v39, $0x6;
	v5 =	vand.u32 $0x7F, v5;
	v12 =	vor.u32 v14, v12;
	[tilespmem:v16+s15+$0x0] =	vst.idx.add.f32.msk vm12, v53;
	v16 =	vmovc v24  }
0xd3: {  	v38 =	vshrl.u32 v47, $0x3;
	v26 =	vand.u32 $0xC00, v44;
	v27 =	vsel vm5, $0xFFFFFFFF, v42;
	[tilespmem:$0x1FF80] =	vst v16;
	v16 =	vld [tilespmem:$0x1FFA0]  }
0xd4: {  	v18 =	vld.idx.msk [tilespmem:v30+s10+$0x0], vm1;
	v6 =	vand.u32 $0xC00, v6;
	v7 =	vand.u32 $0x7F, v7;
	v2 =	vshra.s32 v51, $0xF;
	[tilespmem:$0x1FFE0] =	vst v27  }
0xd5: {  	v40 =	vld.idx.msk [tilespmem:v25+s10+$0x0], vm5;
	v27 =	vimm.s32 $0x0;
	v38 =	vand.u32 $0xC00, v38;
	v5 =	vor.u32 v6, v5;
	[tilespmem:$0x1FF20] =	vst v8  }
0xd6: {  	v14 =	vld [tilespmem:$0x1FFC0];
	v41 =	vshll.u32 v2, $0x7;
	v28 =	vmovc v55;
	v55 =	vshll.u32 v63, $0x7;
	v27 =	vsel vm15, $0xFFFFFFFF, v27;
	[tilespmem:$0x1FF50] =	vst v1  }
0xd7: {  	v44 =	vld.idx.msk [tilespmem:v23+s10+$0x0], vm15;
	v15 =	vor.u32 v38, v15;
	v8 =	vshrl.u32 v39, $0x3;
	v1 =	vand.u32 $0x7F, v37;
	[tilespmem:$0x1FF00] =	vst v9  }
0xd8: {  	v37 =	vld.idx.msk [tilespmem:v31+s10+$0x0], vm4;
	v8 =	vand.u32 $0xC00, v8;
	[tilespmem:$0x1FF10] =	vst v11;
	v9 =	vshrl.u32 v43, $0x6;
	v11 =	vshrl.u32 v43, $0x3  }
0xd9: {  	[tilespmem:$0x1FF70] =	vst v18;
	v1 =	vor.u32 v26, v1;
	v42 =	vld.idx.msk [tilespmem:v22+s10+$0x0], vm2;
	v9 =	vand.u32 $0x7F, v9;
	v11 =	vand.u32 $0xC00, v11  }
0xda: {  	v18 =	vmovc v17;
	v17 =	vmovc v57;
	v7 =	vor.u32 v8, v7;
	v35 =	vld [tilespmem:$0x1FF90];
	v9 =	vor.u32 v11, v9;
	v13 =	vshll.u32 v61, $0x7  }
0xdb: {  	v8 =	vand.u32 $0x380, v13;
	v4 =	vand.u32 $0x380, v41;
	v41 =	vshll.u32 v60, $0x7;
	[tilespmem:v16+s14+$0x0] =	vst.idx.add.f32.msk vm8, v48;
	v16 =	vmovc v20  }
0xdc: {  	v10 =	vand.u32 $0x380, v55;
	v13 =	vand.u32 $0x380, v41;
	v1 =	vor.u32 v3, v1;
	[tilespmem:$0x1FFA0] =	vst v16;
	v16 =	vld [tilespmem:$0x1FFD0]  }
0xdd: {  	[tilespmem:$0x1FFF0] =	vst v27;
	v3 =	vor.u32 v10, v5;
	v5 =	vor.u32 v8, v9;
	v8 =	vor.u32 v13, v15;
	v13 =	vld [tilespmem:$0x1FE90]  }
0xde: {  	v27 =	vshll.u32 v59, $0x7;
	v57 =	vshll.u32 v62, $0x7;
	[tilespmem:v28+s14+$0x0] =	vst.idx.add.f32.msk vm9, v50  }
0xdf: {  	v6 =	vand.u32 $0x380, v57;
	v11 =	vand.u32 $0x380, v27;
	[tilespmem:v17+s14+$0x0] =	vst.idx.add.f32.msk vm11, v56  }
0xe0: {  	v0 =	vor.u32 v4, v0;
	v4 =	vor.u32 v6, v7;
	v6 =	vor.u32 v11, v12;
	v12 =	vld [tilespmem:$0x1FE80]  }
0xe1: {  	vm7 =	vmmov vm3;
	v15 =	vld [tilespmem:$0x1FEB0]  }
0xe2: {  	v36 =	vand.u32 $0x3F, v36;
	vm3 =	vmmov vm2;
	[tilespmem:v35+s14+$0x0] =	vst.idx.add.f32.msk vm13, v52;
	vm0 =	vnez.u8 v13  }
0xe3: {  	v38 =	vand.u32 $0x3F, v60;
	vm5 =	vmmov vm1;
	v26 =	vand.u32 $0x3F, v63;
	[tilespmem:v14+s15+$0x0] =	vst.idx.add.f32.msk vm13, v52  }
0xe4: {  	vm2 =	vmmov vm4;
	vm4 =	vmmov vm6;
	v57 =	vmovc v19;
	v19 =	vand.u32 $0x3F, v61;
	[tilespmem:v16+s15+$0x0] =	vst.idx.add.f32.msk vm8, v48;
	v16 =	vmovc v30  }
0xe5: {  	v27 =	vshll.u32 v63, $0x9;
	v35 =	vand.u32 $0x3F, v59;
	v14 =	vmovc v21;
	v21 =	vshll.u32 v2, $0x9;
	[tilespmem:$0x1FFD0] =	vst v16;
	v16 =	vld [tilespmem:$0x1FE60]  }
0xe6: {  	v55 =	vmovc v49;
	v49 =	vld [tilespmem:$0x1FE70];
	v52 =	vand.u32 $0x3F, v34;
	[tilespmem:$0x1FF90] =	vst v14;
	v14 =	vand.u32 $0x3F, v2;
	v2 =	vsub.s32 v2, v54;
	v41 =	vmovc v29  }
0xe7: {  	v7 =	vand.u32 $0x7000, v21;
	v10 =	vsub.s32 v58, v54;
	v21 =	vld [tilespmem:$0x1FEE0];
	v29 =	vand.u32 $0x3F, v62;
	[tilespmem:$0x1FFB0] =	vst v41  }
0xe8: {  	v9 =	vshll.u32 v14, $0x7;
	v41 =	vshll.u32 v60, $0x9;
	v24 =	vshll.u32 v58, $0x9;
	[tilespmem:v12+s14+$0x0] =	vst.idx.add.f32.msk vm0, v46  }
0xe9: {  	[tilespmem:v15+s15+$0x0] =	vst.idx.add.f32.msk vm0, v46;
	v20 =	vand.u32 $0x3F, v58;
	v58 =	vmovc v23;
	v23 =	vshll.u32 v35, $0x7;
	v35 =	vsub.s32 v60, v54  }
0xea: {  	v60 =	vand.u32 $0x3F, v43;
	v43 =	vand.u32 $0x3F, v45;
	v45 =	vand.u32 $0x3F, v47;
	v47 =	vld [tilespmem:$0x1FF20]  }
0xeb: {  	v14 =	vand.u32 $0x7000, v27;
	v27 =	vsub.s32 v61, v54;
	v12 =	vshll.u32 v20, $0x7;
	v20 =	vld [tilespmem:$0x1FEC0];
	v48 =	vmovc v32  }
0xec: {  	vm15 =	vlt.u32 v27, $0x40;
	v13 =	vsub.s32 v63, v54;
	v63 =	vmovc v25;
	v25 =	vsub.s32 v62, v54;
	[tilespmem:$0x1FFC0] =	vst v48;
	v48 =	vld [tilespmem:$0x1FF30]  }
0xed: {  	vm14 =	vlt.u32 v25, $0x40;
	v15 =	vshll.u32 v26, $0x7;
	v26 =	vshll.u32 v29, $0x7;
	[tilespmem:v16+s15+$0x0] =	vst.idx.add.f32.msk vm11, v56  }
0xee: {  	v46 =	vsub.s32 v59, v54;
	v32 =	vshll.u32 v62, $0x9;
	v30 =	vshll.u32 v61, $0x9;
	v16 =	vld [tilespmem:$0x1FED0]  }
0xef: {  	v61 =	vmovc v22;
	v22 =	vshll.u32 v19, $0x7;
	v17 =	vand.u32 $0x7000, v32;
	v32 =	vor.u32 v52, v12;
	v52 =	vld [tilespmem:$0x1FF50]  }
0xf0: {  	v25 =	vor.u32 v60, v22;
	v60 =	vld [tilespmem:$0x1FF70];
	v19 =	vor.u32 v17, v4;
	v56 =	vmovc v31;
	v31 =	vshll.u32 v59, $0x9  }
0xf1: {  	v59 =	vand.u32 $0x3F, v39;
	v29 =	vand.u32 $0x7000, v31;
	v31 =	vand.u32 $0x3F, v51;
	v51 =	vld [tilespmem:$0x1FF40]  }
0xf2: {  	v17 =	vor.u32 v29, v6;
	v29 =	vor.u32 v31, v9;
	v31 =	vor.u32 v59, v26;
	v59 =	vld [tilespmem:$0x1FF60]  }
0xf3: {  	s18 =	sadd.s32 $0x8, s18;
	[tilespmem:v49+s15+$0x0] =	vst.idx.add.f32.msk vm9, v50;
	v53 =	vshll.u32 v38, $0x7;
	vm9 =	vlt.u32 v10, $0x40;
	vm12 =	vmmov vm10  }
0xf4: {  	p0 =	slt.u32 s18, $0x3F8;
	v27 =	vld [tilespmem:$0x1FF10];
	v11 =	vand.u32 $0x7000, v24;
	v24 =	vor.u32 v7, v0;
	vm0 =	vlt.u32 v35, $0x40  }
.Ltmp2:
0xf5: {  	v50 =	vmovc v18;
	v18 =	vld [tilespmem:$0x1FEA0];
	vm8 =	vlt.u32 v2, $0x40;
	v22 =	vor.u32 v43, v23;
	v23 =	vor.u32 v45, v53;
	(pc) =	sbr.rel @p0 .LBB2_6-.Ltmp2, $4  }
0xf6: {  	v53 =	vmul.f32 v48, v47;
	vm11 =	vlt.u32 v13, $0x40;
	v52 =	vmul.f32 v52, v51;
	[tilespmem:v16+s14+$0x0] =	vst.idx.add.f32.msk vm7, v20  }
0xf7: {  	v48 =	vmul.f32 v60, v59;
	v16 =	vand.u32 $0x7000, v30;
	v30 =	vand.u32 $0x7000, v41;
	[tilespmem:v21+s15+$0x0] =	vst.idx.add.f32.msk vm7, v20  }
0xf8: {  	v26 =	vld [tilespmem:$0x1FF00];
	v21 =	vor.u32 v11, v1;
	v20 =	vor.u32 v14, v3;
	v49 =	vor.u32 v16, v5  }
0xf9: {  	s19 =	sadd.s32 $0x80, s19;
	v62 =	vmovc v33;
	v16 =	vor.u32 v30, v8;
	v30 =	vor.u32 v36, v15;
	v15 =	vld [tilespmem:$0x1FEF0];
	vm7 =	vlt.u32 v46, $0x40  }
0xfa: {  	v10 =	vld [tilespmem:$0x1FF80];
	_ =	sdelay $0x7  }
0xfb: {  	[tilespmem:v10+s14+$0x0] =	vst.idx.add.f32.msk vm12, v53  }
0xfc: {  	v11 =	vld [tilespmem:$0x1FFB0];
	_ =	sdelay $0x7  }
0xfd: {  	[tilespmem:v11+s15+$0x0] =	vst.idx.add.f32.msk vm12, v53  }
0xfe: {  	v13 =	vld [tilespmem:$0x1FF90]  }
0xff: {  	vm6 =	vmmov vm9  }
0x100: {  	vm9 =	vmmov vm14;
	vm14 =	vmmov vm0;
	v6 =	vld.idx.msk [tilespmem:v16+s2+$0x0], vm0;
	vm0 =	vmmov vm4;
	_ =	sdelay $0x5  }
0x101: {  	[tilespmem:v13+s14+$0x0] =	vst.idx.add.f32.msk vm0, v52  }
0x102: {  	v14 =	vld [tilespmem:$0x1FFC0];
	_ =	sdelay $0x6  }
0x103: {  	vm13 =	vmmov vm8;
	v13 =	vld [tilespmem:$0x1FFE0]  }
0x104: {  	[tilespmem:v14+s15+$0x0] =	vst.idx.add.f32.msk vm0, v52  }
0x105: {  	vm11 =	vmmov vm11;
	v52 =	vld [tilespmem:$0x1FFA0];
	_ =	sdelay $0x1  }
0x106: {  	v4 =	vld.idx.msk [tilespmem:v49+s2+$0x0], vm15;
	vm10 =	vmmov vm5  }
0x107: {  	v46 =	vld.idx.msk [tilespmem:v25+s10+$0x0], vm15  }
0x108: {  	vm7 =	vmmov vm7;
	v0 =	vld.idx.msk [tilespmem:v24+s2+$0x0], vm13  }
0x109: {  	v1 =	vld.idx.msk [tilespmem:v21+s2+$0x0], vm6  }
0x10a: {  	v2 =	vld.idx.msk [tilespmem:v20+s2+$0x0], vm11  }
0x10b: {  	v3 =	vld.idx.msk [tilespmem:v19+s2+$0x0], vm9  }
0x10c: {  	[tilespmem:v52+s14+$0x0] =	vst.idx.add.f32.msk vm10, v48  }
0x10d: {  	v51 =	vmul.f32 v37, v15;
	v15 =	vld [tilespmem:$0x1FFD0]  }
0x10e: {  	v5 =	vld.idx.msk [tilespmem:v17+s2+$0x0], vm7  }
0x10f: {  	v7 =	vld.idx.msk [tilespmem:v29+s10+$0x0], vm13  }
0x110: {  	v8 =	vld.idx.msk [tilespmem:v32+s10+$0x0], vm6  }
0x111: {  	vm2 =	vmmov vm2;
	v9 =	vld.idx.msk [tilespmem:v30+s10+$0x0], vm11;
	vm12 =	vnez.u8 v13  }
0x112: {  	v45 =	vld.idx.msk [tilespmem:v31+s10+$0x0], vm9;
	vm5 =	vmmov vm12  }
0x113: {  	v12 =	vld.idx.msk [tilespmem:v22+s10+$0x0], vm7  }
0x114: {  	v47 =	vld.idx.msk [tilespmem:v23+s10+$0x0], vm14  }
0x115: {  	[tilespmem:v15+s15+$0x0] =	vst.idx.add.f32.msk vm10, v48  }
0x116: {  	v53 =	vmul.f32 v40, v26;
	v59 =	vld [tilespmem:$0x1FFF0]  }
0x117: {  	v60 =	vmul.f32 v42, v18;
	[tilespmem:v57+s14+$0x0] =	vst.idx.add.f32.msk vm2, v51  }
0x118: {  	vm8 =	vmmov vm15;
	vm15 =	vmmov vm3;
	v0 =	vmul.f32 v7, v0;
	[tilespmem:v55+s14+$0x0] =	vst.idx.add.f32.msk vm5, v53  }
0x119: {  	v1 =	vmul.f32 v8, v1;
	[tilespmem:v50+s14+$0x0] =	vst.idx.add.f32.msk vm3, v60  }
0x11a: {  	[tilespmem:v24+s14+$0x0] =	vst.idx.add.f32.msk vm13, v0  }
0x11b: {  	[tilespmem:v21+s14+$0x0] =	vst.idx.add.f32.msk vm6, v1  }
0x11c: {  	[tilespmem:v56+s15+$0x0] =	vst.idx.add.f32.msk vm2, v51  }
0x11d: {  	[tilespmem:v63+s15+$0x0] =	vst.idx.add.f32.msk vm5, v53  }
0x11e: {  	[tilespmem:v61+s15+$0x0] =	vst.idx.add.f32.msk vm15, v60  }
0x11f: {  	[tilespmem:v29+s15+$0x0] =	vst.idx.add.f32.msk vm13, v0;
	v0 =	vmul.f32 v9, v2  }
0x120: {  	[tilespmem:v32+s15+$0x0] =	vst.idx.add.f32.msk vm6, v1;
	v1 =	vmul.f32 v45, v3  }
0x121: {  	[tilespmem:v20+s14+$0x0] =	vst.idx.add.f32.msk vm11, v0  }
0x122: {  	[tilespmem:v19+s14+$0x0] =	vst.idx.add.f32.msk vm9, v1  }
0x123: {  	[tilespmem:v30+s15+$0x0] =	vst.idx.add.f32.msk vm11, v0;
	v0 =	vmul.f32 v46, v4  }
0x124: {  	[tilespmem:v31+s15+$0x0] =	vst.idx.add.f32.msk vm9, v1;
	v1 =	vmul.f32 v12, v5;
	vm1 =	vnez.u8 v59  }
0x125: {  	vm1 =	vmmov vm1;
	[tilespmem:v49+s14+$0x0] =	vst.idx.add.f32.msk vm8, v0  }
0x126: {  	[tilespmem:v17+s14+$0x0] =	vst.idx.add.f32.msk vm7, v1  }
0x127: {  	[tilespmem:v25+s15+$0x0] =	vst.idx.add.f32.msk vm8, v0;
	v0 =	vmul.f32 v47, v6  }
0x128: {  	[tilespmem:v22+s15+$0x0] =	vst.idx.add.f32.msk vm7, v1  }
0x129: {  	v63 =	vmul.f32 v44, v27;
	[tilespmem:v16+s14+$0x0] =	vst.idx.add.f32.msk vm14, v0  }
0x12a: {  	[tilespmem:v23+s15+$0x0] =	vst.idx.add.f32.msk vm14, v0  }
0x12b: {  	[tilespmem:v62+s14+$0x0] =	vst.idx.add.f32.msk vm1, v63  }
0x12c: {  	[tilespmem:v58+s15+$0x0] =	vst.idx.add.f32.msk vm1, v63  }
0x12d: {  	[hbm4b:s7+s2] =	stream.linear.scatter [tilespmem:s14], [sflag:$0x2], $0x8000, $0x38;
	[tilespmem:$0x18000] =	vst v63  }
0x12e: {  	s17 =	sadd.s32 $0x1, s17;
	_ =	swait.ge [sflag:s16], $0x8000  }
0x12f: {  	p0 =	sne.s32 s17, s9;
	[sflag:s16] =	ssyncset.done $0x0  }
.Ltmp3:
0x130: {  	[sflag:s16] =	ssyncadd.s32 $0xFFFF8000;
	(pc) =	sbr.rel @p0 .LBB2_1-.Ltmp3, $4  }
0x131: {  	[hbm4b:s8+s2] =	stream.linear.scatter [tilespmem:s15], [sflag:$0x2], $0x2000, $0x38;
	[tilespmem:$0x18000] =	vst v63  }
0x132: {  	vm4 =	vmmov vm13;
	vm12 =	vmmov vm11;
	_ =	swait.ge [sflag:s16], $0x2000  }
0x133: {  	vm0 =	vmmov vm14;
	vm10 =	vmmov vm6;
	vm3 =	vmmov vm7;
	[sflag:s16] =	ssyncset.done $0x0  }
0x134: {  	vm15 =	vmmov vm9;
	vm2 =	vmmov vm8;
	v0 =	vimm.f32 $0.0e+00;
	[sflag:s16] =	ssyncadd.s32 $0xFFFFE000  }
0x135: {  	_ =	sfence.sel $0x180000  }
0x136: {  	[bflag:$0x0] =	sbarrier.arrive $0xFFFF  }
0x137: {  	p0 =	sne.s32 s0, $0x0;
	_ =	strace $0x90000047  }
0x138: {  	s0 =	sadd.s32 @!p0 $0x100000, s1;
	[bflag:$0x2] =	sbarrier.arrive $0xFFFF  }
0x139: {  	[sflag:s0] =	ssyncadd.tile.s32 @!p0 $0x1;
	_ =	shalt  }
.Lfunc_end2:
_tile_overlayer_lowered:
.L_overlay_start_2:
0x13a: {  	(tag) =	ssettag $0x2  }
0x13b: {  	s0 =	rddreg [dreg:$0x0];
	s2 =	stileid.u32  }
0x13c: {  	s1 =	rddreg [dreg:$0x1];
	p0 =	sne.s32 s2, $0x0  }
0x13d: {  	s3 =	rddreg [dreg:$0x2];
	[bflag:$0x3] =	sbarrier.arrive $0xFFFF;
	s2 =	simm.s32 @!p0 $0x1C02  }
0x13e: {  	[timem:s3], [sflag:s2] =	dma.local @!p0 [hbm:s0], s1  }
0x13f: {  	s0 =	simm.s32 @!p0 $0x2  }
0x140: {  	_ =	swait.ge @!p0 [sflag:s0], s1  }
0x141: {  	s1 =	ssub.s32 @!p0 $0x0, s1;
	[sflag:s0] =	ssyncset.done @!p0 $0x0  }
0x142: {  	[sflag:s0] =	ssyncadd.s32 @!p0 s1  }
0x143: {  	[bflag:$0x3] =	sbarrier.arrive $0xFFFF  }
0x144: {  	_ =	shalt  }

</sc_bundles>
